<compile_context>
chip_gen: v7x
topology: tpu7x:2x2x1
jax: 0.10.2.dev20260603
libtpu: 0.0.44.dev20260713+nightly
codegen_flags: <defaults>
</compile_context>

<pallas_src>
import functools

import jax
import jax.numpy as jnp
import numpy as np
from jax import lax
from jax.experimental import pallas as pl
from jax.experimental.pallas import tpu as pltpu
from jax.experimental.pallas import tpu_sc as plsc

N_NODES = 10000
D_FEAT = 128
N_EDGES = 320000
NUM_HOPS = 3
SIGMA = 0.1

NC = 2
NS = 16
NW = NC * NS
CHUNK = 128
NBUF = 2
NPHASE = 2
NCHUNK_P = 40
NCHUNK = NPHASE * NCHUNK_P
EDGES_PAD = NW * NCHUNK * CHUNK
PAD = EDGES_PAD - N_EDGES
ACC_ROWS = 10112
STRIPE = ACC_ROWS // NS

_ROW_BLK = 5000


def _sc_hop_body(h_hbm, src_hbm, dst_hbm, zero_hbm, out_hbm,
                 src_v, dst_v, buf0, buf1, acc, sem0, sem1):
    cid = lax.axis_index("c")
    sid = lax.axis_index("s")
    wid = sid * NC + cid
    bufs = (buf0, buf1)
    sems = (sem0, sem1)

    pltpu.sync_copy(zero_hbm.at[wid], buf0)
    base = sid * STRIPE
    for k in range(STRIPE // CHUNK):
        pltpu.sync_copy(buf0, acc.at[pl.ds(base + k * CHUNK, CHUNK)])
    rem = STRIPE % CHUNK
    if rem:
        pltpu.sync_copy(buf0.at[pl.ds(0, rem)],
                        acc.at[pl.ds(base + (STRIPE // CHUNK) * CHUNK, rem)])
    plsc.subcore_barrier()

    for p in range(NPHASE):
        pltpu.sync_copy(src_hbm.at[wid, p], src_v)
        pltpu.sync_copy(dst_hbm.at[wid, p], dst_v)

        for b in range(NBUF):
            pltpu.async_copy(h_hbm.at[src_v.at[b]], bufs[b], sems[b])

        def tri(i, carry):
            j = NBUF * i
            for b in range(NBUF):
                pltpu.make_async_copy(h_hbm.at[src_v.at[j + b]],
                                      bufs[b], sems[b]).wait()
                pltpu.sync_copy(bufs[b], acc.at[dst_v.at[j + b]], add=True)
                pltpu.async_copy(h_hbm.at[src_v.at[j + b + NBUF]],
                                 bufs[b], sems[b])
            return carry

        lax.fori_loop(0, NCHUNK_P // NBUF - 1, tri, 0)
        for b in range(NBUF):
            jl = NCHUNK_P - NBUF + b
            pltpu.make_async_copy(h_hbm.at[src_v.at[jl]],
                                  bufs[b], sems[b]).wait()
            pltpu.sync_copy(bufs[b], acc.at[dst_v.at[jl]], add=True)
    plsc.subcore_barrier()

    out_base = cid * ACC_ROWS + base
    pltpu.sync_copy(acc.at[pl.ds(base, STRIPE)],
                    out_hbm.at[pl.ds(out_base, STRIPE)])


@functools.lru_cache(maxsize=None)
def _make_sc_hop(interpret: bool = False):
    mesh = plsc.VectorSubcoreMesh(core_axis_name="c", subcore_axis_name="s",
                                  num_cores=NC, num_subcores=NS)
    return functools.partial(
        pl.kernel,
        out_type=jax.ShapeDtypeStruct((NC * ACC_ROWS, D_FEAT), jnp.float32),
        mesh=mesh,
        scratch_types=[
            pltpu.VMEM((NCHUNK_P, CHUNK), jnp.int32),
            pltpu.VMEM((NCHUNK_P, CHUNK), jnp.int32),
            pltpu.VMEM((CHUNK, D_FEAT), jnp.float32),
            pltpu.VMEM((CHUNK, D_FEAT), jnp.float32),
            pltpu.VMEM_SHARED((ACC_ROWS, D_FEAT), jnp.float32),
            pltpu.SemaphoreType.DMA,
            pltpu.SemaphoreType.DMA,
        ],
        interpret=interpret,
    )(_sc_hop_body)


def _norm_body(x_ref, o_ref, o4_ref):
    t = x_ref[...]
    ss = jnp.sum(t * t, axis=1, keepdims=True)
    h = t / jnp.maximum(jnp.sqrt(ss), 1e-12)
    o_ref[...] = h
    o4_ref[0] = h


def _finish_body(p_ref, nz_ref, o4in_ref, o_ref, o4_ref):
    del o4in_ref
    t = p_ref[0] + p_ref[1] + nz_ref[...]
    ss = jnp.sum(t * t, axis=1, keepdims=True)
    h = t / jnp.maximum(jnp.sqrt(ss), 1e-12)
    o_ref[...] = h
    o4_ref[0] = h


@functools.lru_cache(maxsize=None)
def _make_tc_kernels(interpret: bool = False):
    grid = (N_NODES // _ROW_BLK,)
    out4_t = jax.ShapeDtypeStruct((NUM_HOPS + 1, N_NODES, D_FEAT), jnp.float32)
    h_t = jax.ShapeDtypeStruct((N_NODES, D_FEAT), jnp.float32)
    norm = pl.pallas_call(
        _norm_body,
        grid=grid,
        in_specs=[pl.BlockSpec((_ROW_BLK, D_FEAT), lambda i: (i, 0))],
        out_specs=[
            pl.BlockSpec((_ROW_BLK, D_FEAT), lambda i: (i, 0)),
            pl.BlockSpec((1, _ROW_BLK, D_FEAT), lambda i: (0, i, 0)),
        ],
        out_shape=[h_t, out4_t],
        interpret=interpret,
    )
    finishes = []
    for k in range(NUM_HOPS):
        slot = k + 1
        finishes.append(pl.pallas_call(
            _finish_body,
            grid=grid,
            in_specs=[
                pl.BlockSpec((NC, _ROW_BLK, D_FEAT), lambda i: (0, i, 0)),
                pl.BlockSpec((_ROW_BLK, D_FEAT), lambda i: (i, 0)),
                pl.BlockSpec(memory_space=pl.ANY),
            ],
            out_specs=[
                pl.BlockSpec((_ROW_BLK, D_FEAT), lambda i: (i, 0)),
                pl.BlockSpec((1, _ROW_BLK, D_FEAT),
                             lambda i, s=slot: (s, i, 0)),
            ],
            out_shape=[h_t, out4_t],
            input_output_aliases={2: 1},
            interpret=interpret,
        ))
    return norm, finishes


def _np_threefry2x32(k1, k2, x0, x1):
    rots = ((13, 15, 26, 6), (17, 29, 16, 24))
    ks = [np.uint32(k1), np.uint32(k2)]
    ks.append(ks[0] ^ ks[1] ^ np.uint32(0x1BD11BDA))
    x = [x0.astype(np.uint32) + ks[0], x1.astype(np.uint32) + ks[1]]
    kk = [ks[1], ks[2], ks[0]]
    rr = [rots[0], rots[1]]
    for i in range(5):
        for r in rr[0]:
            x[0] = x[0] + x[1]
            x[1] = ((x[1] << np.uint32(r)) | (x[1] >> np.uint32(32 - r)))
            x[1] = x[0] ^ x[1]
        x = [x[0] + kk[0], x[1] + kk[1] + np.uint32(i + 1)]
        kk = kk[1:] + kk[:1]
        rr = rr[1:] + rr[:1]
    return x[0], x[1]


def _np_random_bits(key, n):
    iota = np.arange(n, dtype=np.uint64)
    c1 = (iota >> np.uint64(32)).astype(np.uint32)
    c2 = iota.astype(np.uint32)
    b1, b2 = _np_threefry2x32(key[0], key[1], c1, c2)
    return b1 ^ b2


def _np_split(key):
    c1 = np.zeros(2, np.uint32)
    c2 = np.arange(2, dtype=np.uint32)
    b1, b2 = _np_threefry2x32(key[0], key[1], c1, c2)
    return (b1[0], b2[0]), (b1[1], b2[1])


def _np_ndtri(p):
    a = (-3.969683028665376e+01, 2.209460984245205e+02,
         -2.759285104469687e+02, 1.383577518672690e+02,
         -3.066479806614716e+01, 2.506628277459239e+00)
    b = (-5.447609879822406e+01, 1.615858368580409e+02,
         -1.556989798598866e+02, 6.680131188771972e+01,
         -1.328068155288572e+01)
    c = (-7.784894002430293e-03, -3.223964580411365e-01,
         -2.400758277161838e+00, -2.549732539343734e+00,
         4.374664141464968e+00, 2.938163982698783e+00)
    d = (7.784695709041462e-03, 3.224671290700398e-01,
         2.445134137142996e+00, 3.754408661907416e+00)
    p = np.asarray(p, np.float64)
    out = np.empty_like(p)
    plow, phigh = 0.02425, 1 - 0.02425
    lo = p < plow
    hi = p > phigh
    mid = ~(lo | hi)
    q = np.sqrt(-2 * np.log(p[lo]))
    out[lo] = ((((((c[0] * q + c[1]) * q + c[2]) * q + c[3]) * q + c[4]) * q
                + c[5])
               / ((((d[0] * q + d[1]) * q + d[2]) * q + d[3]) * q + 1))
    q = p[mid] - 0.5
    r = q * q
    out[mid] = ((((((a[0] * r + a[1]) * r + a[2]) * r + a[3]) * r + a[4]) * r
                 + a[5]) * q
                / (((((b[0] * r + b[1]) * r + b[2]) * r + b[3]) * r + b[4]) * r
                   + 1))
    q = np.sqrt(-2 * np.log1p(-p[hi]))
    out[hi] = -((((((c[0] * q + c[1]) * q + c[2]) * q + c[3]) * q + c[4]) * q
                 + c[5])
                / ((((d[0] * q + d[1]) * q + d[2]) * q + d[3]) * q + 1))
    return out


def _np_normal(key, n):
    bits = _np_random_bits(key, n)
    float_bits = (bits >> np.uint32(9)) | np.uint32(0x3F800000)
    floats = float_bits.view(np.float32) - np.float32(1.0)
    lo = np.float32(np.nextafter(np.float32(-1.0), np.float32(0.0)))
    hi = np.float32(1.0)
    u = np.maximum(lo, floats * (hi - lo) + lo)
    erfinv = _np_ndtri((u.astype(np.float64) + 1.0) / 2.0) / np.sqrt(2.0)
    return (np.float64(np.sqrt(2.0)) * erfinv).astype(np.float32)


@functools.lru_cache(maxsize=None)
def _noise_const():
    key = (np.uint32(0), np.uint32(42))
    ns = []
    for _ in range(NUM_HOPS):
        key, sub = _np_split(key)
        ns.append(np.float32(SIGMA)
                  * _np_normal(sub, N_NODES * D_FEAT).reshape(N_NODES, D_FEAT))
    return np.stack(ns)


def kernel(x, edge_index):
    src = edge_index[0].astype(jnp.int32)
    dst = edge_index[1].astype(jnp.int32)
    pad_i = jnp.arange(PAD, dtype=jnp.int32)
    src_t = jnp.concatenate([src, pad_i % N_NODES]).reshape(
        NW, NPHASE, NCHUNK_P, CHUNK)
    dst_t = jnp.concatenate(
        [dst, N_NODES + pad_i % (ACC_ROWS - N_NODES)]
    ).reshape(NW, NPHASE, NCHUNK_P, CHUNK)
    zeros = jnp.zeros((NW, CHUNK, D_FEAT), jnp.float32)
    noise = jnp.asarray(_noise_const())

    sc_hop = _make_sc_hop()
    norm, finishes = _make_tc_kernels()

    h, out4 = norm(x)
    for k in range(NUM_HOPS):
        parts = sc_hop(h, src_t, dst_t, zeros)
        h, out4 = finishes[k](parts.reshape(NC, ACC_ROWS, D_FEAT),
                              noise[k], out4)
    return out4

# --- scband reference (transcript-rebuilt; emitter-appended) ---
"""Pipeline reference for scband-pma-24842090840469 (READ-ONLY COPY).

The authoritative reference and input builder live on the scoring server;
editing this copy changes nothing except your own understanding.
"""

import jax, jax.numpy as jnp
import numpy as np

NUM_HOPS = 3
SIGMA = 0.1
N_NODES = 10000
D_FEAT = 128
N_EDGES = 320000


def _l2_normalize(x):
    # matches torch.nn.functional.normalize(x, dim=1) with eps=1e-12
    n = jnp.linalg.norm(x, ord=2, axis=1, keepdims=True)
    return x / jnp.maximum(n, 1e-12)


def setup_inputs(seed: int = 0) -> dict:
    key = jax.random.key(seed)
    kx, ke = jax.random.split(key)
    x = jax.random.normal(kx, (N_NODES, D_FEAT), dtype=jnp.float32)
    edge_index = jax.random.randint(ke, (2, N_EDGES), 0, N_NODES, dtype=jnp.int64)
    return {"x": x, "edge_index": edge_index}


def reference(x, edge_index):
    # PMA forward: A = sparse adjacency from edge_index with 1s; each hop computes
    # A^T @ out[-1] (i.e., scatter-add of src features into dst nodes), adds
    # Gaussian noise with std=sigma, then row-L2-normalizes.
    src = edge_index[0]
    dst = edge_index[1]
    out = [_l2_normalize(x)]
    key = jax.random.key(42)
    for k in range(NUM_HOPS):
        # (A^T @ h)[dst] = sum over edges (src -> dst) of h[src]
        gathered = jnp.take(out[-1], src, axis=0)
        aggr = jax.ops.segment_sum(gathered, dst, num_segments=N_NODES)
        key, sub = jax.random.split(key)
        noised = aggr + SIGMA * jax.random.normal(sub, aggr.shape, dtype=aggr.dtype)
        out.append(_l2_normalize(noised))
    return jnp.stack(out)

if __name__ == "__main__":
    import jax
    _d = setup_inputs()
    print(jax.jit(kernel)(*tuple(_d.values())))

</pallas_src>

<mosaic_0001>
#map = affine_map<(d0, d1) -> (0, 0)>
#map1 = affine_map<(d0, d1) -> (0, 0, 0, 0)>
#map2 = affine_map<(d0, d1) -> (0, 0, 0)>
module attributes {stable_mosaic.version = 14 : i64} {
  func.func @_sc_hop_body(%arg0: i32, %arg1: i32, %arg2: memref<10000x128xf32, #tpu.memory_space<hbm>>, %arg3: memref<32x2x40x128xi32, #tpu.memory_space<hbm>>, %arg4: memref<32x2x40x128xi32, #tpu.memory_space<hbm>>, %arg5: memref<32x128x128xf32, #tpu.memory_space<hbm>>, %arg6: memref<20224x128xf32, #tpu.memory_space<hbm>>, %arg7: memref<40x128xi32, #tpu.memory_space<vmem>>, %arg8: memref<40x128xi32, #tpu.memory_space<vmem>>, %arg9: memref<128x128xf32, #tpu.memory_space<vmem>>, %arg10: memref<128x128xf32, #tpu.memory_space<vmem>>, %arg11: memref<10112x128xf32, #tpu.memory_space<vmem_shared>>, %arg12: memref<!tpu.dma_semaphore, #tpu.memory_space<semaphore_mem>>, %arg13: memref<!tpu.dma_semaphore, #tpu.memory_space<semaphore_mem>>) attributes {dimension_semantics = [#tpu.dimension_semantics<core_parallel>, #tpu.dimension_semantics<subcore_parallel>], iteration_bounds = array<i64: 2, 16>, scalar_prefetch = 0 : i64, scratch_operands = 7 : i64, tpu.core_type = #tpu.core_type<sc_vector_subcore>, window_params = [{transform_indices = #map}, {transform_indices = #map1}, {transform_indices = #map1}, {transform_indices = #map2}, {transform_indices = #map}]} {
    %mul3A = arith.constant 2 : i32
    %mul3A_0 = arith.muli %arg1, %mul3A : i32
    %add3A = arith.addi %mul3A_0, %arg0 : i32
    "tpu.region"() ({
      %run_scoped3A_89 = tpu.sem_alloc : memref<!tpu.dma_semaphore, #tpu.memory_space<semaphore_mem>>
      %dma_start3A_90 = arith.constant 0 : i32
      %dma_start3A_91 = arith.constant 0 : i32
      %dma_start3A_92 = tpu.memref_slice %arg5[%add3A, %dma_start3A_90, %dma_start3A_91] : memref<32x128x128xf32, #tpu.memory_space<hbm>> -> memref<1x128x128xf32, #tpu.memory_space<hbm>>
      %dma_start3A_93 = tpu.memref_squeeze %dma_start3A_92 : memref<1x128x128xf32, #tpu.memory_space<hbm>> -> memref<128x128xf32, #tpu.memory_space<hbm>>
      %dma_start3A_94 = arith.constant 0 : i32
      %dma_start3A_95 = arith.constant 0 : i32
      %dma_start3A_96 = tpu.memref_slice %arg5[%add3A, %dma_start3A_94, %dma_start3A_95] : memref<32x128x128xf32, #tpu.memory_space<hbm>> -> memref<1x128x128xf32, #tpu.memory_space<hbm>>
      %dma_start3A_97 = tpu.memref_squeeze %dma_start3A_96 : memref<1x128x128xf32, #tpu.memory_space<hbm>> -> memref<128x128xf32, #tpu.memory_space<hbm>>
      tpu.enqueue_dma source(%dma_start3A_97 : memref<128x128xf32, #tpu.memory_space<hbm>>) target(%arg9 : memref<128x128xf32, #tpu.memory_space<vmem>>) target_semaphore(%run_scoped3A_89 : memref<!tpu.dma_semaphore, #tpu.memory_space<semaphore_mem>>)
      %dma_wait3A_98 = arith.constant 0 : i32
      %dma_wait3A_99 = arith.constant 0 : i32
      %dma_wait3A_100 = tpu.memref_slice %arg5[%add3A, %dma_wait3A_98, %dma_wait3A_99] : memref<32x128x128xf32, #tpu.memory_space<hbm>> -> memref<1x128x128xf32, #tpu.memory_space<hbm>>
      %dma_wait3A_101 = tpu.memref_squeeze %dma_wait3A_100 : memref<1x128x128xf32, #tpu.memory_space<hbm>> -> memref<128x128xf32, #tpu.memory_space<hbm>>
      %dma_wait3A_102 = arith.constant 0 : i32
      %dma_wait3A_103 = arith.constant 0 : i32
      %dma_wait3A_104 = tpu.memref_slice %arg5[%add3A, %dma_wait3A_102, %dma_wait3A_103] : memref<32x128x128xf32, #tpu.memory_space<hbm>> -> memref<1x128x128xf32, #tpu.memory_space<hbm>>
      %dma_wait3A_105 = tpu.memref_squeeze %dma_wait3A_104 : memref<1x128x128xf32, #tpu.memory_space<hbm>> -> memref<128x128xf32, #tpu.memory_space<hbm>>
      tpu.wait_dma2 semaphore(%run_scoped3A_89 : memref<!tpu.dma_semaphore, #tpu.memory_space<semaphore_mem>>) src(%dma_wait3A_105 : memref<128x128xf32, #tpu.memory_space<hbm>>) dst(%arg9 : memref<128x128xf32, #tpu.memory_space<vmem>>)
      tpu.yield
    }) : () -> ()
    %mul3A_1 = arith.constant 632 : i32
    %mul3A_2 = arith.muli %arg1, %mul3A_1 : i32
    %add3A_3 = arith.constant 0 : i32
    %add3A_4 = arith.addi %mul3A_2, %add3A_3 : i32
    "tpu.region"() ({
      %run_scoped3A_89 = tpu.sem_alloc : memref<!tpu.dma_semaphore, #tpu.memory_space<semaphore_mem>>
      %dma_start3A_90 = arith.constant 0 : i32
      %dma_start3A_91 = tpu.memref_slice %arg11[%add3A_4, %dma_start3A_90] : memref<10112x128xf32, #tpu.memory_space<vmem_shared>> -> memref<128x128xf32, #tpu.memory_space<vmem_shared>>
      %dma_start3A_92 = arith.constant 0 : i32
      %dma_start3A_93 = tpu.memref_slice %arg11[%add3A_4, %dma_start3A_92] : memref<10112x128xf32, #tpu.memory_space<vmem_shared>> -> memref<128x128xf32, #tpu.memory_space<vmem_shared>>
      tpu.enqueue_dma source(%arg9 : memref<128x128xf32, #tpu.memory_space<vmem>>) target(%dma_start3A_93 : memref<128x128xf32, #tpu.memory_space<vmem_shared>>) target_semaphore(%run_scoped3A_89 : memref<!tpu.dma_semaphore, #tpu.memory_space<semaphore_mem>>)
      %dma_wait3A_94 = arith.constant 0 : i32
      %dma_wait3A_95 = tpu.memref_slice %arg11[%add3A_4, %dma_wait3A_94] : memref<10112x128xf32, #tpu.memory_space<vmem_shared>> -> memref<128x128xf32, #tpu.memory_space<vmem_shared>>
      %dma_wait3A_96 = arith.constant 0 : i32
      %dma_wait3A_97 = tpu.memref_slice %arg11[%add3A_4, %dma_wait3A_96] : memref<10112x128xf32, #tpu.memory_space<vmem_shared>> -> memref<128x128xf32, #tpu.memory_space<vmem_shared>>
      tpu.wait_dma2 semaphore(%run_scoped3A_89 : memref<!tpu.dma_semaphore, #tpu.memory_space<semaphore_mem>>) src(%arg9 : memref<128x128xf32, #tpu.memory_space<vmem>>) dst(%dma_wait3A_97 : memref<128x128xf32, #tpu.memory_space<vmem_shared>>)
      tpu.yield
    }) : () -> ()
    %add3A_5 = arith.constant 128 : i32
    %add3A_6 = arith.addi %mul3A_2, %add3A_5 : i32
    "tpu.region"() ({
      %run_scoped3A_89 = tpu.sem_alloc : memref<!tpu.dma_semaphore, #tpu.memory_space<semaphore_mem>>
      %dma_start3A_90 = arith.constant 0 : i32
      %dma_start3A_91 = tpu.memref_slice %arg11[%add3A_6, %dma_start3A_90] : memref<10112x128xf32, #tpu.memory_space<vmem_shared>> -> memref<128x128xf32, #tpu.memory_space<vmem_shared>>
      %dma_start3A_92 = arith.constant 0 : i32
      %dma_start3A_93 = tpu.memref_slice %arg11[%add3A_6, %dma_start3A_92] : memref<10112x128xf32, #tpu.memory_space<vmem_shared>> -> memref<128x128xf32, #tpu.memory_space<vmem_shared>>
      tpu.enqueue_dma source(%arg9 : memref<128x128xf32, #tpu.memory_space<vmem>>) target(%dma_start3A_93 : memref<128x128xf32, #tpu.memory_space<vmem_shared>>) target_semaphore(%run_scoped3A_89 : memref<!tpu.dma_semaphore, #tpu.memory_space<semaphore_mem>>)
      %dma_wait3A_94 = arith.constant 0 : i32
      %dma_wait3A_95 = tpu.memref_slice %arg11[%add3A_6, %dma_wait3A_94] : memref<10112x128xf32, #tpu.memory_space<vmem_shared>> -> memref<128x128xf32, #tpu.memory_space<vmem_shared>>
      %dma_wait3A_96 = arith.constant 0 : i32
      %dma_wait3A_97 = tpu.memref_slice %arg11[%add3A_6, %dma_wait3A_96] : memref<10112x128xf32, #tpu.memory_space<vmem_shared>> -> memref<128x128xf32, #tpu.memory_space<vmem_shared>>
      tpu.wait_dma2 semaphore(%run_scoped3A_89 : memref<!tpu.dma_semaphore, #tpu.memory_space<semaphore_mem>>) src(%arg9 : memref<128x128xf32, #tpu.memory_space<vmem>>) dst(%dma_wait3A_97 : memref<128x128xf32, #tpu.memory_space<vmem_shared>>)
      tpu.yield
    }) : () -> ()
    %add3A_7 = arith.constant 256 : i32
    %add3A_8 = arith.addi %mul3A_2, %add3A_7 : i32
    "tpu.region"() ({
      %run_scoped3A_89 = tpu.sem_alloc : memref<!tpu.dma_semaphore, #tpu.memory_space<semaphore_mem>>
      %dma_start3A_90 = arith.constant 0 : i32
      %dma_start3A_91 = tpu.memref_slice %arg11[%add3A_8, %dma_start3A_90] : memref<10112x128xf32, #tpu.memory_space<vmem_shared>> -> memref<128x128xf32, #tpu.memory_space<vmem_shared>>
      %dma_start3A_92 = arith.constant 0 : i32
      %dma_start3A_93 = tpu.memref_slice %arg11[%add3A_8, %dma_start3A_92] : memref<10112x128xf32, #tpu.memory_space<vmem_shared>> -> memref<128x128xf32, #tpu.memory_space<vmem_shared>>
      tpu.enqueue_dma source(%arg9 : memref<128x128xf32, #tpu.memory_space<vmem>>) target(%dma_start3A_93 : memref<128x128xf32, #tpu.memory_space<vmem_shared>>) target_semaphore(%run_scoped3A_89 : memref<!tpu.dma_semaphore, #tpu.memory_space<semaphore_mem>>)
      %dma_wait3A_94 = arith.constant 0 : i32
      %dma_wait3A_95 = tpu.memref_slice %arg11[%add3A_8, %dma_wait3A_94] : memref<10112x128xf32, #tpu.memory_space<vmem_shared>> -> memref<128x128xf32, #tpu.memory_space<vmem_shared>>
      %dma_wait3A_96 = arith.constant 0 : i32
      %dma_wait3A_97 = tpu.memref_slice %arg11[%add3A_8, %dma_wait3A_96] : memref<10112x128xf32, #tpu.memory_space<vmem_shared>> -> memref<128x128xf32, #tpu.memory_space<vmem_shared>>
      tpu.wait_dma2 semaphore(%run_scoped3A_89 : memref<!tpu.dma_semaphore, #tpu.memory_space<semaphore_mem>>) src(%arg9 : memref<128x128xf32, #tpu.memory_space<vmem>>) dst(%dma_wait3A_97 : memref<128x128xf32, #tpu.memory_space<vmem_shared>>)
      tpu.yield
    }) : () -> ()
    %add3A_9 = arith.constant 384 : i32
    %add3A_10 = arith.addi %mul3A_2, %add3A_9 : i32
    "tpu.region"() ({
      %run_scoped3A_89 = tpu.sem_alloc : memref<!tpu.dma_semaphore, #tpu.memory_space<semaphore_mem>>
      %dma_start3A_90 = arith.constant 0 : i32
      %dma_start3A_91 = tpu.memref_slice %arg11[%add3A_10, %dma_start3A_90] : memref<10112x128xf32, #tpu.memory_space<vmem_shared>> -> memref<128x128xf32, #tpu.memory_space<vmem_shared>>
      %dma_start3A_92 = arith.constant 0 : i32
      %dma_start3A_93 = tpu.memref_slice %arg11[%add3A_10, %dma_start3A_92] : memref<10112x128xf32, #tpu.memory_space<vmem_shared>> -> memref<128x128xf32, #tpu.memory_space<vmem_shared>>
      tpu.enqueue_dma source(%arg9 : memref<128x128xf32, #tpu.memory_space<vmem>>) target(%dma_start3A_93 : memref<128x128xf32, #tpu.memory_space<vmem_shared>>) target_semaphore(%run_scoped3A_89 : memref<!tpu.dma_semaphore, #tpu.memory_space<semaphore_mem>>)
      %dma_wait3A_94 = arith.constant 0 : i32
      %dma_wait3A_95 = tpu.memref_slice %arg11[%add3A_10, %dma_wait3A_94] : memref<10112x128xf32, #tpu.memory_space<vmem_shared>> -> memref<128x128xf32, #tpu.memory_space<vmem_shared>>
      %dma_wait3A_96 = arith.constant 0 : i32
      %dma_wait3A_97 = tpu.memref_slice %arg11[%add3A_10, %dma_wait3A_96] : memref<10112x128xf32, #tpu.memory_space<vmem_shared>> -> memref<128x128xf32, #tpu.memory_space<vmem_shared>>
      tpu.wait_dma2 semaphore(%run_scoped3A_89 : memref<!tpu.dma_semaphore, #tpu.memory_space<semaphore_mem>>) src(%arg9 : memref<128x128xf32, #tpu.memory_space<vmem>>) dst(%dma_wait3A_97 : memref<128x128xf32, #tpu.memory_space<vmem_shared>>)
      tpu.yield
    }) : () -> ()
    %add3A_11 = arith.constant 512 : i32
    %add3A_12 = arith.addi %mul3A_2, %add3A_11 : i32
    "tpu.region"() ({
      %run_scoped3A_89 = tpu.sem_alloc : memref<!tpu.dma_semaphore, #tpu.memory_space<semaphore_mem>>
      %dma_start3A_90 = arith.constant 0 : i32
      %dma_start3A_91 = arith.constant 0 : i32
      %dma_start3A_92 = tpu.memref_slice %arg9[%dma_start3A_90, %dma_start3A_91] : memref<128x128xf32, #tpu.memory_space<vmem>> -> memref<120x128xf32, #tpu.memory_space<vmem>>
      %dma_start3A_93 = arith.constant 0 : i32
      %dma_start3A_94 = tpu.memref_slice %arg11[%add3A_12, %dma_start3A_93] : memref<10112x128xf32, #tpu.memory_space<vmem_shared>> -> memref<120x128xf32, #tpu.memory_space<vmem_shared>>
      %dma_start3A_95 = arith.constant 0 : i32
      %dma_start3A_96 = tpu.memref_slice %arg11[%add3A_12, %dma_start3A_95] : memref<10112x128xf32, #tpu.memory_space<vmem_shared>> -> memref<120x128xf32, #tpu.memory_space<vmem_shared>>
      %dma_start3A_97 = arith.constant 0 : i32
      %dma_start3A_98 = arith.constant 0 : i32
      %dma_start3A_99 = tpu.memref_slice %arg9[%dma_start3A_97, %dma_start3A_98] : memref<128x128xf32, #tpu.memory_space<vmem>> -> memref<120x128xf32, #tpu.memory_space<vmem>>
      tpu.enqueue_dma source(%dma_start3A_99 : memref<120x128xf32, #tpu.memory_space<vmem>>) target(%dma_start3A_96 : memref<120x128xf32, #tpu.memory_space<vmem_shared>>) target_semaphore(%run_scoped3A_89 : memref<!tpu.dma_semaphore, #tpu.memory_space<semaphore_mem>>)
      %dma_wait3A_100 = arith.constant 0 : i32
      %dma_wait3A_101 = arith.constant 0 : i32
      %dma_wait3A_102 = tpu.memref_slice %arg9[%dma_wait3A_100, %dma_wait3A_101] : memref<128x128xf32, #tpu.memory_space<vmem>> -> memref<120x128xf32, #tpu.memory_space<vmem>>
      %dma_wait3A_103 = arith.constant 0 : i32
      %dma_wait3A_104 = tpu.memref_slice %arg11[%add3A_12, %dma_wait3A_103] : memref<10112x128xf32, #tpu.memory_space<vmem_shared>> -> memref<120x128xf32, #tpu.memory_space<vmem_shared>>
      %dma_wait3A_105 = arith.constant 0 : i32
      %dma_wait3A_106 = tpu.memref_slice %arg11[%add3A_12, %dma_wait3A_105] : memref<10112x128xf32, #tpu.memory_space<vmem_shared>> -> memref<120x128xf32, #tpu.memory_space<vmem_shared>>
      %dma_wait3A_107 = arith.constant 0 : i32
      %dma_wait3A_108 = arith.constant 0 : i32
      %dma_wait3A_109 = tpu.memref_slice %arg9[%dma_wait3A_107, %dma_wait3A_108] : memref<128x128xf32, #tpu.memory_space<vmem>> -> memref<120x128xf32, #tpu.memory_space<vmem>>
      tpu.wait_dma2 semaphore(%run_scoped3A_89 : memref<!tpu.dma_semaphore, #tpu.memory_space<semaphore_mem>>) src(%dma_wait3A_109 : memref<120x128xf32, #tpu.memory_space<vmem>>) dst(%dma_wait3A_106 : memref<120x128xf32, #tpu.memory_space<vmem_shared>>)
      tpu.yield
    }) : () -> ()
    %barrier3A = arith.constant 0 : index
    tpu.barrier barrier_id(%barrier3A)
    %run_scoped3A = arith.constant 0 : i32
    "tpu.region"() ({
      %run_scoped3A_89 = tpu.sem_alloc : memref<!tpu.dma_semaphore, #tpu.memory_space<semaphore_mem>>
      %dma_start3A_90 = arith.constant 0 : i32
      %dma_start3A_91 = arith.constant 0 : i32
      %dma_start3A_92 = tpu.memref_slice %arg3[%add3A, %run_scoped3A, %dma_start3A_90, %dma_start3A_91] : memref<32x2x40x128xi32, #tpu.memory_space<hbm>> -> memref<1x1x40x128xi32, #tpu.memory_space<hbm>>
      %dma_start3A_93 = tpu.memref_squeeze %dma_start3A_92 : memref<1x1x40x128xi32, #tpu.memory_space<hbm>> -> memref<40x128xi32, #tpu.memory_space<hbm>>
      %dma_start3A_94 = arith.constant 0 : i32
      %dma_start3A_95 = arith.constant 0 : i32
      %dma_start3A_96 = tpu.memref_slice %arg3[%add3A, %run_scoped3A, %dma_start3A_94, %dma_start3A_95] : memref<32x2x40x128xi32, #tpu.memory_space<hbm>> -> memref<1x1x40x128xi32, #tpu.memory_space<hbm>>
      %dma_start3A_97 = tpu.memref_squeeze %dma_start3A_96 : memref<1x1x40x128xi32, #tpu.memory_space<hbm>> -> memref<40x128xi32, #tpu.memory_space<hbm>>
      tpu.enqueue_dma source(%dma_start3A_97 : memref<40x128xi32, #tpu.memory_space<hbm>>) target(%arg7 : memref<40x128xi32, #tpu.memory_space<vmem>>) target_semaphore(%run_scoped3A_89 : memref<!tpu.dma_semaphore, #tpu.memory_space<semaphore_mem>>)
      %dma_wait3A_98 = arith.constant 0 : i32
      %dma_wait3A_99 = arith.constant 0 : i32
      %dma_wait3A_100 = tpu.memref_slice %arg3[%add3A, %run_scoped3A, %dma_wait3A_98, %dma_wait3A_99] : memref<32x2x40x128xi32, #tpu.memory_space<hbm>> -> memref<1x1x40x128xi32, #tpu.memory_space<hbm>>
      %dma_wait3A_101 = tpu.memref_squeeze %dma_wait3A_100 : memref<1x1x40x128xi32, #tpu.memory_space<hbm>> -> memref<40x128xi32, #tpu.memory_space<hbm>>
      %dma_wait3A_102 = arith.constant 0 : i32
      %dma_wait3A_103 = arith.constant 0 : i32
      %dma_wait3A_104 = tpu.memref_slice %arg3[%add3A, %run_scoped3A, %dma_wait3A_102, %dma_wait3A_103] : memref<32x2x40x128xi32, #tpu.memory_space<hbm>> -> memref<1x1x40x128xi32, #tpu.memory_space<hbm>>
      %dma_wait3A_105 = tpu.memref_squeeze %dma_wait3A_104 : memref<1x1x40x128xi32, #tpu.memory_space<hbm>> -> memref<40x128xi32, #tpu.memory_space<hbm>>
      tpu.wait_dma2 semaphore(%run_scoped3A_89 : memref<!tpu.dma_semaphore, #tpu.memory_space<semaphore_mem>>) src(%dma_wait3A_105 : memref<40x128xi32, #tpu.memory_space<hbm>>) dst(%arg7 : memref<40x128xi32, #tpu.memory_space<vmem>>)
      tpu.yield
    }) : () -> ()
    %run_scoped3A_13 = arith.constant 0 : i32
    "tpu.region"() ({
      %run_scoped3A_89 = tpu.sem_alloc : memref<!tpu.dma_semaphore, #tpu.memory_space<semaphore_mem>>
      %dma_start3A_90 = arith.constant 0 : i32
      %dma_start3A_91 = arith.constant 0 : i32
      %dma_start3A_92 = tpu.memref_slice %arg4[%add3A, %run_scoped3A_13, %dma_start3A_90, %dma_start3A_91] : memref<32x2x40x128xi32, #tpu.memory_space<hbm>> -> memref<1x1x40x128xi32, #tpu.memory_space<hbm>>
      %dma_start3A_93 = tpu.memref_squeeze %dma_start3A_92 : memref<1x1x40x128xi32, #tpu.memory_space<hbm>> -> memref<40x128xi32, #tpu.memory_space<hbm>>
      %dma_start3A_94 = arith.constant 0 : i32
      %dma_start3A_95 = arith.constant 0 : i32
      %dma_start3A_96 = tpu.memref_slice %arg4[%add3A, %run_scoped3A_13, %dma_start3A_94, %dma_start3A_95] : memref<32x2x40x128xi32, #tpu.memory_space<hbm>> -> memref<1x1x40x128xi32, #tpu.memory_space<hbm>>
      %dma_start3A_97 = tpu.memref_squeeze %dma_start3A_96 : memref<1x1x40x128xi32, #tpu.memory_space<hbm>> -> memref<40x128xi32, #tpu.memory_space<hbm>>
      tpu.enqueue_dma source(%dma_start3A_97 : memref<40x128xi32, #tpu.memory_space<hbm>>) target(%arg8 : memref<40x128xi32, #tpu.memory_space<vmem>>) target_semaphore(%run_scoped3A_89 : memref<!tpu.dma_semaphore, #tpu.memory_space<semaphore_mem>>)
      %dma_wait3A_98 = arith.constant 0 : i32
      %dma_wait3A_99 = arith.constant 0 : i32
      %dma_wait3A_100 = tpu.memref_slice %arg4[%add3A, %run_scoped3A_13, %dma_wait3A_98, %dma_wait3A_99] : memref<32x2x40x128xi32, #tpu.memory_space<hbm>> -> memref<1x1x40x128xi32, #tpu.memory_space<hbm>>
      %dma_wait3A_101 = tpu.memref_squeeze %dma_wait3A_100 : memref<1x1x40x128xi32, #tpu.memory_space<hbm>> -> memref<40x128xi32, #tpu.memory_space<hbm>>
      %dma_wait3A_102 = arith.constant 0 : i32
      %dma_wait3A_103 = arith.constant 0 : i32
      %dma_wait3A_104 = tpu.memref_slice %arg4[%add3A, %run_scoped3A_13, %dma_wait3A_102, %dma_wait3A_103] : memref<32x2x40x128xi32, #tpu.memory_space<hbm>> -> memref<1x1x40x128xi32, #tpu.memory_space<hbm>>
      %dma_wait3A_105 = tpu.memref_squeeze %dma_wait3A_104 : memref<1x1x40x128xi32, #tpu.memory_space<hbm>> -> memref<40x128xi32, #tpu.memory_space<hbm>>
      tpu.wait_dma2 semaphore(%run_scoped3A_89 : memref<!tpu.dma_semaphore, #tpu.memory_space<semaphore_mem>>) src(%dma_wait3A_105 : memref<40x128xi32, #tpu.memory_space<hbm>>) dst(%arg8 : memref<40x128xi32, #tpu.memory_space<vmem>>)
      tpu.yield
    }) : () -> ()
    %dma_start3A = arith.constant 0 : i32
    %dma_start3A_14 = arith.constant 0 : i32
    %dma_start3A_15 = tpu.memref_slice %arg7[%dma_start3A, %dma_start3A_14] : memref<40x128xi32, #tpu.memory_space<vmem>> -> memref<1x128xi32, #tpu.memory_space<vmem>>
    %dma_start3A_16 = tpu.memref_squeeze %dma_start3A_15 : memref<1x128xi32, #tpu.memory_space<vmem>> -> memref<128xi32, #tpu.memory_space<vmem>>
    %dma_start3A_17 = arith.constant 0 : i32
    %dma_start3A_18 = arith.constant 0 : i32
    %dma_start3A_19 = tpu.memref_slice %arg2[%dma_start3A_17, %dma_start3A_18] : memref<10000x128xf32, #tpu.memory_space<hbm>> -> memref<10000x128xf32, #tpu.memory_space<hbm>>
    tpu.enqueue_indirect_dma source(%dma_start3A_19 : memref<10000x128xf32, #tpu.memory_space<hbm>>) target(%arg9 : memref<128x128xf32, #tpu.memory_space<vmem>>) offsets(%dma_start3A_16 : memref<128xi32, #tpu.memory_space<vmem>>) semaphore(%arg12 : memref<!tpu.dma_semaphore, #tpu.memory_space<semaphore_mem>>)
    %dma_start3A_20 = arith.constant 1 : i32
    %dma_start3A_21 = arith.constant 0 : i32
    %dma_start3A_22 = tpu.memref_slice %arg7[%dma_start3A_20, %dma_start3A_21] : memref<40x128xi32, #tpu.memory_space<vmem>> -> memref<1x128xi32, #tpu.memory_space<vmem>>
    %dma_start3A_23 = tpu.memref_squeeze %dma_start3A_22 : memref<1x128xi32, #tpu.memory_space<vmem>> -> memref<128xi32, #tpu.memory_space<vmem>>
    %dma_start3A_24 = arith.constant 0 : i32
    %dma_start3A_25 = arith.constant 0 : i32
    %dma_start3A_26 = tpu.memref_slice %arg2[%dma_start3A_24, %dma_start3A_25] : memref<10000x128xf32, #tpu.memory_space<hbm>> -> memref<10000x128xf32, #tpu.memory_space<hbm>>
    tpu.enqueue_indirect_dma source(%dma_start3A_26 : memref<10000x128xf32, #tpu.memory_space<hbm>>) target(%arg10 : memref<128x128xf32, #tpu.memory_space<vmem>>) offsets(%dma_start3A_23 : memref<128xi32, #tpu.memory_space<vmem>>) semaphore(%arg13 : memref<!tpu.dma_semaphore, #tpu.memory_space<semaphore_mem>>)
    %scan3A = arith.constant 0 : i32
    %scan3A_27 = arith.constant 0 : i32
    %scan3A_28 = arith.constant 19 : i32
    %scan3A_29 = arith.addi %scan3A_27, %scan3A_28 : i32
    %scan3A_30 = arith.constant 1 : i32
    scf.for %scan3A_89 = %scan3A_27 to %scan3A_29 step %scan3A_30  : i32 {
      %mul3A_90 = arith.constant 2 : i32
      %mul3A_91 = arith.muli %mul3A_90, %scan3A_89 : i32
      %add3A_92 = arith.constant 0 : i32
      %add3A_93 = arith.addi %mul3A_91, %add3A_92 : i32
      %dma_wait3A_94 = arith.constant 0 : i32
      %dma_wait3A_95 = tpu.memref_slice %arg7[%add3A_93, %dma_wait3A_94] : memref<40x128xi32, #tpu.memory_space<vmem>> -> memref<1x128xi32, #tpu.memory_space<vmem>>
      %dma_wait3A_96 = tpu.memref_squeeze %dma_wait3A_95 : memref<1x128xi32, #tpu.memory_space<vmem>> -> memref<128xi32, #tpu.memory_space<vmem>>
      %dma_wait3A_97 = arith.constant 0 : i32
      %dma_wait3A_98 = arith.constant 0 : i32
      %dma_wait3A_99 = tpu.memref_slice %arg2[%dma_wait3A_97, %dma_wait3A_98] : memref<10000x128xf32, #tpu.memory_space<hbm>> -> memref<10000x128xf32, #tpu.memory_space<hbm>>
      tpu.wait_indirect_dma semaphore(%arg12 : memref<!tpu.dma_semaphore, #tpu.memory_space<semaphore_mem>>) src(%dma_wait3A_99 : memref<10000x128xf32, #tpu.memory_space<hbm>>) dst(%arg9 : memref<128x128xf32, #tpu.memory_space<vmem>>)
      %add3A_100 = arith.constant 0 : i32
      %add3A_101 = arith.addi %mul3A_91, %add3A_100 : i32
      "tpu.region"() ({
        %run_scoped3A_132 = tpu.sem_alloc : memref<!tpu.dma_semaphore, #tpu.memory_space<semaphore_mem>>
        %dma_start3A_133 = arith.constant 0 : i32
        %dma_start3A_134 = tpu.memref_slice %arg8[%add3A_101, %dma_start3A_133] : memref<40x128xi32, #tpu.memory_space<vmem>> -> memref<1x128xi32, #tpu.memory_space<vmem>>
        %dma_start3A_135 = tpu.memref_squeeze %dma_start3A_134 : memref<1x128xi32, #tpu.memory_space<vmem>> -> memref<128xi32, #tpu.memory_space<vmem>>
        %dma_start3A_136 = arith.constant 0 : i32
        %dma_start3A_137 = arith.constant 0 : i32
        %dma_start3A_138 = tpu.memref_slice %arg11[%dma_start3A_136, %dma_start3A_137] : memref<10112x128xf32, #tpu.memory_space<vmem_shared>> -> memref<10112x128xf32, #tpu.memory_space<vmem_shared>>
        tpu.enqueue_indirect_dma source(%arg9 : memref<128x128xf32, #tpu.memory_space<vmem>>) target(%dma_start3A_138 : memref<10112x128xf32, #tpu.memory_space<vmem_shared>>) offsets(%dma_start3A_135 : memref<128xi32, #tpu.memory_space<vmem>>) semaphore(%run_scoped3A_132 : memref<!tpu.dma_semaphore, #tpu.memory_space<semaphore_mem>>) {add = true}
        %dma_wait3A_139 = arith.constant 0 : i32
        %dma_wait3A_140 = tpu.memref_slice %arg8[%add3A_101, %dma_wait3A_139] : memref<40x128xi32, #tpu.memory_space<vmem>> -> memref<1x128xi32, #tpu.memory_space<vmem>>
        %dma_wait3A_141 = tpu.memref_squeeze %dma_wait3A_140 : memref<1x128xi32, #tpu.memory_space<vmem>> -> memref<128xi32, #tpu.memory_space<vmem>>
        %dma_wait3A_142 = arith.constant 0 : i32
        %dma_wait3A_143 = arith.constant 0 : i32
        %dma_wait3A_144 = tpu.memref_slice %arg11[%dma_wait3A_142, %dma_wait3A_143] : memref<10112x128xf32, #tpu.memory_space<vmem_shared>> -> memref<10112x128xf32, #tpu.memory_space<vmem_shared>>
        tpu.wait_indirect_dma semaphore(%run_scoped3A_132 : memref<!tpu.dma_semaphore, #tpu.memory_space<semaphore_mem>>) src(%arg9 : memref<128x128xf32, #tpu.memory_space<vmem>>) dst(%dma_wait3A_144 : memref<10112x128xf32, #tpu.memory_space<vmem_shared>>)
        tpu.yield
      }) : () -> ()
      %add3A_102 = arith.constant 0 : i32
      %add3A_103 = arith.addi %mul3A_91, %add3A_102 : i32
      %add3A_104 = arith.constant 2 : i32
      %add3A_105 = arith.addi %add3A_103, %add3A_104 : i32
      %dma_start3A_106 = arith.constant 0 : i32
      %dma_start3A_107 = tpu.memref_slice %arg7[%add3A_105, %dma_start3A_106] : memref<40x128xi32, #tpu.memory_space<vmem>> -> memref<1x128xi32, #tpu.memory_space<vmem>>
      %dma_start3A_108 = tpu.memref_squeeze %dma_start3A_107 : memref<1x128xi32, #tpu.memory_space<vmem>> -> memref<128xi32, #tpu.memory_space<vmem>>
      %dma_start3A_109 = arith.constant 0 : i32
      %dma_start3A_110 = arith.constant 0 : i32
      %dma_start3A_111 = tpu.memref_slice %arg2[%dma_start3A_109, %dma_start3A_110] : memref<10000x128xf32, #tpu.memory_space<hbm>> -> memref<10000x128xf32, #tpu.memory_space<hbm>>
      tpu.enqueue_indirect_dma source(%dma_start3A_111 : memref<10000x128xf32, #tpu.memory_space<hbm>>) target(%arg9 : memref<128x128xf32, #tpu.memory_space<vmem>>) offsets(%dma_start3A_108 : memref<128xi32, #tpu.memory_space<vmem>>) semaphore(%arg12 : memref<!tpu.dma_semaphore, #tpu.memory_space<semaphore_mem>>)
      %add3A_112 = arith.constant 1 : i32
      %add3A_113 = arith.addi %mul3A_91, %add3A_112 : i32
      %dma_wait3A_114 = arith.constant 0 : i32
      %dma_wait3A_115 = tpu.memref_slice %arg7[%add3A_113, %dma_wait3A_114] : memref<40x128xi32, #tpu.memory_space<vmem>> -> memref<1x128xi32, #tpu.memory_space<vmem>>
      %dma_wait3A_116 = tpu.memref_squeeze %dma_wait3A_115 : memref<1x128xi32, #tpu.memory_space<vmem>> -> memref<128xi32, #tpu.memory_space<vmem>>
      %dma_wait3A_117 = arith.constant 0 : i32
      %dma_wait3A_118 = arith.constant 0 : i32
      %dma_wait3A_119 = tpu.memref_slice %arg2[%dma_wait3A_117, %dma_wait3A_118] : memref<10000x128xf32, #tpu.memory_space<hbm>> -> memref<10000x128xf32, #tpu.memory_space<hbm>>
      tpu.wait_indirect_dma semaphore(%arg13 : memref<!tpu.dma_semaphore, #tpu.memory_space<semaphore_mem>>) src(%dma_wait3A_119 : memref<10000x128xf32, #tpu.memory_space<hbm>>) dst(%arg10 : memref<128x128xf32, #tpu.memory_space<vmem>>)
      %add3A_120 = arith.constant 1 : i32
      %add3A_121 = arith.addi %mul3A_91, %add3A_120 : i32
      "tpu.region"() ({
        %run_scoped3A_132 = tpu.sem_alloc : memref<!tpu.dma_semaphore, #tpu.memory_space<semaphore_mem>>
        %dma_start3A_133 = arith.constant 0 : i32
        %dma_start3A_134 = tpu.memref_slice %arg8[%add3A_121, %dma_start3A_133] : memref<40x128xi32, #tpu.memory_space<vmem>> -> memref<1x128xi32, #tpu.memory_space<vmem>>
        %dma_start3A_135 = tpu.memref_squeeze %dma_start3A_134 : memref<1x128xi32, #tpu.memory_space<vmem>> -> memref<128xi32, #tpu.memory_space<vmem>>
        %dma_start3A_136 = arith.constant 0 : i32
        %dma_start3A_137 = arith.constant 0 : i32
        %dma_start3A_138 = tpu.memref_slice %arg11[%dma_start3A_136, %dma_start3A_137] : memref<10112x128xf32, #tpu.memory_space<vmem_shared>> -> memref<10112x128xf32, #tpu.memory_space<vmem_shared>>
        tpu.enqueue_indirect_dma source(%arg10 : memref<128x128xf32, #tpu.memory_space<vmem>>) target(%dma_start3A_138 : memref<10112x128xf32, #tpu.memory_space<vmem_shared>>) offsets(%dma_start3A_135 : memref<128xi32, #tpu.memory_space<vmem>>) semaphore(%run_scoped3A_132 : memref<!tpu.dma_semaphore, #tpu.memory_space<semaphore_mem>>) {add = true}
        %dma_wait3A_139 = arith.constant 0 : i32
        %dma_wait3A_140 = tpu.memref_slice %arg8[%add3A_121, %dma_wait3A_139] : memref<40x128xi32, #tpu.memory_space<vmem>> -> memref<1x128xi32, #tpu.memory_space<vmem>>
        %dma_wait3A_141 = tpu.memref_squeeze %dma_wait3A_140 : memref<1x128xi32, #tpu.memory_space<vmem>> -> memref<128xi32, #tpu.memory_space<vmem>>
        %dma_wait3A_142 = arith.constant 0 : i32
        %dma_wait3A_143 = arith.constant 0 : i32
        %dma_wait3A_144 = tpu.memref_slice %arg11[%dma_wait3A_142, %dma_wait3A_143] : memref<10112x128xf32, #tpu.memory_space<vmem_shared>> -> memref<10112x128xf32, #tpu.memory_space<vmem_shared>>
        tpu.wait_indirect_dma semaphore(%run_scoped3A_132 : memref<!tpu.dma_semaphore, #tpu.memory_space<semaphore_mem>>) src(%arg10 : memref<128x128xf32, #tpu.memory_space<vmem>>) dst(%dma_wait3A_144 : memref<10112x128xf32, #tpu.memory_space<vmem_shared>>)
        tpu.yield
      }) : () -> ()
      %add3A_122 = arith.constant 1 : i32
      %add3A_123 = arith.addi %mul3A_91, %add3A_122 : i32
      %add3A_124 = arith.constant 2 : i32
      %add3A_125 = arith.addi %add3A_123, %add3A_124 : i32
      %dma_start3A_126 = arith.constant 0 : i32
      %dma_start3A_127 = tpu.memref_slice %arg7[%add3A_125, %dma_start3A_126] : memref<40x128xi32, #tpu.memory_space<vmem>> -> memref<1x128xi32, #tpu.memory_space<vmem>>
      %dma_start3A_128 = tpu.memref_squeeze %dma_start3A_127 : memref<1x128xi32, #tpu.memory_space<vmem>> -> memref<128xi32, #tpu.memory_space<vmem>>
      %dma_start3A_129 = arith.constant 0 : i32
      %dma_start3A_130 = arith.constant 0 : i32
      %dma_start3A_131 = tpu.memref_slice %arg2[%dma_start3A_129, %dma_start3A_130] : memref<10000x128xf32, #tpu.memory_space<hbm>> -> memref<10000x128xf32, #tpu.memory_space<hbm>>
      tpu.enqueue_indirect_dma source(%dma_start3A_131 : memref<10000x128xf32, #tpu.memory_space<hbm>>) target(%arg10 : memref<128x128xf32, #tpu.memory_space<vmem>>) offsets(%dma_start3A_128 : memref<128xi32, #tpu.memory_space<vmem>>) semaphore(%arg13 : memref<!tpu.dma_semaphore, #tpu.memory_space<semaphore_mem>>)
    }
    %scan3A_31 = arith.constant 19 : i32
    %dma_wait3A = arith.constant 38 : i32
    %dma_wait3A_32 = arith.constant 0 : i32
    %dma_wait3A_33 = tpu.memref_slice %arg7[%dma_wait3A, %dma_wait3A_32] : memref<40x128xi32, #tpu.memory_space<vmem>> -> memref<1x128xi32, #tpu.memory_space<vmem>>
    %dma_wait3A_34 = tpu.memref_squeeze %dma_wait3A_33 : memref<1x128xi32, #tpu.memory_space<vmem>> -> memref<128xi32, #tpu.memory_space<vmem>>
    %dma_wait3A_35 = arith.constant 0 : i32
    %dma_wait3A_36 = arith.constant 0 : i32
    %dma_wait3A_37 = tpu.memref_slice %arg2[%dma_wait3A_35, %dma_wait3A_36] : memref<10000x128xf32, #tpu.memory_space<hbm>> -> memref<10000x128xf32, #tpu.memory_space<hbm>>
    tpu.wait_indirect_dma semaphore(%arg12 : memref<!tpu.dma_semaphore, #tpu.memory_space<semaphore_mem>>) src(%dma_wait3A_37 : memref<10000x128xf32, #tpu.memory_space<hbm>>) dst(%arg9 : memref<128x128xf32, #tpu.memory_space<vmem>>)
    %run_scoped3A_38 = arith.constant 38 : i32
    "tpu.region"() ({
      %run_scoped3A_89 = tpu.sem_alloc : memref<!tpu.dma_semaphore, #tpu.memory_space<semaphore_mem>>
      %dma_start3A_90 = arith.constant 0 : i32
      %dma_start3A_91 = tpu.memref_slice %arg8[%run_scoped3A_38, %dma_start3A_90] : memref<40x128xi32, #tpu.memory_space<vmem>> -> memref<1x128xi32, #tpu.memory_space<vmem>>
      %dma_start3A_92 = tpu.memref_squeeze %dma_start3A_91 : memref<1x128xi32, #tpu.memory_space<vmem>> -> memref<128xi32, #tpu.memory_space<vmem>>
      %dma_start3A_93 = arith.constant 0 : i32
      %dma_start3A_94 = arith.constant 0 : i32
      %dma_start3A_95 = tpu.memref_slice %arg11[%dma_start3A_93, %dma_start3A_94] : memref<10112x128xf32, #tpu.memory_space<vmem_shared>> -> memref<10112x128xf32, #tpu.memory_space<vmem_shared>>
      tpu.enqueue_indirect_dma source(%arg9 : memref<128x128xf32, #tpu.memory_space<vmem>>) target(%dma_start3A_95 : memref<10112x128xf32, #tpu.memory_space<vmem_shared>>) offsets(%dma_start3A_92 : memref<128xi32, #tpu.memory_space<vmem>>) semaphore(%run_scoped3A_89 : memref<!tpu.dma_semaphore, #tpu.memory_space<semaphore_mem>>) {add = true}
      %dma_wait3A_96 = arith.constant 0 : i32
      %dma_wait3A_97 = tpu.memref_slice %arg8[%run_scoped3A_38, %dma_wait3A_96] : memref<40x128xi32, #tpu.memory_space<vmem>> -> memref<1x128xi32, #tpu.memory_space<vmem>>
      %dma_wait3A_98 = tpu.memref_squeeze %dma_wait3A_97 : memref<1x128xi32, #tpu.memory_space<vmem>> -> memref<128xi32, #tpu.memory_space<vmem>>
      %dma_wait3A_99 = arith.constant 0 : i32
      %dma_wait3A_100 = arith.constant 0 : i32
      %dma_wait3A_101 = tpu.memref_slice %arg11[%dma_wait3A_99, %dma_wait3A_100] : memref<10112x128xf32, #tpu.memory_space<vmem_shared>> -> memref<10112x128xf32, #tpu.memory_space<vmem_shared>>
      tpu.wait_indirect_dma semaphore(%run_scoped3A_89 : memref<!tpu.dma_semaphore, #tpu.memory_space<semaphore_mem>>) src(%arg9 : memref<128x128xf32, #tpu.memory_space<vmem>>) dst(%dma_wait3A_101 : memref<10112x128xf32, #tpu.memory_space<vmem_shared>>)
      tpu.yield
    }) : () -> ()
    %dma_wait3A_39 = arith.constant 39 : i32
    %dma_wait3A_40 = arith.constant 0 : i32
    %dma_wait3A_41 = tpu.memref_slice %arg7[%dma_wait3A_39, %dma_wait3A_40] : memref<40x128xi32, #tpu.memory_space<vmem>> -> memref<1x128xi32, #tpu.memory_space<vmem>>
    %dma_wait3A_42 = tpu.memref_squeeze %dma_wait3A_41 : memref<1x128xi32, #tpu.memory_space<vmem>> -> memref<128xi32, #tpu.memory_space<vmem>>
    %dma_wait3A_43 = arith.constant 0 : i32
    %dma_wait3A_44 = arith.constant 0 : i32
    %dma_wait3A_45 = tpu.memref_slice %arg2[%dma_wait3A_43, %dma_wait3A_44] : memref<10000x128xf32, #tpu.memory_space<hbm>> -> memref<10000x128xf32, #tpu.memory_space<hbm>>
    tpu.wait_indirect_dma semaphore(%arg13 : memref<!tpu.dma_semaphore, #tpu.memory_space<semaphore_mem>>) src(%dma_wait3A_45 : memref<10000x128xf32, #tpu.memory_space<hbm>>) dst(%arg10 : memref<128x128xf32, #tpu.memory_space<vmem>>)
    %run_scoped3A_46 = arith.constant 39 : i32
    "tpu.region"() ({
      %run_scoped3A_89 = tpu.sem_alloc : memref<!tpu.dma_semaphore, #tpu.memory_space<semaphore_mem>>
      %dma_start3A_90 = arith.constant 0 : i32
      %dma_start3A_91 = tpu.memref_slice %arg8[%run_scoped3A_46, %dma_start3A_90] : memref<40x128xi32, #tpu.memory_space<vmem>> -> memref<1x128xi32, #tpu.memory_space<vmem>>
      %dma_start3A_92 = tpu.memref_squeeze %dma_start3A_91 : memref<1x128xi32, #tpu.memory_space<vmem>> -> memref<128xi32, #tpu.memory_space<vmem>>
      %dma_start3A_93 = arith.constant 0 : i32
      %dma_start3A_94 = arith.constant 0 : i32
      %dma_start3A_95 = tpu.memref_slice %arg11[%dma_start3A_93, %dma_start3A_94] : memref<10112x128xf32, #tpu.memory_space<vmem_shared>> -> memref<10112x128xf32, #tpu.memory_space<vmem_shared>>
      tpu.enqueue_indirect_dma source(%arg10 : memref<128x128xf32, #tpu.memory_space<vmem>>) target(%dma_start3A_95 : memref<10112x128xf32, #tpu.memory_space<vmem_shared>>) offsets(%dma_start3A_92 : memref<128xi32, #tpu.memory_space<vmem>>) semaphore(%run_scoped3A_89 : memref<!tpu.dma_semaphore, #tpu.memory_space<semaphore_mem>>) {add = true}
      %dma_wait3A_96 = arith.constant 0 : i32
      %dma_wait3A_97 = tpu.memref_slice %arg8[%run_scoped3A_46, %dma_wait3A_96] : memref<40x128xi32, #tpu.memory_space<vmem>> -> memref<1x128xi32, #tpu.memory_space<vmem>>
      %dma_wait3A_98 = tpu.memref_squeeze %dma_wait3A_97 : memref<1x128xi32, #tpu.memory_space<vmem>> -> memref<128xi32, #tpu.memory_space<vmem>>
      %dma_wait3A_99 = arith.constant 0 : i32
      %dma_wait3A_100 = arith.constant 0 : i32
      %dma_wait3A_101 = tpu.memref_slice %arg11[%dma_wait3A_99, %dma_wait3A_100] : memref<10112x128xf32, #tpu.memory_space<vmem_shared>> -> memref<10112x128xf32, #tpu.memory_space<vmem_shared>>
      tpu.wait_indirect_dma semaphore(%run_scoped3A_89 : memref<!tpu.dma_semaphore, #tpu.memory_space<semaphore_mem>>) src(%arg10 : memref<128x128xf32, #tpu.memory_space<vmem>>) dst(%dma_wait3A_101 : memref<10112x128xf32, #tpu.memory_space<vmem_shared>>)
      tpu.yield
    }) : () -> ()
    %run_scoped3A_47 = arith.constant 1 : i32
    "tpu.region"() ({
      %run_scoped3A_89 = tpu.sem_alloc : memref<!tpu.dma_semaphore, #tpu.memory_space<semaphore_mem>>
      %dma_start3A_90 = arith.constant 0 : i32
      %dma_start3A_91 = arith.constant 0 : i32
      %dma_start3A_92 = tpu.memref_slice %arg3[%add3A, %run_scoped3A_47, %dma_start3A_90, %dma_start3A_91] : memref<32x2x40x128xi32, #tpu.memory_space<hbm>> -> memref<1x1x40x128xi32, #tpu.memory_space<hbm>>
      %dma_start3A_93 = tpu.memref_squeeze %dma_start3A_92 : memref<1x1x40x128xi32, #tpu.memory_space<hbm>> -> memref<40x128xi32, #tpu.memory_space<hbm>>
      %dma_start3A_94 = arith.constant 0 : i32
      %dma_start3A_95 = arith.constant 0 : i32
      %dma_start3A_96 = tpu.memref_slice %arg3[%add3A, %run_scoped3A_47, %dma_start3A_94, %dma_start3A_95] : memref<32x2x40x128xi32, #tpu.memory_space<hbm>> -> memref<1x1x40x128xi32, #tpu.memory_space<hbm>>
      %dma_start3A_97 = tpu.memref_squeeze %dma_start3A_96 : memref<1x1x40x128xi32, #tpu.memory_space<hbm>> -> memref<40x128xi32, #tpu.memory_space<hbm>>
      tpu.enqueue_dma source(%dma_start3A_97 : memref<40x128xi32, #tpu.memory_space<hbm>>) target(%arg7 : memref<40x128xi32, #tpu.memory_space<vmem>>) target_semaphore(%run_scoped3A_89 : memref<!tpu.dma_semaphore, #tpu.memory_space<semaphore_mem>>)
      %dma_wait3A_98 = arith.constant 0 : i32
      %dma_wait3A_99 = arith.constant 0 : i32
      %dma_wait3A_100 = tpu.memref_slice %arg3[%add3A, %run_scoped3A_47, %dma_wait3A_98, %dma_wait3A_99] : memref<32x2x40x128xi32, #tpu.memory_space<hbm>> -> memref<1x1x40x128xi32, #tpu.memory_space<hbm>>
      %dma_wait3A_101 = tpu.memref_squeeze %dma_wait3A_100 : memref<1x1x40x128xi32, #tpu.memory_space<hbm>> -> memref<40x128xi32, #tpu.memory_space<hbm>>
      %dma_wait3A_102 = arith.constant 0 : i32
      %dma_wait3A_103 = arith.constant 0 : i32
      %dma_wait3A_104 = tpu.memref_slice %arg3[%add3A, %run_scoped3A_47, %dma_wait3A_102, %dma_wait3A_103] : memref<32x2x40x128xi32, #tpu.memory_space<hbm>> -> memref<1x1x40x128xi32, #tpu.memory_space<hbm>>
      %dma_wait3A_105 = tpu.memref_squeeze %dma_wait3A_104 : memref<1x1x40x128xi32, #tpu.memory_space<hbm>> -> memref<40x128xi32, #tpu.memory_space<hbm>>
      tpu.wait_dma2 semaphore(%run_scoped3A_89 : memref<!tpu.dma_semaphore, #tpu.memory_space<semaphore_mem>>) src(%dma_wait3A_105 : memref<40x128xi32, #tpu.memory_space<hbm>>) dst(%arg7 : memref<40x128xi32, #tpu.memory_space<vmem>>)
      tpu.yield
    }) : () -> ()
    %run_scoped3A_48 = arith.constant 1 : i32
    "tpu.region"() ({
      %run_scoped3A_89 = tpu.sem_alloc : memref<!tpu.dma_semaphore, #tpu.memory_space<semaphore_mem>>
      %dma_start3A_90 = arith.constant 0 : i32
      %dma_start3A_91 = arith.constant 0 : i32
      %dma_start3A_92 = tpu.memref_slice %arg4[%add3A, %run_scoped3A_48, %dma_start3A_90, %dma_start3A_91] : memref<32x2x40x128xi32, #tpu.memory_space<hbm>> -> memref<1x1x40x128xi32, #tpu.memory_space<hbm>>
      %dma_start3A_93 = tpu.memref_squeeze %dma_start3A_92 : memref<1x1x40x128xi32, #tpu.memory_space<hbm>> -> memref<40x128xi32, #tpu.memory_space<hbm>>
      %dma_start3A_94 = arith.constant 0 : i32
      %dma_start3A_95 = arith.constant 0 : i32
      %dma_start3A_96 = tpu.memref_slice %arg4[%add3A, %run_scoped3A_48, %dma_start3A_94, %dma_start3A_95] : memref<32x2x40x128xi32, #tpu.memory_space<hbm>> -> memref<1x1x40x128xi32, #tpu.memory_space<hbm>>
      %dma_start3A_97 = tpu.memref_squeeze %dma_start3A_96 : memref<1x1x40x128xi32, #tpu.memory_space<hbm>> -> memref<40x128xi32, #tpu.memory_space<hbm>>
      tpu.enqueue_dma source(%dma_start3A_97 : memref<40x128xi32, #tpu.memory_space<hbm>>) target(%arg8 : memref<40x128xi32, #tpu.memory_space<vmem>>) target_semaphore(%run_scoped3A_89 : memref<!tpu.dma_semaphore, #tpu.memory_space<semaphore_mem>>)
      %dma_wait3A_98 = arith.constant 0 : i32
      %dma_wait3A_99 = arith.constant 0 : i32
      %dma_wait3A_100 = tpu.memref_slice %arg4[%add3A, %run_scoped3A_48, %dma_wait3A_98, %dma_wait3A_99] : memref<32x2x40x128xi32, #tpu.memory_space<hbm>> -> memref<1x1x40x128xi32, #tpu.memory_space<hbm>>
      %dma_wait3A_101 = tpu.memref_squeeze %dma_wait3A_100 : memref<1x1x40x128xi32, #tpu.memory_space<hbm>> -> memref<40x128xi32, #tpu.memory_space<hbm>>
      %dma_wait3A_102 = arith.constant 0 : i32
      %dma_wait3A_103 = arith.constant 0 : i32
      %dma_wait3A_104 = tpu.memref_slice %arg4[%add3A, %run_scoped3A_48, %dma_wait3A_102, %dma_wait3A_103] : memref<32x2x40x128xi32, #tpu.memory_space<hbm>> -> memref<1x1x40x128xi32, #tpu.memory_space<hbm>>
      %dma_wait3A_105 = tpu.memref_squeeze %dma_wait3A_104 : memref<1x1x40x128xi32, #tpu.memory_space<hbm>> -> memref<40x128xi32, #tpu.memory_space<hbm>>
      tpu.wait_dma2 semaphore(%run_scoped3A_89 : memref<!tpu.dma_semaphore, #tpu.memory_space<semaphore_mem>>) src(%dma_wait3A_105 : memref<40x128xi32, #tpu.memory_space<hbm>>) dst(%arg8 : memref<40x128xi32, #tpu.memory_space<vmem>>)
      tpu.yield
    }) : () -> ()
    %dma_start3A_49 = arith.constant 0 : i32
    %dma_start3A_50 = arith.constant 0 : i32
    %dma_start3A_51 = tpu.memref_slice %arg7[%dma_start3A_49, %dma_start3A_50] : memref<40x128xi32, #tpu.memory_space<vmem>> -> memref<1x128xi32, #tpu.memory_space<vmem>>
    %dma_start3A_52 = tpu.memref_squeeze %dma_start3A_51 : memref<1x128xi32, #tpu.memory_space<vmem>> -> memref<128xi32, #tpu.memory_space<vmem>>
    %dma_start3A_53 = arith.constant 0 : i32
    %dma_start3A_54 = arith.constant 0 : i32
    %dma_start3A_55 = tpu.memref_slice %arg2[%dma_start3A_53, %dma_start3A_54] : memref<10000x128xf32, #tpu.memory_space<hbm>> -> memref<10000x128xf32, #tpu.memory_space<hbm>>
    tpu.enqueue_indirect_dma source(%dma_start3A_55 : memref<10000x128xf32, #tpu.memory_space<hbm>>) target(%arg9 : memref<128x128xf32, #tpu.memory_space<vmem>>) offsets(%dma_start3A_52 : memref<128xi32, #tpu.memory_space<vmem>>) semaphore(%arg12 : memref<!tpu.dma_semaphore, #tpu.memory_space<semaphore_mem>>)
    %dma_start3A_56 = arith.constant 1 : i32
    %dma_start3A_57 = arith.constant 0 : i32
    %dma_start3A_58 = tpu.memref_slice %arg7[%dma_start3A_56, %dma_start3A_57] : memref<40x128xi32, #tpu.memory_space<vmem>> -> memref<1x128xi32, #tpu.memory_space<vmem>>
    %dma_start3A_59 = tpu.memref_squeeze %dma_start3A_58 : memref<1x128xi32, #tpu.memory_space<vmem>> -> memref<128xi32, #tpu.memory_space<vmem>>
    %dma_start3A_60 = arith.constant 0 : i32
    %dma_start3A_61 = arith.constant 0 : i32
    %dma_start3A_62 = tpu.memref_slice %arg2[%dma_start3A_60, %dma_start3A_61] : memref<10000x128xf32, #tpu.memory_space<hbm>> -> memref<10000x128xf32, #tpu.memory_space<hbm>>
    tpu.enqueue_indirect_dma source(%dma_start3A_62 : memref<10000x128xf32, #tpu.memory_space<hbm>>) target(%arg10 : memref<128x128xf32, #tpu.memory_space<vmem>>) offsets(%dma_start3A_59 : memref<128xi32, #tpu.memory_space<vmem>>) semaphore(%arg13 : memref<!tpu.dma_semaphore, #tpu.memory_space<semaphore_mem>>)
    %scan3A_63 = arith.constant 0 : i32
    %scan3A_64 = arith.constant 0 : i32
    %scan3A_65 = arith.constant 19 : i32
    %scan3A_66 = arith.addi %scan3A_64, %scan3A_65 : i32
    %scan3A_67 = arith.constant 1 : i32
    scf.for %scan3A_89 = %scan3A_64 to %scan3A_66 step %scan3A_67  : i32 {
      %mul3A_90 = arith.constant 2 : i32
      %mul3A_91 = arith.muli %mul3A_90, %scan3A_89 : i32
      %add3A_92 = arith.constant 0 : i32
      %add3A_93 = arith.addi %mul3A_91, %add3A_92 : i32
      %dma_wait3A_94 = arith.constant 0 : i32
      %dma_wait3A_95 = tpu.memref_slice %arg7[%add3A_93, %dma_wait3A_94] : memref<40x128xi32, #tpu.memory_space<vmem>> -> memref<1x128xi32, #tpu.memory_space<vmem>>
      %dma_wait3A_96 = tpu.memref_squeeze %dma_wait3A_95 : memref<1x128xi32, #tpu.memory_space<vmem>> -> memref<128xi32, #tpu.memory_space<vmem>>
      %dma_wait3A_97 = arith.constant 0 : i32
      %dma_wait3A_98 = arith.constant 0 : i32
      %dma_wait3A_99 = tpu.memref_slice %arg2[%dma_wait3A_97, %dma_wait3A_98] : memref<10000x128xf32, #tpu.memory_space<hbm>> -> memref<10000x128xf32, #tpu.memory_space<hbm>>
      tpu.wait_indirect_dma semaphore(%arg12 : memref<!tpu.dma_semaphore, #tpu.memory_space<semaphore_mem>>) src(%dma_wait3A_99 : memref<10000x128xf32, #tpu.memory_space<hbm>>) dst(%arg9 : memref<128x128xf32, #tpu.memory_space<vmem>>)
      %add3A_100 = arith.constant 0 : i32
      %add3A_101 = arith.addi %mul3A_91, %add3A_100 : i32
      "tpu.region"() ({
        %run_scoped3A_132 = tpu.sem_alloc : memref<!tpu.dma_semaphore, #tpu.memory_space<semaphore_mem>>
        %dma_start3A_133 = arith.constant 0 : i32
        %dma_start3A_134 = tpu.memref_slice %arg8[%add3A_101, %dma_start3A_133] : memref<40x128xi32, #tpu.memory_space<vmem>> -> memref<1x128xi32, #tpu.memory_space<vmem>>
        %dma_start3A_135 = tpu.memref_squeeze %dma_start3A_134 : memref<1x128xi32, #tpu.memory_space<vmem>> -> memref<128xi32, #tpu.memory_space<vmem>>
        %dma_start3A_136 = arith.constant 0 : i32
        %dma_start3A_137 = arith.constant 0 : i32
        %dma_start3A_138 = tpu.memref_slice %arg11[%dma_start3A_136, %dma_start3A_137] : memref<10112x128xf32, #tpu.memory_space<vmem_shared>> -> memref<10112x128xf32, #tpu.memory_space<vmem_shared>>
        tpu.enqueue_indirect_dma source(%arg9 : memref<128x128xf32, #tpu.memory_space<vmem>>) target(%dma_start3A_138 : memref<10112x128xf32, #tpu.memory_space<vmem_shared>>) offsets(%dma_start3A_135 : memref<128xi32, #tpu.memory_space<vmem>>) semaphore(%run_scoped3A_132 : memref<!tpu.dma_semaphore, #tpu.memory_space<semaphore_mem>>) {add = true}
        %dma_wait3A_139 = arith.constant 0 : i32
        %dma_wait3A_140 = tpu.memref_slice %arg8[%add3A_101, %dma_wait3A_139] : memref<40x128xi32, #tpu.memory_space<vmem>> -> memref<1x128xi32, #tpu.memory_space<vmem>>
        %dma_wait3A_141 = tpu.memref_squeeze %dma_wait3A_140 : memref<1x128xi32, #tpu.memory_space<vmem>> -> memref<128xi32, #tpu.memory_space<vmem>>
        %dma_wait3A_142 = arith.constant 0 : i32
        %dma_wait3A_143 = arith.constant 0 : i32
        %dma_wait3A_144 = tpu.memref_slice %arg11[%dma_wait3A_142, %dma_wait3A_143] : memref<10112x128xf32, #tpu.memory_space<vmem_shared>> -> memref<10112x128xf32, #tpu.memory_space<vmem_shared>>
        tpu.wait_indirect_dma semaphore(%run_scoped3A_132 : memref<!tpu.dma_semaphore, #tpu.memory_space<semaphore_mem>>) src(%arg9 : memref<128x128xf32, #tpu.memory_space<vmem>>) dst(%dma_wait3A_144 : memref<10112x128xf32, #tpu.memory_space<vmem_shared>>)
        tpu.yield
      }) : () -> ()
      %add3A_102 = arith.constant 0 : i32
      %add3A_103 = arith.addi %mul3A_91, %add3A_102 : i32
      %add3A_104 = arith.constant 2 : i32
      %add3A_105 = arith.addi %add3A_103, %add3A_104 : i32
      %dma_start3A_106 = arith.constant 0 : i32
      %dma_start3A_107 = tpu.memref_slice %arg7[%add3A_105, %dma_start3A_106] : memref<40x128xi32, #tpu.memory_space<vmem>> -> memref<1x128xi32, #tpu.memory_space<vmem>>
      %dma_start3A_108 = tpu.memref_squeeze %dma_start3A_107 : memref<1x128xi32, #tpu.memory_space<vmem>> -> memref<128xi32, #tpu.memory_space<vmem>>
      %dma_start3A_109 = arith.constant 0 : i32
      %dma_start3A_110 = arith.constant 0 : i32
      %dma_start3A_111 = tpu.memref_slice %arg2[%dma_start3A_109, %dma_start3A_110] : memref<10000x128xf32, #tpu.memory_space<hbm>> -> memref<10000x128xf32, #tpu.memory_space<hbm>>
      tpu.enqueue_indirect_dma source(%dma_start3A_111 : memref<10000x128xf32, #tpu.memory_space<hbm>>) target(%arg9 : memref<128x128xf32, #tpu.memory_space<vmem>>) offsets(%dma_start3A_108 : memref<128xi32, #tpu.memory_space<vmem>>) semaphore(%arg12 : memref<!tpu.dma_semaphore, #tpu.memory_space<semaphore_mem>>)
      %add3A_112 = arith.constant 1 : i32
      %add3A_113 = arith.addi %mul3A_91, %add3A_112 : i32
      %dma_wait3A_114 = arith.constant 0 : i32
      %dma_wait3A_115 = tpu.memref_slice %arg7[%add3A_113, %dma_wait3A_114] : memref<40x128xi32, #tpu.memory_space<vmem>> -> memref<1x128xi32, #tpu.memory_space<vmem>>
      %dma_wait3A_116 = tpu.memref_squeeze %dma_wait3A_115 : memref<1x128xi32, #tpu.memory_space<vmem>> -> memref<128xi32, #tpu.memory_space<vmem>>
      %dma_wait3A_117 = arith.constant 0 : i32
      %dma_wait3A_118 = arith.constant 0 : i32
      %dma_wait3A_119 = tpu.memref_slice %arg2[%dma_wait3A_117, %dma_wait3A_118] : memref<10000x128xf32, #tpu.memory_space<hbm>> -> memref<10000x128xf32, #tpu.memory_space<hbm>>
      tpu.wait_indirect_dma semaphore(%arg13 : memref<!tpu.dma_semaphore, #tpu.memory_space<semaphore_mem>>) src(%dma_wait3A_119 : memref<10000x128xf32, #tpu.memory_space<hbm>>) dst(%arg10 : memref<128x128xf32, #tpu.memory_space<vmem>>)
      %add3A_120 = arith.constant 1 : i32
      %add3A_121 = arith.addi %mul3A_91, %add3A_120 : i32
      "tpu.region"() ({
        %run_scoped3A_132 = tpu.sem_alloc : memref<!tpu.dma_semaphore, #tpu.memory_space<semaphore_mem>>
        %dma_start3A_133 = arith.constant 0 : i32
        %dma_start3A_134 = tpu.memref_slice %arg8[%add3A_121, %dma_start3A_133] : memref<40x128xi32, #tpu.memory_space<vmem>> -> memref<1x128xi32, #tpu.memory_space<vmem>>
        %dma_start3A_135 = tpu.memref_squeeze %dma_start3A_134 : memref<1x128xi32, #tpu.memory_space<vmem>> -> memref<128xi32, #tpu.memory_space<vmem>>
        %dma_start3A_136 = arith.constant 0 : i32
        %dma_start3A_137 = arith.constant 0 : i32
        %dma_start3A_138 = tpu.memref_slice %arg11[%dma_start3A_136, %dma_start3A_137] : memref<10112x128xf32, #tpu.memory_space<vmem_shared>> -> memref<10112x128xf32, #tpu.memory_space<vmem_shared>>
        tpu.enqueue_indirect_dma source(%arg10 : memref<128x128xf32, #tpu.memory_space<vmem>>) target(%dma_start3A_138 : memref<10112x128xf32, #tpu.memory_space<vmem_shared>>) offsets(%dma_start3A_135 : memref<128xi32, #tpu.memory_space<vmem>>) semaphore(%run_scoped3A_132 : memref<!tpu.dma_semaphore, #tpu.memory_space<semaphore_mem>>) {add = true}
        %dma_wait3A_139 = arith.constant 0 : i32
        %dma_wait3A_140 = tpu.memref_slice %arg8[%add3A_121, %dma_wait3A_139] : memref<40x128xi32, #tpu.memory_space<vmem>> -> memref<1x128xi32, #tpu.memory_space<vmem>>
        %dma_wait3A_141 = tpu.memref_squeeze %dma_wait3A_140 : memref<1x128xi32, #tpu.memory_space<vmem>> -> memref<128xi32, #tpu.memory_space<vmem>>
        %dma_wait3A_142 = arith.constant 0 : i32
        %dma_wait3A_143 = arith.constant 0 : i32
        %dma_wait3A_144 = tpu.memref_slice %arg11[%dma_wait3A_142, %dma_wait3A_143] : memref<10112x128xf32, #tpu.memory_space<vmem_shared>> -> memref<10112x128xf32, #tpu.memory_space<vmem_shared>>
        tpu.wait_indirect_dma semaphore(%run_scoped3A_132 : memref<!tpu.dma_semaphore, #tpu.memory_space<semaphore_mem>>) src(%arg10 : memref<128x128xf32, #tpu.memory_space<vmem>>) dst(%dma_wait3A_144 : memref<10112x128xf32, #tpu.memory_space<vmem_shared>>)
        tpu.yield
      }) : () -> ()
      %add3A_122 = arith.constant 1 : i32
      %add3A_123 = arith.addi %mul3A_91, %add3A_122 : i32
      %add3A_124 = arith.constant 2 : i32
      %add3A_125 = arith.addi %add3A_123, %add3A_124 : i32
      %dma_start3A_126 = arith.constant 0 : i32
      %dma_start3A_127 = tpu.memref_slice %arg7[%add3A_125, %dma_start3A_126] : memref<40x128xi32, #tpu.memory_space<vmem>> -> memref<1x128xi32, #tpu.memory_space<vmem>>
      %dma_start3A_128 = tpu.memref_squeeze %dma_start3A_127 : memref<1x128xi32, #tpu.memory_space<vmem>> -> memref<128xi32, #tpu.memory_space<vmem>>
      %dma_start3A_129 = arith.constant 0 : i32
      %dma_start3A_130 = arith.constant 0 : i32
      %dma_start3A_131 = tpu.memref_slice %arg2[%dma_start3A_129, %dma_start3A_130] : memref<10000x128xf32, #tpu.memory_space<hbm>> -> memref<10000x128xf32, #tpu.memory_space<hbm>>
      tpu.enqueue_indirect_dma source(%dma_start3A_131 : memref<10000x128xf32, #tpu.memory_space<hbm>>) target(%arg10 : memref<128x128xf32, #tpu.memory_space<vmem>>) offsets(%dma_start3A_128 : memref<128xi32, #tpu.memory_space<vmem>>) semaphore(%arg13 : memref<!tpu.dma_semaphore, #tpu.memory_space<semaphore_mem>>)
    }
    %scan3A_68 = arith.constant 19 : i32
    %dma_wait3A_69 = arith.constant 38 : i32
    %dma_wait3A_70 = arith.constant 0 : i32
    %dma_wait3A_71 = tpu.memref_slice %arg7[%dma_wait3A_69, %dma_wait3A_70] : memref<40x128xi32, #tpu.memory_space<vmem>> -> memref<1x128xi32, #tpu.memory_space<vmem>>
    %dma_wait3A_72 = tpu.memref_squeeze %dma_wait3A_71 : memref<1x128xi32, #tpu.memory_space<vmem>> -> memref<128xi32, #tpu.memory_space<vmem>>
    %dma_wait3A_73 = arith.constant 0 : i32
    %dma_wait3A_74 = arith.constant 0 : i32
    %dma_wait3A_75 = tpu.memref_slice %arg2[%dma_wait3A_73, %dma_wait3A_74] : memref<10000x128xf32, #tpu.memory_space<hbm>> -> memref<10000x128xf32, #tpu.memory_space<hbm>>
    tpu.wait_indirect_dma semaphore(%arg12 : memref<!tpu.dma_semaphore, #tpu.memory_space<semaphore_mem>>) src(%dma_wait3A_75 : memref<10000x128xf32, #tpu.memory_space<hbm>>) dst(%arg9 : memref<128x128xf32, #tpu.memory_space<vmem>>)
    %run_scoped3A_76 = arith.constant 38 : i32
    "tpu.region"() ({
      %run_scoped3A_89 = tpu.sem_alloc : memref<!tpu.dma_semaphore, #tpu.memory_space<semaphore_mem>>
      %dma_start3A_90 = arith.constant 0 : i32
      %dma_start3A_91 = tpu.memref_slice %arg8[%run_scoped3A_76, %dma_start3A_90] : memref<40x128xi32, #tpu.memory_space<vmem>> -> memref<1x128xi32, #tpu.memory_space<vmem>>
      %dma_start3A_92 = tpu.memref_squeeze %dma_start3A_91 : memref<1x128xi32, #tpu.memory_space<vmem>> -> memref<128xi32, #tpu.memory_space<vmem>>
      %dma_start3A_93 = arith.constant 0 : i32
      %dma_start3A_94 = arith.constant 0 : i32
      %dma_start3A_95 = tpu.memref_slice %arg11[%dma_start3A_93, %dma_start3A_94] : memref<10112x128xf32, #tpu.memory_space<vmem_shared>> -> memref<10112x128xf32, #tpu.memory_space<vmem_shared>>
      tpu.enqueue_indirect_dma source(%arg9 : memref<128x128xf32, #tpu.memory_space<vmem>>) target(%dma_start3A_95 : memref<10112x128xf32, #tpu.memory_space<vmem_shared>>) offsets(%dma_start3A_92 : memref<128xi32, #tpu.memory_space<vmem>>) semaphore(%run_scoped3A_89 : memref<!tpu.dma_semaphore, #tpu.memory_space<semaphore_mem>>) {add = true}
      %dma_wait3A_96 = arith.constant 0 : i32
      %dma_wait3A_97 = tpu.memref_slice %arg8[%run_scoped3A_76, %dma_wait3A_96] : memref<40x128xi32, #tpu.memory_space<vmem>> -> memref<1x128xi32, #tpu.memory_space<vmem>>
      %dma_wait3A_98 = tpu.memref_squeeze %dma_wait3A_97 : memref<1x128xi32, #tpu.memory_space<vmem>> -> memref<128xi32, #tpu.memory_space<vmem>>
      %dma_wait3A_99 = arith.constant 0 : i32
      %dma_wait3A_100 = arith.constant 0 : i32
      %dma_wait3A_101 = tpu.memref_slice %arg11[%dma_wait3A_99, %dma_wait3A_100] : memref<10112x128xf32, #tpu.memory_space<vmem_shared>> -> memref<10112x128xf32, #tpu.memory_space<vmem_shared>>
      tpu.wait_indirect_dma semaphore(%run_scoped3A_89 : memref<!tpu.dma_semaphore, #tpu.memory_space<semaphore_mem>>) src(%arg9 : memref<128x128xf32, #tpu.memory_space<vmem>>) dst(%dma_wait3A_101 : memref<10112x128xf32, #tpu.memory_space<vmem_shared>>)
      tpu.yield
    }) : () -> ()
    %dma_wait3A_77 = arith.constant 39 : i32
    %dma_wait3A_78 = arith.constant 0 : i32
    %dma_wait3A_79 = tpu.memref_slice %arg7[%dma_wait3A_77, %dma_wait3A_78] : memref<40x128xi32, #tpu.memory_space<vmem>> -> memref<1x128xi32, #tpu.memory_space<vmem>>
    %dma_wait3A_80 = tpu.memref_squeeze %dma_wait3A_79 : memref<1x128xi32, #tpu.memory_space<vmem>> -> memref<128xi32, #tpu.memory_space<vmem>>
    %dma_wait3A_81 = arith.constant 0 : i32
    %dma_wait3A_82 = arith.constant 0 : i32
    %dma_wait3A_83 = tpu.memref_slice %arg2[%dma_wait3A_81, %dma_wait3A_82] : memref<10000x128xf32, #tpu.memory_space<hbm>> -> memref<10000x128xf32, #tpu.memory_space<hbm>>
    tpu.wait_indirect_dma semaphore(%arg13 : memref<!tpu.dma_semaphore, #tpu.memory_space<semaphore_mem>>) src(%dma_wait3A_83 : memref<10000x128xf32, #tpu.memory_space<hbm>>) dst(%arg10 : memref<128x128xf32, #tpu.memory_space<vmem>>)
    %run_scoped3A_84 = arith.constant 39 : i32
    "tpu.region"() ({
      %run_scoped3A_89 = tpu.sem_alloc : memref<!tpu.dma_semaphore, #tpu.memory_space<semaphore_mem>>
      %dma_start3A_90 = arith.constant 0 : i32
      %dma_start3A_91 = tpu.memref_slice %arg8[%run_scoped3A_84, %dma_start3A_90] : memref<40x128xi32, #tpu.memory_space<vmem>> -> memref<1x128xi32, #tpu.memory_space<vmem>>
      %dma_start3A_92 = tpu.memref_squeeze %dma_start3A_91 : memref<1x128xi32, #tpu.memory_space<vmem>> -> memref<128xi32, #tpu.memory_space<vmem>>
      %dma_start3A_93 = arith.constant 0 : i32
      %dma_start3A_94 = arith.constant 0 : i32
      %dma_start3A_95 = tpu.memref_slice %arg11[%dma_start3A_93, %dma_start3A_94] : memref<10112x128xf32, #tpu.memory_space<vmem_shared>> -> memref<10112x128xf32, #tpu.memory_space<vmem_shared>>
      tpu.enqueue_indirect_dma source(%arg10 : memref<128x128xf32, #tpu.memory_space<vmem>>) target(%dma_start3A_95 : memref<10112x128xf32, #tpu.memory_space<vmem_shared>>) offsets(%dma_start3A_92 : memref<128xi32, #tpu.memory_space<vmem>>) semaphore(%run_scoped3A_89 : memref<!tpu.dma_semaphore, #tpu.memory_space<semaphore_mem>>) {add = true}
      %dma_wait3A_96 = arith.constant 0 : i32
      %dma_wait3A_97 = tpu.memref_slice %arg8[%run_scoped3A_84, %dma_wait3A_96] : memref<40x128xi32, #tpu.memory_space<vmem>> -> memref<1x128xi32, #tpu.memory_space<vmem>>
      %dma_wait3A_98 = tpu.memref_squeeze %dma_wait3A_97 : memref<1x128xi32, #tpu.memory_space<vmem>> -> memref<128xi32, #tpu.memory_space<vmem>>
      %dma_wait3A_99 = arith.constant 0 : i32
      %dma_wait3A_100 = arith.constant 0 : i32
      %dma_wait3A_101 = tpu.memref_slice %arg11[%dma_wait3A_99, %dma_wait3A_100] : memref<10112x128xf32, #tpu.memory_space<vmem_shared>> -> memref<10112x128xf32, #tpu.memory_space<vmem_shared>>
      tpu.wait_indirect_dma semaphore(%run_scoped3A_89 : memref<!tpu.dma_semaphore, #tpu.memory_space<semaphore_mem>>) src(%arg10 : memref<128x128xf32, #tpu.memory_space<vmem>>) dst(%dma_wait3A_101 : memref<10112x128xf32, #tpu.memory_space<vmem_shared>>)
      tpu.yield
    }) : () -> ()
    %barrier3A_85 = arith.constant 0 : index
    tpu.barrier barrier_id(%barrier3A_85)
    %mul3A_86 = arith.constant 10112 : i32
    %mul3A_87 = arith.muli %arg0, %mul3A_86 : i32
    %add3A_88 = arith.addi %mul3A_87, %mul3A_2 : i32
    "tpu.region"() ({
      %run_scoped3A_89 = tpu.sem_alloc : memref<!tpu.dma_semaphore, #tpu.memory_space<semaphore_mem>>
      %dma_start3A_90 = arith.constant 0 : i32
      %dma_start3A_91 = tpu.memref_slice %arg6[%add3A_88, %dma_start3A_90] : memref<20224x128xf32, #tpu.memory_space<hbm>> -> memref<632x128xf32, #tpu.memory_space<hbm>>
      %dma_start3A_92 = arith.constant 0 : i32
      %dma_start3A_93 = tpu.memref_slice %arg11[%mul3A_2, %dma_start3A_92] : memref<10112x128xf32, #tpu.memory_space<vmem_shared>> -> memref<632x128xf32, #tpu.memory_space<vmem_shared>>
      tpu.enqueue_dma source(%dma_start3A_93 : memref<632x128xf32, #tpu.memory_space<vmem_shared>>) target(%dma_start3A_91 : memref<632x128xf32, #tpu.memory_space<hbm>>) target_semaphore(%run_scoped3A_89 : memref<!tpu.dma_semaphore, #tpu.memory_space<semaphore_mem>>)
      %dma_wait3A_94 = arith.constant 0 : i32
      %dma_wait3A_95 = tpu.memref_slice %arg6[%add3A_88, %dma_wait3A_94] : memref<20224x128xf32, #tpu.memory_space<hbm>> -> memref<632x128xf32, #tpu.memory_space<hbm>>
      %dma_wait3A_96 = arith.constant 0 : i32
      %dma_wait3A_97 = tpu.memref_slice %arg11[%mul3A_2, %dma_wait3A_96] : memref<10112x128xf32, #tpu.memory_space<vmem_shared>> -> memref<632x128xf32, #tpu.memory_space<vmem_shared>>
      tpu.wait_dma2 semaphore(%run_scoped3A_89 : memref<!tpu.dma_semaphore, #tpu.memory_space<semaphore_mem>>) src(%dma_wait3A_97 : memref<632x128xf32, #tpu.memory_space<vmem_shared>>) dst(%dma_wait3A_95 : memref<632x128xf32, #tpu.memory_space<hbm>>)
      tpu.yield
    }) : () -> ()
    return
  }
}

#map = affine_map<(d0, d1) -> (0, 0)>
#map1 = affine_map<(d0, d1) -> (0, 0, 0, 0)>
#map2 = affine_map<(d0, d1) -> (0, 0, 0)>
module attributes {stable_mosaic.version = 14 : i64} {
  func.func @_sc_hop_body(%arg0: i32, %arg1: i32, %arg2: memref<10000x128xf32, #tpu.memory_space<hbm>>, %arg3: memref<32x2x40x128xi32, #tpu.memory_space<hbm>>, %arg4: memref<32x2x40x128xi32, #tpu.memory_space<hbm>>, %arg5: memref<32x128x128xf32, #tpu.memory_space<hbm>>, %arg6: memref<20224x128xf32, #tpu.memory_space<hbm>>, %arg7: memref<40x128xi32, #tpu.memory_space<vmem>>, %arg8: memref<40x128xi32, #tpu.memory_space<vmem>>, %arg9: memref<128x128xf32, #tpu.memory_space<vmem>>, %arg10: memref<128x128xf32, #tpu.memory_space<vmem>>, %arg11: memref<10112x128xf32, #tpu.memory_space<vmem_shared>>, %arg12: memref<!tpu.dma_semaphore, #tpu.memory_space<semaphore_mem>>, %arg13: memref<!tpu.dma_semaphore, #tpu.memory_space<semaphore_mem>>) attributes {dimension_semantics = [#tpu.dimension_semantics<core_parallel>, #tpu.dimension_semantics<subcore_parallel>], iteration_bounds = array<i64: 2, 16>, scalar_prefetch = 0 : i64, scratch_operands = 7 : i64, tpu.core_type = #tpu.core_type<sc_vector_subcore>, window_params = [{transform_indices = #map}, {transform_indices = #map1}, {transform_indices = #map1}, {transform_indices = #map2}, {transform_indices = #map}]} {
    %mul3A = arith.constant 2 : i32
    %mul3A_0 = arith.muli %arg1, %mul3A : i32
    %add3A = arith.addi %mul3A_0, %arg0 : i32
    "tpu.region"() ({
      %run_scoped3A_89 = tpu.sem_alloc : memref<!tpu.dma_semaphore, #tpu.memory_space<semaphore_mem>>
      %dma_start3A_90 = arith.constant 0 : i32
      %dma_start3A_91 = arith.constant 0 : i32
      %dma_start3A_92 = tpu.memref_slice %arg5[%add3A, %dma_start3A_90, %dma_start3A_91] : memref<32x128x128xf32, #tpu.memory_space<hbm>> -> memref<1x128x128xf32, #tpu.memory_space<hbm>>
      %dma_start3A_93 = tpu.memref_squeeze %dma_start3A_92 : memref<1x128x128xf32, #tpu.memory_space<hbm>> -> memref<128x128xf32, #tpu.memory_space<hbm>>
      %dma_start3A_94 = arith.constant 0 : i32
      %dma_start3A_95 = arith.constant 0 : i32
      %dma_start3A_96 = tpu.memref_slice %arg5[%add3A, %dma_start3A_94, %dma_start3A_95] : memref<32x128x128xf32, #tpu.memory_space<hbm>> -> memref<1x128x128xf32, #tpu.memory_space<hbm>>
      %dma_start3A_97 = tpu.memref_squeeze %dma_start3A_96 : memref<1x128x128xf32, #tpu.memory_space<hbm>> -> memref<128x128xf32, #tpu.memory_space<hbm>>
      tpu.enqueue_dma source(%dma_start3A_97 : memref<128x128xf32, #tpu.memory_space<hbm>>) target(%arg9 : memref<128x128xf32, #tpu.memory_space<vmem>>) target_semaphore(%run_scoped3A_89 : memref<!tpu.dma_semaphore, #tpu.memory_space<semaphore_mem>>)
      %dma_wait3A_98 = arith.constant 0 : i32
      %dma_wait3A_99 = arith.constant 0 : i32
      %dma_wait3A_100 = tpu.memref_slice %arg5[%add3A, %dma_wait3A_98, %dma_wait3A_99] : memref<32x128x128xf32, #tpu.memory_space<hbm>> -> memref<1x128x128xf32, #tpu.memory_space<hbm>>
      %dma_wait3A_101 = tpu.memref_squeeze %dma_wait3A_100 : memref<1x128x128xf32, #tpu.memory_space<hbm>> -> memref<128x128xf32, #tpu.memory_space<hbm>>
      %dma_wait3A_102 = arith.constant 0 : i32
      %dma_wait3A_103 = arith.constant 0 : i32
      %dma_wait3A_104 = tpu.memref_slice %arg5[%add3A, %dma_wait3A_102, %dma_wait3A_103] : memref<32x128x128xf32, #tpu.memory_space<hbm>> -> memref<1x128x128xf32, #tpu.memory_space<hbm>>
      %dma_wait3A_105 = tpu.memref_squeeze %dma_wait3A_104 : memref<1x128x128xf32, #tpu.memory_space<hbm>> -> memref<128x128xf32, #tpu.memory_space<hbm>>
      tpu.wait_dma2 semaphore(%run_scoped3A_89 : memref<!tpu.dma_semaphore, #tpu.memory_space<semaphore_mem>>) src(%dma_wait3A_105 : memref<128x128xf32, #tpu.memory_space<hbm>>) dst(%arg9 : memref<128x128xf32, #tpu.memory_space<vmem>>)
      tpu.yield
    }) : () -> ()
    %mul3A_1 = arith.constant 632 : i32
    %mul3A_2 = arith.muli %arg1, %mul3A_1 : i32
    %add3A_3 = arith.constant 0 : i32
    %add3A_4 = arith.addi %mul3A_2, %add3A_3 : i32
    "tpu.region"() ({
      %run_scoped3A_89 = tpu.sem_alloc : memref<!tpu.dma_semaphore, #tpu.memory_space<semaphore_mem>>
      %dma_start3A_90 = arith.constant 0 : i32
      %dma_start3A_91 = tpu.memref_slice %arg11[%add3A_4, %dma_start3A_90] : memref<10112x128xf32, #tpu.memory_space<vmem_shared>> -> memref<128x128xf32, #tpu.memory_space<vmem_shared>>
      %dma_start3A_92 = arith.constant 0 : i32
      %dma_start3A_93 = tpu.memref_slice %arg11[%add3A_4, %dma_start3A_92] : memref<10112x128xf32, #tpu.memory_space<vmem_shared>> -> memref<128x128xf32, #tpu.memory_space<vmem_shared>>
      tpu.enqueue_dma source(%arg9 : memref<128x128xf32, #tpu.memory_space<vmem>>) target(%dma_start3A_93 : memref<128x128xf32, #tpu.memory_space<vmem_shared>>) target_semaphore(%run_scoped3A_89 : memref<!tpu.dma_semaphore, #tpu.memory_space<semaphore_mem>>)
      %dma_wait3A_94 = arith.constant 0 : i32
      %dma_wait3A_95 = tpu.memref_slice %arg11[%add3A_4, %dma_wait3A_94] : memref<10112x128xf32, #tpu.memory_space<vmem_shared>> -> memref<128x128xf32, #tpu.memory_space<vmem_shared>>
      %dma_wait3A_96 = arith.constant 0 : i32
      %dma_wait3A_97 = tpu.memref_slice %arg11[%add3A_4, %dma_wait3A_96] : memref<10112x128xf32, #tpu.memory_space<vmem_shared>> -> memref<128x128xf32, #tpu.memory_space<vmem_shared>>
      tpu.wait_dma2 semaphore(%run_scoped3A_89 : memref<!tpu.dma_semaphore, #tpu.memory_space<semaphore_mem>>) src(%arg9 : memref<128x128xf32, #tpu.memory_space<vmem>>) dst(%dma_wait3A_97 : memref<128x128xf32, #tpu.memory_space<vmem_shared>>)
      tpu.yield
    }) : () -> ()
    %add3A_5 = arith.constant 128 : i32
    %add3A_6 = arith.addi %mul3A_2, %add3A_5 : i32
    "tpu.region"() ({
      %run_scoped3A_89 = tpu.sem_alloc : memref<!tpu.dma_semaphore, #tpu.memory_space<semaphore_mem>>
      %dma_start3A_90 = arith.constant 0 : i32
      %dma_start3A_91 = tpu.memref_slice %arg11[%add3A_6, %dma_start3A_90] : memref<10112x128xf32, #tpu.memory_space<vmem_shared>> -> memref<128x128xf32, #tpu.memory_space<vmem_shared>>
      %dma_start3A_92 = arith.constant 0 : i32
      %dma_start3A_93 = tpu.memref_slice %arg11[%add3A_6, %dma_start3A_92] : memref<10112x128xf32, #tpu.memory_space<vmem_shared>> -> memref<128x128xf32, #tpu.memory_space<vmem_shared>>
      tpu.enqueue_dma source(%arg9 : memref<128x128xf32, #tpu.memory_space<vmem>>) target(%dma_start3A_93 : memref<128x128xf32, #tpu.memory_space<vmem_shared>>) target_semaphore(%run_scoped3A_89 : memref<!tpu.dma_semaphore, #tpu.memory_space<semaphore_mem>>)
      %dma_wait3A_94 = arith.constant 0 : i32
      %dma_wait3A_95 = tpu.memref_slice %arg11[%add3A_6, %dma_wait3A_94] : memref<10112x128xf32, #tpu.memory_space<vmem_shared>> -> memref<128x128xf32, #tpu.memory_space<vmem_shared>>
      %dma_wait3A_96 = arith.constant 0 : i32
      %dma_wait3A_97 = tpu.memref_slice %arg11[%add3A_6, %dma_wait3A_96] : memref<10112x128xf32, #tpu.memory_space<vmem_shared>> -> memref<128x128xf32, #tpu.memory_space<vmem_shared>>
      tpu.wait_dma2 semaphore(%run_scoped3A_89 : memref<!tpu.dma_semaphore, #tpu.memory_space<semaphore_mem>>) src(%arg9 : memref<128x128xf32, #tpu.memory_space<vmem>>) dst(%dma_wait3A_97 : memref<128x128xf32, #tpu.memory_space<vmem_shared>>)
      tpu.yield
    }) : () -> ()
    %add3A_7 = arith.constant 256 : i32
    %add3A_8 = arith.addi %mul3A_2, %add3A_7 : i32
    "tpu.region"() ({
      %run_scoped3A_89 = tpu.sem_alloc : memref<!tpu.dma_semaphore, #tpu.memory_space<semaphore_mem>>
      %dma_start3A_90 = arith.constant 0 : i32
      %dma_start3A_91 = tpu.memref_slice %arg11[%add3A_8, %dma_start3A_90] : memref<10112x128xf32, #tpu.memory_space<vmem_shared>> -> memref<128x128xf32, #tpu.memory_space<vmem_shared>>
      %dma_start3A_92 = arith.constant 0 : i32
      %dma_start3A_93 = tpu.memref_slice %arg11[%add3A_8, %dma_start3A_92] : memref<10112x128xf32, #tpu.memory_space<vmem_shared>> -> memref<128x128xf32, #tpu.memory_space<vmem_shared>>
      tpu.enqueue_dma source(%arg9 : memref<128x128xf32, #tpu.memory_space<vmem>>) target(%dma_start3A_93 : memref<128x128xf32, #tpu.memory_space<vmem_shared>>) target_semaphore(%run_scoped3A_89 : memref<!tpu.dma_semaphore, #tpu.memory_space<semaphore_mem>>)
      %dma_wait3A_94 = arith.constant 0 : i32
      %dma_wait3A_95 = tpu.memref_slice %arg11[%add3A_8, %dma_wait3A_94] : memref<10112x128xf32, #tpu.memory_space<vmem_shared>> -> memref<128x128xf32, #tpu.memory_space<vmem_shared>>
      %dma_wait3A_96 = arith.constant 0 : i32
      %dma_wait3A_97 = tpu.memref_slice %arg11[%add3A_8, %dma_wait3A_96] : memref<10112x128xf32, #tpu.memory_space<vmem_shared>> -> memref<128x128xf32, #tpu.memory_space<vmem_shared>>
      tpu.wait_dma2 semaphore(%run_scoped3A_89 : memref<!tpu.dma_semaphore, #tpu.memory_space<semaphore_mem>>) src(%arg9 : memref<128x128xf32, #tpu.memory_space<vmem>>) dst(%dma_wait3A_97 : memref<128x128xf32, #tpu.memory_space<vmem_shared>>)
      tpu.yield
    }) : () -> ()
    %add3A_9 = arith.constant 384 : i32
    %add3A_10 = arith.addi %mul3A_2, %add3A_9 : i32
    "tpu.region"() ({
      %run_scoped3A_89 = tpu.sem_alloc : memref<!tpu.dma_semaphore, #tpu.memory_space<semaphore_mem>>
      %dma_start3A_90 = arith.constant 0 : i32
      %dma_start3A_91 = tpu.memref_slice %arg11[%add3A_10, %dma_start3A_90] : memref<10112x128xf32, #tpu.memory_space<vmem_shared>> -> memref<128x128xf32, #tpu.memory_space<vmem_shared>>
      %dma_start3A_92 = arith.constant 0 : i32
      %dma_start3A_93 = tpu.memref_slice %arg11[%add3A_10, %dma_start3A_92] : memref<10112x128xf32, #tpu.memory_space<vmem_shared>> -> memref<128x128xf32, #tpu.memory_space<vmem_shared>>
      tpu.enqueue_dma source(%arg9 : memref<128x128xf32, #tpu.memory_space<vmem>>) target(%dma_start3A_93 : memref<128x128xf32, #tpu.memory_space<vmem_shared>>) target_semaphore(%run_scoped3A_89 : memref<!tpu.dma_semaphore, #tpu.memory_space<semaphore_mem>>)
      %dma_wait3A_94 = arith.constant 0 : i32
      %dma_wait3A_95 = tpu.memref_slice %arg11[%add3A_10, %dma_wait3A_94] : memref<10112x128xf32, #tpu.memory_space<vmem_shared>> -> memref<128x128xf32, #tpu.memory_space<vmem_shared>>
      %dma_wait3A_96 = arith.constant 0 : i32
      %dma_wait3A_97 = tpu.memref_slice %arg11[%add3A_10, %dma_wait3A_96] : memref<10112x128xf32, #tpu.memory_space<vmem_shared>> -> memref<128x128xf32, #tpu.memory_space<vmem_shared>>
      tpu.wait_dma2 semaphore(%run_scoped3A_89 : memref<!tpu.dma_semaphore, #tpu.memory_space<semaphore_mem>>) src(%arg9 : memref<128x128xf32, #tpu.memory_space<vmem>>) dst(%dma_wait3A_97 : memref<128x128xf32, #tpu.memory_space<vmem_shared>>)
      tpu.yield
    }) : () -> ()
    %add3A_11 = arith.constant 512 : i32
    %add3A_12 = arith.addi %mul3A_2, %add3A_11 : i32
    "tpu.region"() ({
      %run_scoped3A_89 = tpu.sem_alloc : memref<!tpu.dma_semaphore, #tpu.memory_space<semaphore_mem>>
      %dma_start3A_90 = arith.constant 0 : i32
      %dma_start3A_91 = arith.constant 0 : i32
      %dma_start3A_92 = tpu.memref_slice %arg9[%dma_start3A_90, %dma_start3A_91] : memref<128x128xf32, #tpu.memory_space<vmem>> -> memref<120x128xf32, #tpu.memory_space<vmem>>
      %dma_start3A_93 = arith.constant 0 : i32
      %dma_start3A_94 = tpu.memref_slice %arg11[%add3A_12, %dma_start3A_93] : memref<10112x128xf32, #tpu.memory_space<vmem_shared>> -> memref<120x128xf32, #tpu.memory_space<vmem_shared>>
      %dma_start3A_95 = arith.constant 0 : i32
      %dma_start3A_96 = tpu.memref_slice %arg11[%add3A_12, %dma_start3A_95] : memref<10112x128xf32, #tpu.memory_space<vmem_shared>> -> memref<120x128xf32, #tpu.memory_space<vmem_shared>>
      %dma_start3A_97 = arith.constant 0 : i32
      %dma_start3A_98 = arith.constant 0 : i32
      %dma_start3A_99 = tpu.memref_slice %arg9[%dma_start3A_97, %dma_start3A_98] : memref<128x128xf32, #tpu.memory_space<vmem>> -> memref<120x128xf32, #tpu.memory_space<vmem>>
      tpu.enqueue_dma source(%dma_start3A_99 : memref<120x128xf32, #tpu.memory_space<vmem>>) target(%dma_start3A_96 : memref<120x128xf32, #tpu.memory_space<vmem_shared>>) target_semaphore(%run_scoped3A_89 : memref<!tpu.dma_semaphore, #tpu.memory_space<semaphore_mem>>)
      %dma_wait3A_100 = arith.constant 0 : i32
      %dma_wait3A_101 = arith.constant 0 : i32
      %dma_wait3A_102 = tpu.memref_slice %arg9[%dma_wait3A_100, %dma_wait3A_101] : memref<128x128xf32, #tpu.memory_space<vmem>> -> memref<120x128xf32, #tpu.memory_space<vmem>>
      %dma_wait3A_103 = arith.constant 0 : i32
      %dma_wait3A_104 = tpu.memref_slice %arg11[%add3A_12, %dma_wait3A_103] : memref<10112x128xf32, #tpu.memory_space<vmem_shared>> -> memref<120x128xf32, #tpu.memory_space<vmem_shared>>
      %dma_wait3A_105 = arith.constant 0 : i32
      %dma_wait3A_106 = tpu.memref_slice %arg11[%add3A_12, %dma_wait3A_105] : memref<10112x128xf32, #tpu.memory_space<vmem_shared>> -> memref<120x128xf32, #tpu.memory_space<vmem_shared>>
      %dma_wait3A_107 = arith.constant 0 : i32
      %dma_wait3A_108 = arith.constant 0 : i32
      %dma_wait3A_109 = tpu.memref_slice %arg9[%dma_wait3A_107, %dma_wait3A_108] : memref<128x128xf32, #tpu.memory_space<vmem>> -> memref<120x128xf32, #tpu.memory_space<vmem>>
      tpu.wait_dma2 semaphore(%run_scoped3A_89 : memref<!tpu.dma_semaphore, #tpu.memory_space<semaphore_mem>>) src(%dma_wait3A_109 : memref<120x128xf32, #tpu.memory_space<vmem>>) dst(%dma_wait3A_106 : memref<120x128xf32, #tpu.memory_space<vmem_shared>>)
      tpu.yield
    }) : () -> ()
    %barrier3A = arith.constant 0 : index
    tpu.barrier barrier_id(%barrier3A)
    %run_scoped3A = arith.constant 0 : i32
    "tpu.region"() ({
      %run_scoped3A_89 = tpu.sem_alloc : memref<!tpu.dma_semaphore, #tpu.memory_space<semaphore_mem>>
      %dma_start3A_90 = arith.constant 0 : i32
      %dma_start3A_91 = arith.constant 0 : i32
      %dma_start3A_92 = tpu.memref_slice %arg3[%add3A, %run_scoped3A, %dma_start3A_90, %dma_start3A_91] : memref<32x2x40x128xi32, #tpu.memory_space<hbm>> -> memref<1x1x40x128xi32, #tpu.memory_space<hbm>>
      %dma_start3A_93 = tpu.memref_squeeze %dma_start3A_92 : memref<1x1x40x128xi32, #tpu.memory_space<hbm>> -> memref<40x128xi32, #tpu.memory_space<hbm>>
      %dma_start3A_94 = arith.constant 0 : i32
      %dma_start3A_95 = arith.constant 0 : i32
      %dma_start3A_96 = tpu.memref_slice %arg3[%add3A, %run_scoped3A, %dma_start3A_94, %dma_start3A_95] : memref<32x2x40x128xi32, #tpu.memory_space<hbm>> -> memref<1x1x40x128xi32, #tpu.memory_space<hbm>>
      %dma_start3A_97 = tpu.memref_squeeze %dma_start3A_96 : memref<1x1x40x128xi32, #tpu.memory_space<hbm>> -> memref<40x128xi32, #tpu.memory_space<hbm>>
      tpu.enqueue_dma source(%dma_start3A_97 : memref<40x128xi32, #tpu.memory_space<hbm>>) target(%arg7 : memref<40x128xi32, #tpu.memory_space<vmem>>) target_semaphore(%run_scoped3A_89 : memref<!tpu.dma_semaphore, #tpu.memory_space<semaphore_mem>>)
      %dma_wait3A_98 = arith.constant 0 : i32
      %dma_wait3A_99 = arith.constant 0 : i32
      %dma_wait3A_100 = tpu.memref_slice %arg3[%add3A, %run_scoped3A, %dma_wait3A_98, %dma_wait3A_99] : memref<32x2x40x128xi32, #tpu.memory_space<hbm>> -> memref<1x1x40x128xi32, #tpu.memory_space<hbm>>
      %dma_wait3A_101 = tpu.memref_squeeze %dma_wait3A_100 : memref<1x1x40x128xi32, #tpu.memory_space<hbm>> -> memref<40x128xi32, #tpu.memory_space<hbm>>
      %dma_wait3A_102 = arith.constant 0 : i32
      %dma_wait3A_103 = arith.constant 0 : i32
      %dma_wait3A_104 = tpu.memref_slice %arg3[%add3A, %run_scoped3A, %dma_wait3A_102, %dma_wait3A_103] : memref<32x2x40x128xi32, #tpu.memory_space<hbm>> -> memref<1x1x40x128xi32, #tpu.memory_space<hbm>>
      %dma_wait3A_105 = tpu.memref_squeeze %dma_wait3A_104 : memref<1x1x40x128xi32, #tpu.memory_space<hbm>> -> memref<40x128xi32, #tpu.memory_space<hbm>>
      tpu.wait_dma2 semaphore(%run_scoped3A_89 : memref<!tpu.dma_semaphore, #tpu.memory_space<semaphore_mem>>) src(%dma_wait3A_105 : memref<40x128xi32, #tpu.memory_space<hbm>>) dst(%arg7 : memref<40x128xi32, #tpu.memory_space<vmem>>)
      tpu.yield
    }) : () -> ()
    %run_scoped3A_13 = arith.constant 0 : i32
    "tpu.region"() ({
      %run_scoped3A_89 = tpu.sem_alloc : memref<!tpu.dma_semaphore, #tpu.memory_space<semaphore_mem>>
      %dma_start3A_90 = arith.constant 0 : i32
      %dma_start3A_91 = arith.constant 0 : i32
      %dma_start3A_92 = tpu.memref_slice %arg4[%add3A, %run_scoped3A_13, %dma_start3A_90, %dma_start3A_91] : memref<32x2x40x128xi32, #tpu.memory_space<hbm>> -> memref<1x1x40x128xi32, #tpu.memory_space<hbm>>
      %dma_start3A_93 = tpu.memref_squeeze %dma_start3A_92 : memref<1x1x40x128xi32, #tpu.memory_space<hbm>> -> memref<40x128xi32, #tpu.memory_space<hbm>>
      %dma_start3A_94 = arith.constant 0 : i32
      %dma_start3A_95 = arith.constant 0 : i32
      %dma_start3A_96 = tpu.memref_slice %arg4[%add3A, %run_scoped3A_13, %dma_start3A_94, %dma_start3A_95] : memref<32x2x40x128xi32, #tpu.memory_space<hbm>> -> memref<1x1x40x128xi32, #tpu.memory_space<hbm>>
      %dma_start3A_97 = tpu.memref_squeeze %dma_start3A_96 : memref<1x1x40x128xi32, #tpu.memory_space<hbm>> -> memref<40x128xi32, #tpu.memory_space<hbm>>
      tpu.enqueue_dma source(%dma_start3A_97 : memref<40x128xi32, #tpu.memory_space<hbm>>) target(%arg8 : memref<40x128xi32, #tpu.memory_space<vmem>>) target_semaphore(%run_scoped3A_89 : memref<!tpu.dma_semaphore, #tpu.memory_space<semaphore_mem>>)
      %dma_wait3A_98 = arith.constant 0 : i32
      %dma_wait3A_99 = arith.constant 0 : i32
      %dma_wait3A_100 = tpu.memref_slice %arg4[%add3A, %run_scoped3A_13, %dma_wait3A_98, %dma_wait3A_99] : memref<32x2x40x128xi32, #tpu.memory_space<hbm>> -> memref<1x1x40x128xi32, #tpu.memory_space<hbm>>
      %dma_wait3A_101 = tpu.memref_squeeze %dma_wait3A_100 : memref<1x1x40x128xi32, #tpu.memory_space<hbm>> -> memref<40x128xi32, #tpu.memory_space<hbm>>
      %dma_wait3A_102 = arith.constant 0 : i32
      %dma_wait3A_103 = arith.constant 0 : i32
      %dma_wait3A_104 = tpu.memref_slice %arg4[%add3A, %run_scoped3A_13, %dma_wait3A_102, %dma_wait3A_103] : memref<32x2x40x128xi32, #tpu.memory_space<hbm>> -> memref<1x1x40x128xi32, #tpu.memory_space<hbm>>
      %dma_wait3A_105 = tpu.memref_squeeze %dma_wait3A_104 : memref<1x1x40x128xi32, #tpu.memory_space<hbm>> -> memref<40x128xi32, #tpu.memory_space<hbm>>
      tpu.wait_dma2 semaphore(%run_scoped3A_89 : memref<!tpu.dma_semaphore, #tpu.memory_space<semaphore_mem>>) src(%dma_wait3A_105 : memref<40x128xi32, #tpu.memory_space<hbm>>) dst(%arg8 : memref<40x128xi32, #tpu.memory_space<vmem>>)
      tpu.yield
    }) : () -> ()
    %dma_start3A = arith.constant 0 : i32
    %dma_start3A_14 = arith.constant 0 : i32
    %dma_start3A_15 = tpu.memref_slice %arg7[%dma_start3A, %dma_start3A_14] : memref<40x128xi32, #tpu.memory_space<vmem>> -> memref<1x128xi32, #tpu.memory_space<vmem>>
    %dma_start3A_16 = tpu.memref_squeeze %dma_start3A_15 : memref<1x128xi32, #tpu.memory_space<vmem>> -> memref<128xi32, #tpu.memory_space<vmem>>
    %dma_start3A_17 = arith.constant 0 : i32
    %dma_start3A_18 = arith.constant 0 : i32
    %dma_start3A_19 = tpu.memref_slice %arg2[%dma_start3A_17, %dma_start3A_18] : memref<10000x128xf32, #tpu.memory_space<hbm>> -> memref<10000x128xf32, #tpu.memory_space<hbm>>
    tpu.enqueue_indirect_dma source(%dma_start3A_19 : memref<10000x128xf32, #tpu.memory_space<hbm>>) target(%arg9 : memref<128x128xf32, #tpu.memory_space<vmem>>) offsets(%dma_start3A_16 : memref<128xi32, #tpu.memory_space<vmem>>) semaphore(%arg12 : memref<!tpu.dma_semaphore, #tpu.memory_space<semaphore_mem>>)
    %dma_start3A_20 = arith.constant 1 : i32
    %dma_start3A_21 = arith.constant 0 : i32
    %dma_start3A_22 = tpu.memref_slice %arg7[%dma_start3A_20, %dma_start3A_21] : memref<40x128xi32, #tpu.memory_space<vmem>> -> memref<1x128xi32, #tpu.memory_space<vmem>>
    %dma_start3A_23 = tpu.memref_squeeze %dma_start3A_22 : memref<1x128xi32, #tpu.memory_space<vmem>> -> memref<128xi32, #tpu.memory_space<vmem>>
    %dma_start3A_24 = arith.constant 0 : i32
    %dma_start3A_25 = arith.constant 0 : i32
    %dma_start3A_26 = tpu.memref_slice %arg2[%dma_start3A_24, %dma_start3A_25] : memref<10000x128xf32, #tpu.memory_space<hbm>> -> memref<10000x128xf32, #tpu.memory_space<hbm>>
    tpu.enqueue_indirect_dma source(%dma_start3A_26 : memref<10000x128xf32, #tpu.memory_space<hbm>>) target(%arg10 : memref<128x128xf32, #tpu.memory_space<vmem>>) offsets(%dma_start3A_23 : memref<128xi32, #tpu.memory_space<vmem>>) semaphore(%arg13 : memref<!tpu.dma_semaphore, #tpu.memory_space<semaphore_mem>>)
    %scan3A = arith.constant 0 : i32
    %scan3A_27 = arith.constant 0 : i32
    %scan3A_28 = arith.constant 19 : i32
    %scan3A_29 = arith.addi %scan3A_27, %scan3A_28 : i32
    %scan3A_30 = arith.constant 1 : i32
    scf.for %scan3A_89 = %scan3A_27 to %scan3A_29 step %scan3A_30  : i32 {
      %mul3A_90 = arith.constant 2 : i32
      %mul3A_91 = arith.muli %mul3A_90, %scan3A_89 : i32
      %add3A_92 = arith.constant 0 : i32
      %add3A_93 = arith.addi %mul3A_91, %add3A_92 : i32
      %dma_wait3A_94 = arith.constant 0 : i32
      %dma_wait3A_95 = tpu.memref_slice %arg7[%add3A_93, %dma_wait3A_94] : memref<40x128xi32, #tpu.memory_space<vmem>> -> memref<1x128xi32, #tpu.memory_space<vmem>>
      %dma_wait3A_96 = tpu.memref_squeeze %dma_wait3A_95 : memref<1x128xi32, #tpu.memory_space<vmem>> -> memref<128xi32, #tpu.memory_space<vmem>>
      %dma_wait3A_97 = arith.constant 0 : i32
      %dma_wait3A_98 = arith.constant 0 : i32
      %dma_wait3A_99 = tpu.memref_slice %arg2[%dma_wait3A_97, %dma_wait3A_98] : memref<10000x128xf32, #tpu.memory_space<hbm>> -> memref<10000x128xf32, #tpu.memory_space<hbm>>
      tpu.wait_indirect_dma semaphore(%arg12 : memref<!tpu.dma_semaphore, #tpu.memory_space<semaphore_mem>>) src(%dma_wait3A_99 : memref<10000x128xf32, #tpu.memory_space<hbm>>) dst(%arg9 : memref<128x128xf32, #tpu.memory_space<vmem>>)
      %add3A_100 = arith.constant 0 : i32
      %add3A_101 = arith.addi %mul3A_91, %add3A_100 : i32
      "tpu.region"() ({
        %run_scoped3A_132 = tpu.sem_alloc : memref<!tpu.dma_semaphore, #tpu.memory_space<semaphore_mem>>
        %dma_start3A_133 = arith.constant 0 : i32
        %dma_start3A_134 = tpu.memref_slice %arg8[%add3A_101, %dma_start3A_133] : memref<40x128xi32, #tpu.memory_space<vmem>> -> memref<1x128xi32, #tpu.memory_space<vmem>>
        %dma_start3A_135 = tpu.memref_squeeze %dma_start3A_134 : memref<1x128xi32, #tpu.memory_space<vmem>> -> memref<128xi32, #tpu.memory_space<vmem>>
        %dma_start3A_136 = arith.constant 0 : i32
        %dma_start3A_137 = arith.constant 0 : i32
        %dma_start3A_138 = tpu.memref_slice %arg11[%dma_start3A_136, %dma_start3A_137] : memref<10112x128xf32, #tpu.memory_space<vmem_shared>> -> memref<10112x128xf32, #tpu.memory_space<vmem_shared>>
        tpu.enqueue_indirect_dma source(%arg9 : memref<128x128xf32, #tpu.memory_space<vmem>>) target(%dma_start3A_138 : memref<10112x128xf32, #tpu.memory_space<vmem_shared>>) offsets(%dma_start3A_135 : memref<128xi32, #tpu.memory_space<vmem>>) semaphore(%run_scoped3A_132 : memref<!tpu.dma_semaphore, #tpu.memory_space<semaphore_mem>>) {add = true}
        %dma_wait3A_139 = arith.constant 0 : i32
        %dma_wait3A_140 = tpu.memref_slice %arg8[%add3A_101, %dma_wait3A_139] : memref<40x128xi32, #tpu.memory_space<vmem>> -> memref<1x128xi32, #tpu.memory_space<vmem>>
        %dma_wait3A_141 = tpu.memref_squeeze %dma_wait3A_140 : memref<1x128xi32, #tpu.memory_space<vmem>> -> memref<128xi32, #tpu.memory_space<vmem>>
        %dma_wait3A_142 = arith.constant 0 : i32
        %dma_wait3A_143 = arith.constant 0 : i32
        %dma_wait3A_144 = tpu.memref_slice %arg11[%dma_wait3A_142, %dma_wait3A_143] : memref<10112x128xf32, #tpu.memory_space<vmem_shared>> -> memref<10112x128xf32, #tpu.memory_space<vmem_shared>>
        tpu.wait_indirect_dma semaphore(%run_scoped3A_132 : memref<!tpu.dma_semaphore, #tpu.memory_space<semaphore_mem>>) src(%arg9 : memref<128x128xf32, #tpu.memory_space<vmem>>) dst(%dma_wait3A_144 : memref<10112x128xf32, #tpu.memory_space<vmem_shared>>)
        tpu.yield
      }) : () -> ()
      %add3A_102 = arith.constant 0 : i32
      %add3A_103 = arith.addi %mul3A_91, %add3A_102 : i32
      %add3A_104 = arith.constant 2 : i32
      %add3A_105 = arith.addi %add3A_103, %add3A_104 : i32
      %dma_start3A_106 = arith.constant 0 : i32
      %dma_start3A_107 = tpu.memref_slice %arg7[%add3A_105, %dma_start3A_106] : memref<40x128xi32, #tpu.memory_space<vmem>> -> memref<1x128xi32, #tpu.memory_space<vmem>>
      %dma_start3A_108 = tpu.memref_squeeze %dma_start3A_107 : memref<1x128xi32, #tpu.memory_space<vmem>> -> memref<128xi32, #tpu.memory_space<vmem>>
      %dma_start3A_109 = arith.constant 0 : i32
      %dma_start3A_110 = arith.constant 0 : i32
      %dma_start3A_111 = tpu.memref_slice %arg2[%dma_start3A_109, %dma_start3A_110] : memref<10000x128xf32, #tpu.memory_space<hbm>> -> memref<10000x128xf32, #tpu.memory_space<hbm>>
      tpu.enqueue_indirect_dma source(%dma_start3A_111 : memref<10000x128xf32, #tpu.memory_space<hbm>>) target(%arg9 : memref<128x128xf32, #tpu.memory_space<vmem>>) offsets(%dma_start3A_108 : memref<128xi32, #tpu.memory_space<vmem>>) semaphore(%arg12 : memref<!tpu.dma_semaphore, #tpu.memory_space<semaphore_mem>>)
      %add3A_112 = arith.constant 1 : i32
      %add3A_113 = arith.addi %mul3A_91, %add3A_112 : i32
      %dma_wait3A_114 = arith.constant 0 : i32
      %dma_wait3A_115 = tpu.memref_slice %arg7[%add3A_113, %dma_wait3A_114] : memref<40x128xi32, #tpu.memory_space<vmem>> -> memref<1x128xi32, #tpu.memory_space<vmem>>
      %dma_wait3A_116 = tpu.memref_squeeze %dma_wait3A_115 : memref<1x128xi32, #tpu.memory_space<vmem>> -> memref<128xi32, #tpu.memory_space<vmem>>
      %dma_wait3A_117 = arith.constant 0 : i32
      %dma_wait3A_118 = arith.constant 0 : i32
      %dma_wait3A_119 = tpu.memref_slice %arg2[%dma_wait3A_117, %dma_wait3A_118] : memref<10000x128xf32, #tpu.memory_space<hbm>> -> memref<10000x128xf32, #tpu.memory_space<hbm>>
      tpu.wait_indirect_dma semaphore(%arg13 : memref<!tpu.dma_semaphore, #tpu.memory_space<semaphore_mem>>) src(%dma_wait3A_119 : memref<10000x128xf32, #tpu.memory_space<hbm>>) dst(%arg10 : memref<128x128xf32, #tpu.memory_space<vmem>>)
      %add3A_120 = arith.constant 1 : i32
      %add3A_121 = arith.addi %mul3A_91, %add3A_120 : i32
      "tpu.region"() ({
        %run_scoped3A_132 = tpu.sem_alloc : memref<!tpu.dma_semaphore, #tpu.memory_space<semaphore_mem>>
        %dma_start3A_133 = arith.constant 0 : i32
        %dma_start3A_134 = tpu.memref_slice %arg8[%add3A_121, %dma_start3A_133] : memref<40x128xi32, #tpu.memory_space<vmem>> -> memref<1x128xi32, #tpu.memory_space<vmem>>
        %dma_start3A_135 = tpu.memref_squeeze %dma_start3A_134 : memref<1x128xi32, #tpu.memory_space<vmem>> -> memref<128xi32, #tpu.memory_space<vmem>>
        %dma_start3A_136 = arith.constant 0 : i32
        %dma_start3A_137 = arith.constant 0 : i32
        %dma_start3A_138 = tpu.memref_slice %arg11[%dma_start3A_136, %dma_start3A_137] : memref<10112x128xf32, #tpu.memory_space<vmem_shared>> -> memref<10112x128xf32, #tpu.memory_space<vmem_shared>>
        tpu.enqueue_indirect_dma source(%arg10 : memref<128x128xf32, #tpu.memory_space<vmem>>) target(%dma_start3A_138 : memref<10112x128xf32, #tpu.memory_space<vmem_shared>>) offsets(%dma_start3A_135 : memref<128xi32, #tpu.memory_space<vmem>>) semaphore(%run_scoped3A_132 : memref<!tpu.dma_semaphore, #tpu.memory_space<semaphore_mem>>) {add = true}
        %dma_wait3A_139 = arith.constant 0 : i32
        %dma_wait3A_140 = tpu.memref_slice %arg8[%add3A_121, %dma_wait3A_139] : memref<40x128xi32, #tpu.memory_space<vmem>> -> memref<1x128xi32, #tpu.memory_space<vmem>>
        %dma_wait3A_141 = tpu.memref_squeeze %dma_wait3A_140 : memref<1x128xi32, #tpu.memory_space<vmem>> -> memref<128xi32, #tpu.memory_space<vmem>>
        %dma_wait3A_142 = arith.constant 0 : i32
        %dma_wait3A_143 = arith.constant 0 : i32
        %dma_wait3A_144 = tpu.memref_slice %arg11[%dma_wait3A_142, %dma_wait3A_143] : memref<10112x128xf32, #tpu.memory_space<vmem_shared>> -> memref<10112x128xf32, #tpu.memory_space<vmem_shared>>
        tpu.wait_indirect_dma semaphore(%run_scoped3A_132 : memref<!tpu.dma_semaphore, #tpu.memory_space<semaphore_mem>>) src(%arg10 : memref<128x128xf32, #tpu.memory_space<vmem>>) dst(%dma_wait3A_144 : memref<10112x128xf32, #tpu.memory_space<vmem_shared>>)
        tpu.yield
      }) : () -> ()
      %add3A_122 = arith.constant 1 : i32
      %add3A_123 = arith.addi %mul3A_91, %add3A_122 : i32
      %add3A_124 = arith.constant 2 : i32
      %add3A_125 = arith.addi %add3A_123, %add3A_124 : i32
      %dma_start3A_126 = arith.constant 0 : i32
      %dma_start3A_127 = tpu.memref_slice %arg7[%add3A_125, %dma_start3A_126] : memref<40x128xi32, #tpu.memory_space<vmem>> -> memref<1x128xi32, #tpu.memory_space<vmem>>
      %dma_start3A_128 = tpu.memref_squeeze %dma_start3A_127 : memref<1x128xi32, #tpu.memory_space<vmem>> -> memref<128xi32, #tpu.memory_space<vmem>>
      %dma_start3A_129 = arith.constant 0 : i32
      %dma_start3A_130 = arith.constant 0 : i32
      %dma_start3A_131 = tpu.memref_slice %arg2[%dma_start3A_129, %dma_start3A_130] : memref<10000x128xf32, #tpu.memory_space<hbm>> -> memref<10000x128xf32, #tpu.memory_space<hbm>>
      tpu.enqueue_indirect_dma source(%dma_start3A_131 : memref<10000x128xf32, #tpu.memory_space<hbm>>) target(%arg10 : memref<128x128xf32, #tpu.memory_space<vmem>>) offsets(%dma_start3A_128 : memref<128xi32, #tpu.memory_space<vmem>>) semaphore(%arg13 : memref<!tpu.dma_semaphore, #tpu.memory_space<semaphore_mem>>)
    }
    %scan3A_31 = arith.constant 19 : i32
    %dma_wait3A = arith.constant 38 : i32
    %dma_wait3A_32 = arith.constant 0 : i32
    %dma_wait3A_33 = tpu.memref_slice %arg7[%dma_wait3A, %dma_wait3A_32] : memref<40x128xi32, #tpu.memory_space<vmem>> -> memref<1x128xi32, #tpu.memory_space<vmem>>
    %dma_wait3A_34 = tpu.memref_squeeze %dma_wait3A_33 : memref<1x128xi32, #tpu.memory_space<vmem>> -> memref<128xi32, #tpu.memory_space<vmem>>
    %dma_wait3A_35 = arith.constant 0 : i32
    %dma_wait3A_36 = arith.constant 0 : i32
    %dma_wait3A_37 = tpu.memref_slice %arg2[%dma_wait3A_35, %dma_wait3A_36] : memref<10000x128xf32, #tpu.memory_space<hbm>> -> memref<10000x128xf32, #tpu.memory_space<hbm>>
    tpu.wait_indirect_dma semaphore(%arg12 : memref<!tpu.dma_semaphore, #tpu.memory_space<semaphore_mem>>) src(%dma_wait3A_37 : memref<10000x128xf32, #tpu.memory_space<hbm>>) dst(%arg9 : memref<128x128xf32, #tpu.memory_space<vmem>>)
    %run_scoped3A_38 = arith.constant 38 : i32
    "tpu.region"() ({
      %run_scoped3A_89 = tpu.sem_alloc : memref<!tpu.dma_semaphore, #tpu.memory_space<semaphore_mem>>
      %dma_start3A_90 = arith.constant 0 : i32
      %dma_start3A_91 = tpu.memref_slice %arg8[%run_scoped3A_38, %dma_start3A_90] : memref<40x128xi32, #tpu.memory_space<vmem>> -> memref<1x128xi32, #tpu.memory_space<vmem>>
      %dma_start3A_92 = tpu.memref_squeeze %dma_start3A_91 : memref<1x128xi32, #tpu.memory_space<vmem>> -> memref<128xi32, #tpu.memory_space<vmem>>
      %dma_start3A_93 = arith.constant 0 : i32
      %dma_start3A_94 = arith.constant 0 : i32
      %dma_start3A_95 = tpu.memref_slice %arg11[%dma_start3A_93, %dma_start3A_94] : memref<10112x128xf32, #tpu.memory_space<vmem_shared>> -> memref<10112x128xf32, #tpu.memory_space<vmem_shared>>
      tpu.enqueue_indirect_dma source(%arg9 : memref<128x128xf32, #tpu.memory_space<vmem>>) target(%dma_start3A_95 : memref<10112x128xf32, #tpu.memory_space<vmem_shared>>) offsets(%dma_start3A_92 : memref<128xi32, #tpu.memory_space<vmem>>) semaphore(%run_scoped3A_89 : memref<!tpu.dma_semaphore, #tpu.memory_space<semaphore_mem>>) {add = true}
      %dma_wait3A_96 = arith.constant 0 : i32
      %dma_wait3A_97 = tpu.memref_slice %arg8[%run_scoped3A_38, %dma_wait3A_96] : memref<40x128xi32, #tpu.memory_space<vmem>> -> memref<1x128xi32, #tpu.memory_space<vmem>>
      %dma_wait3A_98 = tpu.memref_squeeze %dma_wait3A_97 : memref<1x128xi32, #tpu.memory_space<vmem>> -> memref<128xi32, #tpu.memory_space<vmem>>
      %dma_wait3A_99 = arith.constant 0 : i32
      %dma_wait3A_100 = arith.constant 0 : i32
      %dma_wait3A_101 = tpu.memref_slice %arg11[%dma_wait3A_99, %dma_wait3A_100] : memref<10112x128xf32, #tpu.memory_space<vmem_shared>> -> memref<10112x128xf32, #tpu.memory_space<vmem_shared>>
      tpu.wait_indirect_dma semaphore(%run_scoped3A_89 : memref<!tpu.dma_semaphore, #tpu.memory_space<semaphore_mem>>) src(%arg9 : memref<128x128xf32, #tpu.memory_space<vmem>>) dst(%dma_wait3A_101 : memref<10112x128xf32, #tpu.memory_space<vmem_shared>>)
      tpu.yield
    }) : () -> ()
    %dma_wait3A_39 = arith.constant 39 : i32
    %dma_wait3A_40 = arith.constant 0 : i32
    %dma_wait3A_41 = tpu.memref_slice %arg7[%dma_wait3A_39, %dma_wait3A_40] : memref<40x128xi32, #tpu.memory_space<vmem>> -> memref<1x128xi32, #tpu.memory_space<vmem>>
    %dma_wait3A_42 = tpu.memref_squeeze %dma_wait3A_41 : memref<1x128xi32, #tpu.memory_space<vmem>> -> memref<128xi32, #tpu.memory_space<vmem>>
    %dma_wait3A_43 = arith.constant 0 : i32
    %dma_wait3A_44 = arith.constant 0 : i32
    %dma_wait3A_45 = tpu.memref_slice %arg2[%dma_wait3A_43, %dma_wait3A_44] : memref<10000x128xf32, #tpu.memory_space<hbm>> -> memref<10000x128xf32, #tpu.memory_space<hbm>>
    tpu.wait_indirect_dma semaphore(%arg13 : memref<!tpu.dma_semaphore, #tpu.memory_space<semaphore_mem>>) src(%dma_wait3A_45 : memref<10000x128xf32, #tpu.memory_space<hbm>>) dst(%arg10 : memref<128x128xf32, #tpu.memory_space<vmem>>)
    %run_scoped3A_46 = arith.constant 39 : i32
    "tpu.region"() ({
      %run_scoped3A_89 = tpu.sem_alloc : memref<!tpu.dma_semaphore, #tpu.memory_space<semaphore_mem>>
      %dma_start3A_90 = arith.constant 0 : i32
      %dma_start3A_91 = tpu.memref_slice %arg8[%run_scoped3A_46, %dma_start3A_90] : memref<40x128xi32, #tpu.memory_space<vmem>> -> memref<1x128xi32, #tpu.memory_space<vmem>>
      %dma_start3A_92 = tpu.memref_squeeze %dma_start3A_91 : memref<1x128xi32, #tpu.memory_space<vmem>> -> memref<128xi32, #tpu.memory_space<vmem>>
      %dma_start3A_93 = arith.constant 0 : i32
      %dma_start3A_94 = arith.constant 0 : i32
      %dma_start3A_95 = tpu.memref_slice %arg11[%dma_start3A_93, %dma_start3A_94] : memref<10112x128xf32, #tpu.memory_space<vmem_shared>> -> memref<10112x128xf32, #tpu.memory_space<vmem_shared>>
      tpu.enqueue_indirect_dma source(%arg10 : memref<128x128xf32, #tpu.memory_space<vmem>>) target(%dma_start3A_95 : memref<10112x128xf32, #tpu.memory_space<vmem_shared>>) offsets(%dma_start3A_92 : memref<128xi32, #tpu.memory_space<vmem>>) semaphore(%run_scoped3A_89 : memref<!tpu.dma_semaphore, #tpu.memory_space<semaphore_mem>>) {add = true}
      %dma_wait3A_96 = arith.constant 0 : i32
      %dma_wait3A_97 = tpu.memref_slice %arg8[%run_scoped3A_46, %dma_wait3A_96] : memref<40x128xi32, #tpu.memory_space<vmem>> -> memref<1x128xi32, #tpu.memory_space<vmem>>
      %dma_wait3A_98 = tpu.memref_squeeze %dma_wait3A_97 : memref<1x128xi32, #tpu.memory_space<vmem>> -> memref<128xi32, #tpu.memory_space<vmem>>
      %dma_wait3A_99 = arith.constant 0 : i32
      %dma_wait3A_100 = arith.constant 0 : i32
      %dma_wait3A_101 = tpu.memref_slice %arg11[%dma_wait3A_99, %dma_wait3A_100] : memref<10112x128xf32, #tpu.memory_space<vmem_shared>> -> memref<10112x128xf32, #tpu.memory_space<vmem_shared>>
      tpu.wait_indirect_dma semaphore(%run_scoped3A_89 : memref<!tpu.dma_semaphore, #tpu.memory_space<semaphore_mem>>) src(%arg10 : memref<128x128xf32, #tpu.memory_space<vmem>>) dst(%dma_wait3A_101 : memref<10112x128xf32, #tpu.memory_space<vmem_shared>>)
      tpu.yield
    }) : () -> ()
    %run_scoped3A_47 = arith.constant 1 : i32
    "tpu.region"() ({
      %run_scoped3A_89 = tpu.sem_alloc : memref<!tpu.dma_semaphore, #tpu.memory_space<semaphore_mem>>
      %dma_start3A_90 = arith.constant 0 : i32
      %dma_start3A_91 = arith.constant 0 : i32
      %dma_start3A_92 = tpu.memref_slice %arg3[%add3A, %run_scoped3A_47, %dma_start3A_90, %dma_start3A_91] : memref<32x2x40x128xi32, #tpu.memory_space<hbm>> -> memref<1x1x40x128xi32, #tpu.memory_space<hbm>>
      %dma_start3A_93 = tpu.memref_squeeze %dma_start3A_92 : memref<1x1x40x128xi32, #tpu.memory_space<hbm>> -> memref<40x128xi32, #tpu.memory_space<hbm>>
      %dma_start3A_94 = arith.constant 0 : i32
      %dma_start3A_95 = arith.constant 0 : i32
      %dma_start3A_96 = tpu.memref_slice %arg3[%add3A, %run_scoped3A_47, %dma_start3A_94, %dma_start3A_95] : memref<32x2x40x128xi32, #tpu.memory_space<hbm>> -> memref<1x1x40x128xi32, #tpu.memory_space<hbm>>
      %dma_start3A_97 = tpu.memref_squeeze %dma_start3A_96 : memref<1x1x40x128xi32, #tpu.memory_space<hbm>> -> memref<40x128xi32, #tpu.memory_space<hbm>>
      tpu.enqueue_dma source(%dma_start3A_97 : memref<40x128xi32, #tpu.memory_space<hbm>>) target(%arg7 : memref<40x128xi32, #tpu.memory_space<vmem>>) target_semaphore(%run_scoped3A_89 : memref<!tpu.dma_semaphore, #tpu.memory_space<semaphore_mem>>)
      %dma_wait3A_98 = arith.constant 0 : i32
      %dma_wait3A_99 = arith.constant 0 : i32
      %dma_wait3A_100 = tpu.memref_slice %arg3[%add3A, %run_scoped3A_47, %dma_wait3A_98, %dma_wait3A_99] : memref<32x2x40x128xi32, #tpu.memory_space<hbm>> -> memref<1x1x40x128xi32, #tpu.memory_space<hbm>>
      %dma_wait3A_101 = tpu.memref_squeeze %dma_wait3A_100 : memref<1x1x40x128xi32, #tpu.memory_space<hbm>> -> memref<40x128xi32, #tpu.memory_space<hbm>>
      %dma_wait3A_102 = arith.constant 0 : i32
      %dma_wait3A_103 = arith.constant 0 : i32
      %dma_wait3A_104 = tpu.memref_slice %arg3[%add3A, %run_scoped3A_47, %dma_wait3A_102, %dma_wait3A_103] : memref<32x2x40x128xi32, #tpu.memory_space<hbm>> -> memref<1x1x40x128xi32, #tpu.memory_space<hbm>>
      %dma_wait3A_105 = tpu.memref_squeeze %dma_wait3A_104 : memref<1x1x40x128xi32, #tpu.memory_space<hbm>> -> memref<40x128xi32, #tpu.memory_space<hbm>>
      tpu.wait_dma2 semaphore(%run_scoped3A_89 : memref<!tpu.dma_semaphore, #tpu.memory_space<semaphore_mem>>) src(%dma_wait3A_105 : memref<40x128xi32, #tpu.memory_space<hbm>>) dst(%arg7 : memref<40x128xi32, #tpu.memory_space<vmem>>)
      tpu.yield
    }) : () -> ()
    %run_scoped3A_48 = arith.constant 1 : i32
    "tpu.region"() ({
      %run_scoped3A_89 = tpu.sem_alloc : memref<!tpu.dma_semaphore, #tpu.memory_space<semaphore_mem>>
      %dma_start3A_90 = arith.constant 0 : i32
      %dma_start3A_91 = arith.constant 0 : i32
      %dma_start3A_92 = tpu.memref_slice %arg4[%add3A, %run_scoped3A_48, %dma_start3A_90, %dma_start3A_91] : memref<32x2x40x128xi32, #tpu.memory_space<hbm>> -> memref<1x1x40x128xi32, #tpu.memory_space<hbm>>
      %dma_start3A_93 = tpu.memref_squeeze %dma_start3A_92 : memref<1x1x40x128xi32, #tpu.memory_space<hbm>> -> memref<40x128xi32, #tpu.memory_space<hbm>>
      %dma_start3A_94 = arith.constant 0 : i32
      %dma_start3A_95 = arith.constant 0 : i32
      %dma_start3A_96 = tpu.memref_slice %arg4[%add3A, %run_scoped3A_48, %dma_start3A_94, %dma_start3A_95] : memref<32x2x40x128xi32, #tpu.memory_space<hbm>> -> memref<1x1x40x128xi32, #tpu.memory_space<hbm>>
      %dma_start3A_97 = tpu.memref_squeeze %dma_start3A_96 : memref<1x1x40x128xi32, #tpu.memory_space<hbm>> -> memref<40x128xi32, #tpu.memory_space<hbm>>
      tpu.enqueue_dma source(%dma_start3A_97 : memref<40x128xi32, #tpu.memory_space<hbm>>) target(%arg8 : memref<40x128xi32, #tpu.memory_space<vmem>>) target_semaphore(%run_scoped3A_89 : memref<!tpu.dma_semaphore, #tpu.memory_space<semaphore_mem>>)
      %dma_wait3A_98 = arith.constant 0 : i32
      %dma_wait3A_99 = arith.constant 0 : i32
      %dma_wait3A_100 = tpu.memref_slice %arg4[%add3A, %run_scoped3A_48, %dma_wait3A_98, %dma_wait3A_99] : memref<32x2x40x128xi32, #tpu.memory_space<hbm>> -> memref<1x1x40x128xi32, #tpu.memory_space<hbm>>
      %dma_wait3A_101 = tpu.memref_squeeze %dma_wait3A_100 : memref<1x1x40x128xi32, #tpu.memory_space<hbm>> -> memref<40x128xi32, #tpu.memory_space<hbm>>
      %dma_wait3A_102 = arith.constant 0 : i32
      %dma_wait3A_103 = arith.constant 0 : i32
      %dma_wait3A_104 = tpu.memref_slice %arg4[%add3A, %run_scoped3A_48, %dma_wait3A_102, %dma_wait3A_103] : memref<32x2x40x128xi32, #tpu.memory_space<hbm>> -> memref<1x1x40x128xi32, #tpu.memory_space<hbm>>
      %dma_wait3A_105 = tpu.memref_squeeze %dma_wait3A_104 : memref<1x1x40x128xi32, #tpu.memory_space<hbm>> -> memref<40x128xi32, #tpu.memory_space<hbm>>
      tpu.wait_dma2 semaphore(%run_scoped3A_89 : memref<!tpu.dma_semaphore, #tpu.memory_space<semaphore_mem>>) src(%dma_wait3A_105 : memref<40x128xi32, #tpu.memory_space<hbm>>) dst(%arg8 : memref<40x128xi32, #tpu.memory_space<vmem>>)
      tpu.yield
    }) : () -> ()
    %dma_start3A_49 = arith.constant 0 : i32
    %dma_start3A_50 = arith.constant 0 : i32
    %dma_start3A_51 = tpu.memref_slice %arg7[%dma_start3A_49, %dma_start3A_50] : memref<40x128xi32, #tpu.memory_space<vmem>> -> memref<1x128xi32, #tpu.memory_space<vmem>>
    %dma_start3A_52 = tpu.memref_squeeze %dma_start3A_51 : memref<1x128xi32, #tpu.memory_space<vmem>> -> memref<128xi32, #tpu.memory_space<vmem>>
    %dma_start3A_53 = arith.constant 0 : i32
    %dma_start3A_54 = arith.constant 0 : i32
    %dma_start3A_55 = tpu.memref_slice %arg2[%dma_start3A_53, %dma_start3A_54] : memref<10000x128xf32, #tpu.memory_space<hbm>> -> memref<10000x128xf32, #tpu.memory_space<hbm>>
    tpu.enqueue_indirect_dma source(%dma_start3A_55 : memref<10000x128xf32, #tpu.memory_space<hbm>>) target(%arg9 : memref<128x128xf32, #tpu.memory_space<vmem>>) offsets(%dma_start3A_52 : memref<128xi32, #tpu.memory_space<vmem>>) semaphore(%arg12 : memref<!tpu.dma_semaphore, #tpu.memory_space<semaphore_mem>>)
    %dma_start3A_56 = arith.constant 1 : i32
    %dma_start3A_57 = arith.constant 0 : i32
    %dma_start3A_58 = tpu.memref_slice %arg7[%dma_start3A_56, %dma_start3A_57] : memref<40x128xi32, #tpu.memory_space<vmem>> -> memref<1x128xi32, #tpu.memory_space<vmem>>
    %dma_start3A_59 = tpu.memref_squeeze %dma_start3A_58 : memref<1x128xi32, #tpu.memory_space<vmem>> -> memref<128xi32, #tpu.memory_space<vmem>>
    %dma_start3A_60 = arith.constant 0 : i32
    %dma_start3A_61 = arith.constant 0 : i32
    %dma_start3A_62 = tpu.memref_slice %arg2[%dma_start3A_60, %dma_start3A_61] : memref<10000x128xf32, #tpu.memory_space<hbm>> -> memref<10000x128xf32, #tpu.memory_space<hbm>>
    tpu.enqueue_indirect_dma source(%dma_start3A_62 : memref<10000x128xf32, #tpu.memory_space<hbm>>) target(%arg10 : memref<128x128xf32, #tpu.memory_space<vmem>>) offsets(%dma_start3A_59 : memref<128xi32, #tpu.memory_space<vmem>>) semaphore(%arg13 : memref<!tpu.dma_semaphore, #tpu.memory_space<semaphore_mem>>)
    %scan3A_63 = arith.constant 0 : i32
    %scan3A_64 = arith.constant 0 : i32
    %scan3A_65 = arith.constant 19 : i32
    %scan3A_66 = arith.addi %scan3A_64, %scan3A_65 : i32
    %scan3A_67 = arith.constant 1 : i32
    scf.for %scan3A_89 = %scan3A_64 to %scan3A_66 step %scan3A_67  : i32 {
      %mul3A_90 = arith.constant 2 : i32
      %mul3A_91 = arith.muli %mul3A_90, %scan3A_89 : i32
      %add3A_92 = arith.constant 0 : i32
      %add3A_93 = arith.addi %mul3A_91, %add3A_92 : i32
      %dma_wait3A_94 = arith.constant 0 : i32
      %dma_wait3A_95 = tpu.memref_slice %arg7[%add3A_93, %dma_wait3A_94] : memref<40x128xi32, #tpu.memory_space<vmem>> -> memref<1x128xi32, #tpu.memory_space<vmem>>
      %dma_wait3A_96 = tpu.memref_squeeze %dma_wait3A_95 : memref<1x128xi32, #tpu.memory_space<vmem>> -> memref<128xi32, #tpu.memory_space<vmem>>
      %dma_wait3A_97 = arith.constant 0 : i32
      %dma_wait3A_98 = arith.constant 0 : i32
      %dma_wait3A_99 = tpu.memref_slice %arg2[%dma_wait3A_97, %dma_wait3A_98] : memref<10000x128xf32, #tpu.memory_space<hbm>> -> memref<10000x128xf32, #tpu.memory_space<hbm>>
      tpu.wait_indirect_dma semaphore(%arg12 : memref<!tpu.dma_semaphore, #tpu.memory_space<semaphore_mem>>) src(%dma_wait3A_99 : memref<10000x128xf32, #tpu.memory_space<hbm>>) dst(%arg9 : memref<128x128xf32, #tpu.memory_space<vmem>>)
      %add3A_100 = arith.constant 0 : i32
      %add3A_101 = arith.addi %mul3A_91, %add3A_100 : i32
      "tpu.region"() ({
        %run_scoped3A_132 = tpu.sem_alloc : memref<!tpu.dma_semaphore, #tpu.memory_space<semaphore_mem>>
        %dma_start3A_133 = arith.constant 0 : i32
        %dma_start3A_134 = tpu.memref_slice %arg8[%add3A_101, %dma_start3A_133] : memref<40x128xi32, #tpu.memory_space<vmem>> -> memref<1x128xi32, #tpu.memory_space<vmem>>
        %dma_start3A_135 = tpu.memref_squeeze %dma_start3A_134 : memref<1x128xi32, #tpu.memory_space<vmem>> -> memref<128xi32, #tpu.memory_space<vmem>>
        %dma_start3A_136 = arith.constant 0 : i32
        %dma_start3A_137 = arith.constant 0 : i32
        %dma_start3A_138 = tpu.memref_slice %arg11[%dma_start3A_136, %dma_start3A_137] : memref<10112x128xf32, #tpu.memory_space<vmem_shared>> -> memref<10112x128xf32, #tpu.memory_space<vmem_shared>>
        tpu.enqueue_indirect_dma source(%arg9 : memref<128x128xf32, #tpu.memory_space<vmem>>) target(%dma_start3A_138 : memref<10112x128xf32, #tpu.memory_space<vmem_shared>>) offsets(%dma_start3A_135 : memref<128xi32, #tpu.memory_space<vmem>>) semaphore(%run_scoped3A_132 : memref<!tpu.dma_semaphore, #tpu.memory_space<semaphore_mem>>) {add = true}
        %dma_wait3A_139 = arith.constant 0 : i32
        %dma_wait3A_140 = tpu.memref_slice %arg8[%add3A_101, %dma_wait3A_139] : memref<40x128xi32, #tpu.memory_space<vmem>> -> memref<1x128xi32, #tpu.memory_space<vmem>>
        %dma_wait3A_141 = tpu.memref_squeeze %dma_wait3A_140 : memref<1x128xi32, #tpu.memory_space<vmem>> -> memref<128xi32, #tpu.memory_space<vmem>>
        %dma_wait3A_142 = arith.constant 0 : i32
        %dma_wait3A_143 = arith.constant 0 : i32
        %dma_wait3A_144 = tpu.memref_slice %arg11[%dma_wait3A_142, %dma_wait3A_143] : memref<10112x128xf32, #tpu.memory_space<vmem_shared>> -> memref<10112x128xf32, #tpu.memory_space<vmem_shared>>
        tpu.wait_indirect_dma semaphore(%run_scoped3A_132 : memref<!tpu.dma_semaphore, #tpu.memory_space<semaphore_mem>>) src(%arg9 : memref<128x128xf32, #tpu.memory_space<vmem>>) dst(%dma_wait3A_144 : memref<10112x128xf32, #tpu.memory_space<vmem_shared>>)
        tpu.yield
      }) : () -> ()
      %add3A_102 = arith.constant 0 : i32
      %add3A_103 = arith.addi %mul3A_91, %add3A_102 : i32
      %add3A_104 = arith.constant 2 : i32
      %add3A_105 = arith.addi %add3A_103, %add3A_104 : i32
      %dma_start3A_106 = arith.constant 0 : i32
      %dma_start3A_107 = tpu.memref_slice %arg7[%add3A_105, %dma_start3A_106] : memref<40x128xi32, #tpu.memory_space<vmem>> -> memref<1x128xi32, #tpu.memory_space<vmem>>
      %dma_start3A_108 = tpu.memref_squeeze %dma_start3A_107 : memref<1x128xi32, #tpu.memory_space<vmem>> -> memref<128xi32, #tpu.memory_space<vmem>>
      %dma_start3A_109 = arith.constant 0 : i32
      %dma_start3A_110 = arith.constant 0 : i32
      %dma_start3A_111 = tpu.memref_slice %arg2[%dma_start3A_109, %dma_start3A_110] : memref<10000x128xf32, #tpu.memory_space<hbm>> -> memref<10000x128xf32, #tpu.memory_space<hbm>>
      tpu.enqueue_indirect_dma source(%dma_start3A_111 : memref<10000x128xf32, #tpu.memory_space<hbm>>) target(%arg9 : memref<128x128xf32, #tpu.memory_space<vmem>>) offsets(%dma_start3A_108 : memref<128xi32, #tpu.memory_space<vmem>>) semaphore(%arg12 : memref<!tpu.dma_semaphore, #tpu.memory_space<semaphore_mem>>)
      %add3A_112 = arith.constant 1 : i32
      %add3A_113 = arith.addi %mul3A_91, %add3A_112 : i32
      %dma_wait3A_114 = arith.constant 0 : i32
      %dma_wait3A_115 = tpu.memref_slice %arg7[%add3A_113, %dma_wait3A_114] : memref<40x128xi32, #tpu.memory_space<vmem>> -> memref<1x128xi32, #tpu.memory_space<vmem>>
      %dma_wait3A_116 = tpu.memref_squeeze %dma_wait3A_115 : memref<1x128xi32, #tpu.memory_space<vmem>> -> memref<128xi32, #tpu.memory_space<vmem>>
      %dma_wait3A_117 = arith.constant 0 : i32
      %dma_wait3A_118 = arith.constant 0 : i32
      %dma_wait3A_119 = tpu.memref_slice %arg2[%dma_wait3A_117, %dma_wait3A_118] : memref<10000x128xf32, #tpu.memory_space<hbm>> -> memref<10000x128xf32, #tpu.memory_space<hbm>>
      tpu.wait_indirect_dma semaphore(%arg13 : memref<!tpu.dma_semaphore, #tpu.memory_space<semaphore_mem>>) src(%dma_wait3A_119 : memref<10000x128xf32, #tpu.memory_space<hbm>>) dst(%arg10 : memref<128x128xf32, #tpu.memory_space<vmem>>)
      %add3A_120 = arith.constant 1 : i32
      %add3A_121 = arith.addi %mul3A_91, %add3A_120 : i32
      "tpu.region"() ({
        %run_scoped3A_132 = tpu.sem_alloc : memref<!tpu.dma_semaphore, #tpu.memory_space<semaphore_mem>>
        %dma_start3A_133 = arith.constant 0 : i32
        %dma_start3A_134 = tpu.memref_slice %arg8[%add3A_121, %dma_start3A_133] : memref<40x128xi32, #tpu.memory_space<vmem>> -> memref<1x128xi32, #tpu.memory_space<vmem>>
        %dma_start3A_135 = tpu.memref_squeeze %dma_start3A_134 : memref<1x128xi32, #tpu.memory_space<vmem>> -> memref<128xi32, #tpu.memory_space<vmem>>
        %dma_start3A_136 = arith.constant 0 : i32
        %dma_start3A_137 = arith.constant 0 : i32
        %dma_start3A_138 = tpu.memref_slice %arg11[%dma_start3A_136, %dma_start3A_137] : memref<10112x128xf32, #tpu.memory_space<vmem_shared>> -> memref<10112x128xf32, #tpu.memory_space<vmem_shared>>
        tpu.enqueue_indirect_dma source(%arg10 : memref<128x128xf32, #tpu.memory_space<vmem>>) target(%dma_start3A_138 : memref<10112x128xf32, #tpu.memory_space<vmem_shared>>) offsets(%dma_start3A_135 : memref<128xi32, #tpu.memory_space<vmem>>) semaphore(%run_scoped3A_132 : memref<!tpu.dma_semaphore, #tpu.memory_space<semaphore_mem>>) {add = true}
        %dma_wait3A_139 = arith.constant 0 : i32
        %dma_wait3A_140 = tpu.memref_slice %arg8[%add3A_121, %dma_wait3A_139] : memref<40x128xi32, #tpu.memory_space<vmem>> -> memref<1x128xi32, #tpu.memory_space<vmem>>
        %dma_wait3A_141 = tpu.memref_squeeze %dma_wait3A_140 : memref<1x128xi32, #tpu.memory_space<vmem>> -> memref<128xi32, #tpu.memory_space<vmem>>
        %dma_wait3A_142 = arith.constant 0 : i32
        %dma_wait3A_143 = arith.constant 0 : i32
        %dma_wait3A_144 = tpu.memref_slice %arg11[%dma_wait3A_142, %dma_wait3A_143] : memref<10112x128xf32, #tpu.memory_space<vmem_shared>> -> memref<10112x128xf32, #tpu.memory_space<vmem_shared>>
        tpu.wait_indirect_dma semaphore(%run_scoped3A_132 : memref<!tpu.dma_semaphore, #tpu.memory_space<semaphore_mem>>) src(%arg10 : memref<128x128xf32, #tpu.memory_space<vmem>>) dst(%dma_wait3A_144 : memref<10112x128xf32, #tpu.memory_space<vmem_shared>>)
        tpu.yield
      }) : () -> ()
      %add3A_122 = arith.constant 1 : i32
      %add3A_123 = arith.addi %mul3A_91, %add3A_122 : i32
      %add3A_124 = arith.constant 2 : i32
      %add3A_125 = arith.addi %add3A_123, %add3A_124 : i32
      %dma_start3A_126 = arith.constant 0 : i32
      %dma_start3A_127 = tpu.memref_slice %arg7[%add3A_125, %dma_start3A_126] : memref<40x128xi32, #tpu.memory_space<vmem>> -> memref<1x128xi32, #tpu.memory_space<vmem>>
      %dma_start3A_128 = tpu.memref_squeeze %dma_start3A_127 : memref<1x128xi32, #tpu.memory_space<vmem>> -> memref<128xi32, #tpu.memory_space<vmem>>
      %dma_start3A_129 = arith.constant 0 : i32
      %dma_start3A_130 = arith.constant 0 : i32
      %dma_start3A_131 = tpu.memref_slice %arg2[%dma_start3A_129, %dma_start3A_130] : memref<10000x128xf32, #tpu.memory_space<hbm>> -> memref<10000x128xf32, #tpu.memory_space<hbm>>
      tpu.enqueue_indirect_dma source(%dma_start3A_131 : memref<10000x128xf32, #tpu.memory_space<hbm>>) target(%arg10 : memref<128x128xf32, #tpu.memory_space<vmem>>) offsets(%dma_start3A_128 : memref<128xi32, #tpu.memory_space<vmem>>) semaphore(%arg13 : memref<!tpu.dma_semaphore, #tpu.memory_space<semaphore_mem>>)
    }
    %scan3A_68 = arith.constant 19 : i32
    %dma_wait3A_69 = arith.constant 38 : i32
    %dma_wait3A_70 = arith.constant 0 : i32
    %dma_wait3A_71 = tpu.memref_slice %arg7[%dma_wait3A_69, %dma_wait3A_70] : memref<40x128xi32, #tpu.memory_space<vmem>> -> memref<1x128xi32, #tpu.memory_space<vmem>>
    %dma_wait3A_72 = tpu.memref_squeeze %dma_wait3A_71 : memref<1x128xi32, #tpu.memory_space<vmem>> -> memref<128xi32, #tpu.memory_space<vmem>>
    %dma_wait3A_73 = arith.constant 0 : i32
    %dma_wait3A_74 = arith.constant 0 : i32
    %dma_wait3A_75 = tpu.memref_slice %arg2[%dma_wait3A_73, %dma_wait3A_74] : memref<10000x128xf32, #tpu.memory_space<hbm>> -> memref<10000x128xf32, #tpu.memory_space<hbm>>
    tpu.wait_indirect_dma semaphore(%arg12 : memref<!tpu.dma_semaphore, #tpu.memory_space<semaphore_mem>>) src(%dma_wait3A_75 : memref<10000x128xf32, #tpu.memory_space<hbm>>) dst(%arg9 : memref<128x128xf32, #tpu.memory_space<vmem>>)
    %run_scoped3A_76 = arith.constant 38 : i32
    "tpu.region"() ({
      %run_scoped3A_89 = tpu.sem_alloc : memref<!tpu.dma_semaphore, #tpu.memory_space<semaphore_mem>>
      %dma_start3A_90 = arith.constant 0 : i32
      %dma_start3A_91 = tpu.memref_slice %arg8[%run_scoped3A_76, %dma_start3A_90] : memref<40x128xi32, #tpu.memory_space<vmem>> -> memref<1x128xi32, #tpu.memory_space<vmem>>
      %dma_start3A_92 = tpu.memref_squeeze %dma_start3A_91 : memref<1x128xi32, #tpu.memory_space<vmem>> -> memref<128xi32, #tpu.memory_space<vmem>>
      %dma_start3A_93 = arith.constant 0 : i32
      %dma_start3A_94 = arith.constant 0 : i32
      %dma_start3A_95 = tpu.memref_slice %arg11[%dma_start3A_93, %dma_start3A_94] : memref<10112x128xf32, #tpu.memory_space<vmem_shared>> -> memref<10112x128xf32, #tpu.memory_space<vmem_shared>>
      tpu.enqueue_indirect_dma source(%arg9 : memref<128x128xf32, #tpu.memory_space<vmem>>) target(%dma_start3A_95 : memref<10112x128xf32, #tpu.memory_space<vmem_shared>>) offsets(%dma_start3A_92 : memref<128xi32, #tpu.memory_space<vmem>>) semaphore(%run_scoped3A_89 : memref<!tpu.dma_semaphore, #tpu.memory_space<semaphore_mem>>) {add = true}
      %dma_wait3A_96 = arith.constant 0 : i32
      %dma_wait3A_97 = tpu.memref_slice %arg8[%run_scoped3A_76, %dma_wait3A_96] : memref<40x128xi32, #tpu.memory_space<vmem>> -> memref<1x128xi32, #tpu.memory_space<vmem>>
      %dma_wait3A_98 = tpu.memref_squeeze %dma_wait3A_97 : memref<1x128xi32, #tpu.memory_space<vmem>> -> memref<128xi32, #tpu.memory_space<vmem>>
      %dma_wait3A_99 = arith.constant 0 : i32
      %dma_wait3A_100 = arith.constant 0 : i32
      %dma_wait3A_101 = tpu.memref_slice %arg11[%dma_wait3A_99, %dma_wait3A_100] : memref<10112x128xf32, #tpu.memory_space<vmem_shared>> -> memref<10112x128xf32, #tpu.memory_space<vmem_shared>>
      tpu.wait_indirect_dma semaphore(%run_scoped3A_89 : memref<!tpu.dma_semaphore, #tpu.memory_space<semaphore_mem>>) src(%arg9 : memref<128x128xf32, #tpu.memory_space<vmem>>) dst(%dma_wait3A_101 : memref<10112x128xf32, #tpu.memory_space<vmem_shared>>)
      tpu.yield
    }) : () -> ()
    %dma_wait3A_77 = arith.constant 39 : i32
    %dma_wait3A_78 = arith.constant 0 : i32
    %dma_wait3A_79 = tpu.memref_slice %arg7[%dma_wait3A_77, %dma_wait3A_78] : memref<40x128xi32, #tpu.memory_space<vmem>> -> memref<1x128xi32, #tpu.memory_space<vmem>>
    %dma_wait3A_80 = tpu.memref_squeeze %dma_wait3A_79 : memref<1x128xi32, #tpu.memory_space<vmem>> -> memref<128xi32, #tpu.memory_space<vmem>>
    %dma_wait3A_81 = arith.constant 0 : i32
    %dma_wait3A_82 = arith.constant 0 : i32
    %dma_wait3A_83 = tpu.memref_slice %arg2[%dma_wait3A_81, %dma_wait3A_82] : memref<10000x128xf32, #tpu.memory_space<hbm>> -> memref<10000x128xf32, #tpu.memory_space<hbm>>
    tpu.wait_indirect_dma semaphore(%arg13 : memref<!tpu.dma_semaphore, #tpu.memory_space<semaphore_mem>>) src(%dma_wait3A_83 : memref<10000x128xf32, #tpu.memory_space<hbm>>) dst(%arg10 : memref<128x128xf32, #tpu.memory_space<vmem>>)
    %run_scoped3A_84 = arith.constant 39 : i32
    "tpu.region"() ({
      %run_scoped3A_89 = tpu.sem_alloc : memref<!tpu.dma_semaphore, #tpu.memory_space<semaphore_mem>>
      %dma_start3A_90 = arith.constant 0 : i32
      %dma_start3A_91 = tpu.memref_slice %arg8[%run_scoped3A_84, %dma_start3A_90] : memref<40x128xi32, #tpu.memory_space<vmem>> -> memref<1x128xi32, #tpu.memory_space<vmem>>
      %dma_start3A_92 = tpu.memref_squeeze %dma_start3A_91 : memref<1x128xi32, #tpu.memory_space<vmem>> -> memref<128xi32, #tpu.memory_space<vmem>>
      %dma_start3A_93 = arith.constant 0 : i32
      %dma_start3A_94 = arith.constant 0 : i32
      %dma_start3A_95 = tpu.memref_slice %arg11[%dma_start3A_93, %dma_start3A_94] : memref<10112x128xf32, #tpu.memory_space<vmem_shared>> -> memref<10112x128xf32, #tpu.memory_space<vmem_shared>>
      tpu.enqueue_indirect_dma source(%arg10 : memref<128x128xf32, #tpu.memory_space<vmem>>) target(%dma_start3A_95 : memref<10112x128xf32, #tpu.memory_space<vmem_shared>>) offsets(%dma_start3A_92 : memref<128xi32, #tpu.memory_space<vmem>>) semaphore(%run_scoped3A_89 : memref<!tpu.dma_semaphore, #tpu.memory_space<semaphore_mem>>) {add = true}
      %dma_wait3A_96 = arith.constant 0 : i32
      %dma_wait3A_97 = tpu.memref_slice %arg8[%run_scoped3A_84, %dma_wait3A_96] : memref<40x128xi32, #tpu.memory_space<vmem>> -> memref<1x128xi32, #tpu.memory_space<vmem>>
      %dma_wait3A_98 = tpu.memref_squeeze %dma_wait3A_97 : memref<1x128xi32, #tpu.memory_space<vmem>> -> memref<128xi32, #tpu.memory_space<vmem>>
      %dma_wait3A_99 = arith.constant 0 : i32
      %dma_wait3A_100 = arith.constant 0 : i32
      %dma_wait3A_101 = tpu.memref_slice %arg11[%dma_wait3A_99, %dma_wait3A_100] : memref<10112x128xf32, #tpu.memory_space<vmem_shared>> -> memref<10112x128xf32, #tpu.memory_space<vmem_shared>>
      tpu.wait_indirect_dma semaphore(%run_scoped3A_89 : memref<!tpu.dma_semaphore, #tpu.memory_space<semaphore_mem>>) src(%arg10 : memref<128x128xf32, #tpu.memory_space<vmem>>) dst(%dma_wait3A_101 : memref<10112x128xf32, #tpu.memory_space<vmem_shared>>)
      tpu.yield
    }) : () -> ()
    %barrier3A_85 = arith.constant 0 : index
    tpu.barrier barrier_id(%barrier3A_85)
    %mul3A_86 = arith.constant 10112 : i32
    %mul3A_87 = arith.muli %arg0, %mul3A_86 : i32
    %add3A_88 = arith.addi %mul3A_87, %mul3A_2 : i32
    "tpu.region"() ({
      %run_scoped3A_89 = tpu.sem_alloc : memref<!tpu.dma_semaphore, #tpu.memory_space<semaphore_mem>>
      %dma_start3A_90 = arith.constant 0 : i32
      %dma_start3A_91 = tpu.memref_slice %arg6[%add3A_88, %dma_start3A_90] : memref<20224x128xf32, #tpu.memory_space<hbm>> -> memref<632x128xf32, #tpu.memory_space<hbm>>
      %dma_start3A_92 = arith.constant 0 : i32
      %dma_start3A_93 = tpu.memref_slice %arg11[%mul3A_2, %dma_start3A_92] : memref<10112x128xf32, #tpu.memory_space<vmem_shared>> -> memref<632x128xf32, #tpu.memory_space<vmem_shared>>
      tpu.enqueue_dma source(%dma_start3A_93 : memref<632x128xf32, #tpu.memory_space<vmem_shared>>) target(%dma_start3A_91 : memref<632x128xf32, #tpu.memory_space<hbm>>) target_semaphore(%run_scoped3A_89 : memref<!tpu.dma_semaphore, #tpu.memory_space<semaphore_mem>>)
      %dma_wait3A_94 = arith.constant 0 : i32
      %dma_wait3A_95 = tpu.memref_slice %arg6[%add3A_88, %dma_wait3A_94] : memref<20224x128xf32, #tpu.memory_space<hbm>> -> memref<632x128xf32, #tpu.memory_space<hbm>>
      %dma_wait3A_96 = arith.constant 0 : i32
      %dma_wait3A_97 = tpu.memref_slice %arg11[%mul3A_2, %dma_wait3A_96] : memref<10112x128xf32, #tpu.memory_space<vmem_shared>> -> memref<632x128xf32, #tpu.memory_space<vmem_shared>>
      tpu.wait_dma2 semaphore(%run_scoped3A_89 : memref<!tpu.dma_semaphore, #tpu.memory_space<semaphore_mem>>) src(%dma_wait3A_97 : memref<632x128xf32, #tpu.memory_space<vmem_shared>>) dst(%dma_wait3A_95 : memref<632x128xf32, #tpu.memory_space<hbm>>)
      tpu.yield
    }) : () -> ()
    return
  }
}

#map = affine_map<(d0, d1) -> (0, 0)>
#map1 = affine_map<(d0, d1) -> (0, 0, 0, 0)>
#map2 = affine_map<(d0, d1) -> (0, 0, 0)>
module attributes {stable_mosaic.version = 14 : i64} {
  func.func @_sc_hop_body(%arg0: i32, %arg1: i32, %arg2: memref<10000x128xf32, #tpu.memory_space<hbm>>, %arg3: memref<32x2x40x128xi32, #tpu.memory_space<hbm>>, %arg4: memref<32x2x40x128xi32, #tpu.memory_space<hbm>>, %arg5: memref<32x128x128xf32, #tpu.memory_space<hbm>>, %arg6: memref<20224x128xf32, #tpu.memory_space<hbm>>, %arg7: memref<40x128xi32, #tpu.memory_space<vmem>>, %arg8: memref<40x128xi32, #tpu.memory_space<vmem>>, %arg9: memref<128x128xf32, #tpu.memory_space<vmem>>, %arg10: memref<128x128xf32, #tpu.memory_space<vmem>>, %arg11: memref<10112x128xf32, #tpu.memory_space<vmem_shared>>, %arg12: memref<!tpu.dma_semaphore, #tpu.memory_space<semaphore_mem>>, %arg13: memref<!tpu.dma_semaphore, #tpu.memory_space<semaphore_mem>>) attributes {dimension_semantics = [#tpu.dimension_semantics<core_parallel>, #tpu.dimension_semantics<subcore_parallel>], iteration_bounds = array<i64: 2, 16>, scalar_prefetch = 0 : i64, scratch_operands = 7 : i64, tpu.core_type = #tpu.core_type<sc_vector_subcore>, window_params = [{transform_indices = #map}, {transform_indices = #map1}, {transform_indices = #map1}, {transform_indices = #map2}, {transform_indices = #map}]} {
    %mul3A = arith.constant 2 : i32
    %mul3A_0 = arith.muli %arg1, %mul3A : i32
    %add3A = arith.addi %mul3A_0, %arg0 : i32
    "tpu.region"() ({
      %run_scoped3A_89 = tpu.sem_alloc : memref<!tpu.dma_semaphore, #tpu.memory_space<semaphore_mem>>
      %dma_start3A_90 = arith.constant 0 : i32
      %dma_start3A_91 = arith.constant 0 : i32
      %dma_start3A_92 = tpu.memref_slice %arg5[%add3A, %dma_start3A_90, %dma_start3A_91] : memref<32x128x128xf32, #tpu.memory_space<hbm>> -> memref<1x128x128xf32, #tpu.memory_space<hbm>>
      %dma_start3A_93 = tpu.memref_squeeze %dma_start3A_92 : memref<1x128x128xf32, #tpu.memory_space<hbm>> -> memref<128x128xf32, #tpu.memory_space<hbm>>
      %dma_start3A_94 = arith.constant 0 : i32
      %dma_start3A_95 = arith.constant 0 : i32
      %dma_start3A_96 = tpu.memref_slice %arg5[%add3A, %dma_start3A_94, %dma_start3A_95] : memref<32x128x128xf32, #tpu.memory_space<hbm>> -> memref<1x128x128xf32, #tpu.memory_space<hbm>>
      %dma_start3A_97 = tpu.memref_squeeze %dma_start3A_96 : memref<1x128x128xf32, #tpu.memory_space<hbm>> -> memref<128x128xf32, #tpu.memory_space<hbm>>
      tpu.enqueue_dma source(%dma_start3A_97 : memref<128x128xf32, #tpu.memory_space<hbm>>) target(%arg9 : memref<128x128xf32, #tpu.memory_space<vmem>>) target_semaphore(%run_scoped3A_89 : memref<!tpu.dma_semaphore, #tpu.memory_space<semaphore_mem>>)
      %dma_wait3A_98 = arith.constant 0 : i32
      %dma_wait3A_99 = arith.constant 0 : i32
      %dma_wait3A_100 = tpu.memref_slice %arg5[%add3A, %dma_wait3A_98, %dma_wait3A_99] : memref<32x128x128xf32, #tpu.memory_space<hbm>> -> memref<1x128x128xf32, #tpu.memory_space<hbm>>
      %dma_wait3A_101 = tpu.memref_squeeze %dma_wait3A_100 : memref<1x128x128xf32, #tpu.memory_space<hbm>> -> memref<128x128xf32, #tpu.memory_space<hbm>>
      %dma_wait3A_102 = arith.constant 0 : i32
      %dma_wait3A_103 = arith.constant 0 : i32
      %dma_wait3A_104 = tpu.memref_slice %arg5[%add3A, %dma_wait3A_102, %dma_wait3A_103] : memref<32x128x128xf32, #tpu.memory_space<hbm>> -> memref<1x128x128xf32, #tpu.memory_space<hbm>>
      %dma_wait3A_105 = tpu.memref_squeeze %dma_wait3A_104 : memref<1x128x128xf32, #tpu.memory_space<hbm>> -> memref<128x128xf32, #tpu.memory_space<hbm>>
      tpu.wait_dma2 semaphore(%run_scoped3A_89 : memref<!tpu.dma_semaphore, #tpu.memory_space<semaphore_mem>>) src(%dma_wait3A_105 : memref<128x128xf32, #tpu.memory_space<hbm>>) dst(%arg9 : memref<128x128xf32, #tpu.memory_space<vmem>>)
      tpu.yield
    }) : () -> ()
    %mul3A_1 = arith.constant 632 : i32
    %mul3A_2 = arith.muli %arg1, %mul3A_1 : i32
    %add3A_3 = arith.constant 0 : i32
    %add3A_4 = arith.addi %mul3A_2, %add3A_3 : i32
    "tpu.region"() ({
      %run_scoped3A_89 = tpu.sem_alloc : memref<!tpu.dma_semaphore, #tpu.memory_space<semaphore_mem>>
      %dma_start3A_90 = arith.constant 0 : i32
      %dma_start3A_91 = tpu.memref_slice %arg11[%add3A_4, %dma_start3A_90] : memref<10112x128xf32, #tpu.memory_space<vmem_shared>> -> memref<128x128xf32, #tpu.memory_space<vmem_shared>>
      %dma_start3A_92 = arith.constant 0 : i32
      %dma_start3A_93 = tpu.memref_slice %arg11[%add3A_4, %dma_start3A_92] : memref<10112x128xf32, #tpu.memory_space<vmem_shared>> -> memref<128x128xf32, #tpu.memory_space<vmem_shared>>
      tpu.enqueue_dma source(%arg9 : memref<128x128xf32, #tpu.memory_space<vmem>>) target(%dma_start3A_93 : memref<128x128xf32, #tpu.memory_space<vmem_shared>>) target_semaphore(%run_scoped3A_89 : memref<!tpu.dma_semaphore, #tpu.memory_space<semaphore_mem>>)
      %dma_wait3A_94 = arith.constant 0 : i32
      %dma_wait3A_95 = tpu.memref_slice %arg11[%add3A_4, %dma_wait3A_94] : memref<10112x128xf32, #tpu.memory_space<vmem_shared>> -> memref<128x128xf32, #tpu.memory_space<vmem_shared>>
      %dma_wait3A_96 = arith.constant 0 : i32
      %dma_wait3A_97 = tpu.memref_slice %arg11[%add3A_4, %dma_wait3A_96] : memref<10112x128xf32, #tpu.memory_space<vmem_shared>> -> memref<128x128xf32, #tpu.memory_space<vmem_shared>>
      tpu.wait_dma2 semaphore(%run_scoped3A_89 : memref<!tpu.dma_semaphore, #tpu.memory_space<semaphore_mem>>) src(%arg9 : memref<128x128xf32, #tpu.memory_space<vmem>>) dst(%dma_wait3A_97 : memref<128x128xf32, #tpu.memory_space<vmem_shared>>)
      tpu.yield
    }) : () -> ()
    %add3A_5 = arith.constant 128 : i32
    %add3A_6 = arith.addi %mul3A_2, %add3A_5 : i32
    "tpu.region"() ({
      %run_scoped3A_89 = tpu.sem_alloc : memref<!tpu.dma_semaphore, #tpu.memory_space<semaphore_mem>>
      %dma_start3A_90 = arith.constant 0 : i32
      %dma_start3A_91 = tpu.memref_slice %arg11[%add3A_6, %dma_start3A_90] : memref<10112x128xf32, #tpu.memory_space<vmem_shared>> -> memref<128x128xf32, #tpu.memory_space<vmem_shared>>
      %dma_start3A_92 = arith.constant 0 : i32
      %dma_start3A_93 = tpu.memref_slice %arg11[%add3A_6, %dma_start3A_92] : memref<10112x128xf32, #tpu.memory_space<vmem_shared>> -> memref<128x128xf32, #tpu.memory_space<vmem_shared>>
      tpu.enqueue_dma source(%arg9 : memref<128x128xf32, #tpu.memory_space<vmem>>) target(%dma_start3A_93 : memref<128x128xf32, #tpu.memory_space<vmem_shared>>) target_semaphore(%run_scoped3A_89 : memref<!tpu.dma_semaphore, #tpu.memory_space<semaphore_mem>>)
      %dma_wait3A_94 = arith.constant 0 : i32
      %dma_wait3A_95 = tpu.memref_slice %arg11[%add3A_6, %dma_wait3A_94] : memref<10112x128xf32, #tpu.memory_space<vmem_shared>> -> memref<128x128xf32, #tpu.memory_space<vmem_shared>>
      %dma_wait3A_96 = arith.constant 0 : i32
      %dma_wait3A_97 = tpu.memref_slice %arg11[%add3A_6, %dma_wait3A_96] : memref<10112x128xf32, #tpu.memory_space<vmem_shared>> -> memref<128x128xf32, #tpu.memory_space<vmem_shared>>
      tpu.wait_dma2 semaphore(%run_scoped3A_89 : memref<!tpu.dma_semaphore, #tpu.memory_space<semaphore_mem>>) src(%arg9 : memref<128x128xf32, #tpu.memory_space<vmem>>) dst(%dma_wait3A_97 : memref<128x128xf32, #tpu.memory_space<vmem_shared>>)
      tpu.yield
    }) : () -> ()
    %add3A_7 = arith.constant 256 : i32
    %add3A_8 = arith.addi %mul3A_2, %add3A_7 : i32
    "tpu.region"() ({
      %run_scoped3A_89 = tpu.sem_alloc : memref<!tpu.dma_semaphore, #tpu.memory_space<semaphore_mem>>
      %dma_start3A_90 = arith.constant 0 : i32
      %dma_start3A_91 = tpu.memref_slice %arg11[%add3A_8, %dma_start3A_90] : memref<10112x128xf32, #tpu.memory_space<vmem_shared>> -> memref<128x128xf32, #tpu.memory_space<vmem_shared>>
      %dma_start3A_92 = arith.constant 0 : i32
      %dma_start3A_93 = tpu.memref_slice %arg11[%add3A_8, %dma_start3A_92] : memref<10112x128xf32, #tpu.memory_space<vmem_shared>> -> memref<128x128xf32, #tpu.memory_space<vmem_shared>>
      tpu.enqueue_dma source(%arg9 : memref<128x128xf32, #tpu.memory_space<vmem>>) target(%dma_start3A_93 : memref<128x128xf32, #tpu.memory_space<vmem_shared>>) target_semaphore(%run_scoped3A_89 : memref<!tpu.dma_semaphore, #tpu.memory_space<semaphore_mem>>)
      %dma_wait3A_94 = arith.constant 0 : i32
      %dma_wait3A_95 = tpu.memref_slice %arg11[%add3A_8, %dma_wait3A_94] : memref<10112x128xf32, #tpu.memory_space<vmem_shared>> -> memref<128x128xf32, #tpu.memory_space<vmem_shared>>
      %dma_wait3A_96 = arith.constant 0 : i32
      %dma_wait3A_97 = tpu.memref_slice %arg11[%add3A_8, %dma_wait3A_96] : memref<10112x128xf32, #tpu.memory_space<vmem_shared>> -> memref<128x128xf32, #tpu.memory_space<vmem_shared>>
      tpu.wait_dma2 semaphore(%run_scoped3A_89 : memref<!tpu.dma_semaphore, #tpu.memory_space<semaphore_mem>>) src(%arg9 : memref<128x128xf32, #tpu.memory_space<vmem>>) dst(%dma_wait3A_97 : memref<128x128xf32, #tpu.memory_space<vmem_shared>>)
      tpu.yield
    }) : () -> ()
    %add3A_9 = arith.constant 384 : i32
    %add3A_10 = arith.addi %mul3A_2, %add3A_9 : i32
    "tpu.region"() ({
      %run_scoped3A_89 = tpu.sem_alloc : memref<!tpu.dma_semaphore, #tpu.memory_space<semaphore_mem>>
      %dma_start3A_90 = arith.constant 0 : i32
      %dma_start3A_91 = tpu.memref_slice %arg11[%add3A_10, %dma_start3A_90] : memref<10112x128xf32, #tpu.memory_space<vmem_shared>> -> memref<128x128xf32, #tpu.memory_space<vmem_shared>>
      %dma_start3A_92 = arith.constant 0 : i32
      %dma_start3A_93 = tpu.memref_slice %arg11[%add3A_10, %dma_start3A_92] : memref<10112x128xf32, #tpu.memory_space<vmem_shared>> -> memref<128x128xf32, #tpu.memory_space<vmem_shared>>
      tpu.enqueue_dma source(%arg9 : memref<128x128xf32, #tpu.memory_space<vmem>>) target(%dma_start3A_93 : memref<128x128xf32, #tpu.memory_space<vmem_shared>>) target_semaphore(%run_scoped3A_89 : memref<!tpu.dma_semaphore, #tpu.memory_space<semaphore_mem>>)
      %dma_wait3A_94 = arith.constant 0 : i32
      %dma_wait3A_95 = tpu.memref_slice %arg11[%add3A_10, %dma_wait3A_94] : memref<10112x128xf32, #tpu.memory_space<vmem_shared>> -> memref<128x128xf32, #tpu.memory_space<vmem_shared>>
      %dma_wait3A_96 = arith.constant 0 : i32
      %dma_wait3A_97 = tpu.memref_slice %arg11[%add3A_10, %dma_wait3A_96] : memref<10112x128xf32, #tpu.memory_space<vmem_shared>> -> memref<128x128xf32, #tpu.memory_space<vmem_shared>>
      tpu.wait_dma2 semaphore(%run_scoped3A_89 : memref<!tpu.dma_semaphore, #tpu.memory_space<semaphore_mem>>) src(%arg9 : memref<128x128xf32, #tpu.memory_space<vmem>>) dst(%dma_wait3A_97 : memref<128x128xf32, #tpu.memory_space<vmem_shared>>)
      tpu.yield
    }) : () -> ()
    %add3A_11 = arith.constant 512 : i32
    %add3A_12 = arith.addi %mul3A_2, %add3A_11 : i32
    "tpu.region"() ({
      %run_scoped3A_89 = tpu.sem_alloc : memref<!tpu.dma_semaphore, #tpu.memory_space<semaphore_mem>>
      %dma_start3A_90 = arith.constant 0 : i32
      %dma_start3A_91 = arith.constant 0 : i32
      %dma_start3A_92 = tpu.memref_slice %arg9[%dma_start3A_90, %dma_start3A_91] : memref<128x128xf32, #tpu.memory_space<vmem>> -> memref<120x128xf32, #tpu.memory_space<vmem>>
      %dma_start3A_93 = arith.constant 0 : i32
      %dma_start3A_94 = tpu.memref_slice %arg11[%add3A_12, %dma_start3A_93] : memref<10112x128xf32, #tpu.memory_space<vmem_shared>> -> memref<120x128xf32, #tpu.memory_space<vmem_shared>>
      %dma_start3A_95 = arith.constant 0 : i32
      %dma_start3A_96 = tpu.memref_slice %arg11[%add3A_12, %dma_start3A_95] : memref<10112x128xf32, #tpu.memory_space<vmem_shared>> -> memref<120x128xf32, #tpu.memory_space<vmem_shared>>
      %dma_start3A_97 = arith.constant 0 : i32
      %dma_start3A_98 = arith.constant 0 : i32
      %dma_start3A_99 = tpu.memref_slice %arg9[%dma_start3A_97, %dma_start3A_98] : memref<128x128xf32, #tpu.memory_space<vmem>> -> memref<120x128xf32, #tpu.memory_space<vmem>>
      tpu.enqueue_dma source(%dma_start3A_99 : memref<120x128xf32, #tpu.memory_space<vmem>>) target(%dma_start3A_96 : memref<120x128xf32, #tpu.memory_space<vmem_shared>>) target_semaphore(%run_scoped3A_89 : memref<!tpu.dma_semaphore, #tpu.memory_space<semaphore_mem>>)
      %dma_wait3A_100 = arith.constant 0 : i32
      %dma_wait3A_101 = arith.constant 0 : i32
      %dma_wait3A_102 = tpu.memref_slice %arg9[%dma_wait3A_100, %dma_wait3A_101] : memref<128x128xf32, #tpu.memory_space<vmem>> -> memref<120x128xf32, #tpu.memory_space<vmem>>
      %dma_wait3A_103 = arith.constant 0 : i32
      %dma_wait3A_104 = tpu.memref_slice %arg11[%add3A_12, %dma_wait3A_103] : memref<10112x128xf32, #tpu.memory_space<vmem_shared>> -> memref<120x128xf32, #tpu.memory_space<vmem_shared>>
      %dma_wait3A_105 = arith.constant 0 : i32
      %dma_wait3A_106 = tpu.memref_slice %arg11[%add3A_12, %dma_wait3A_105] : memref<10112x128xf32, #tpu.memory_space<vmem_shared>> -> memref<120x128xf32, #tpu.memory_space<vmem_shared>>
      %dma_wait3A_107 = arith.constant 0 : i32
      %dma_wait3A_108 = arith.constant 0 : i32
      %dma_wait3A_109 = tpu.memref_slice %arg9[%dma_wait3A_107, %dma_wait3A_108] : memref<128x128xf32, #tpu.memory_space<vmem>> -> memref<120x128xf32, #tpu.memory_space<vmem>>
      tpu.wait_dma2 semaphore(%run_scoped3A_89 : memref<!tpu.dma_semaphore, #tpu.memory_space<semaphore_mem>>) src(%dma_wait3A_109 : memref<120x128xf32, #tpu.memory_space<vmem>>) dst(%dma_wait3A_106 : memref<120x128xf32, #tpu.memory_space<vmem_shared>>)
      tpu.yield
    }) : () -> ()
    %barrier3A = arith.constant 0 : index
    tpu.barrier barrier_id(%barrier3A)
    %run_scoped3A = arith.constant 0 : i32
    "tpu.region"() ({
      %run_scoped3A_89 = tpu.sem_alloc : memref<!tpu.dma_semaphore, #tpu.memory_space<semaphore_mem>>
      %dma_start3A_90 = arith.constant 0 : i32
      %dma_start3A_91 = arith.constant 0 : i32
      %dma_start3A_92 = tpu.memref_slice %arg3[%add3A, %run_scoped3A, %dma_start3A_90, %dma_start3A_91] : memref<32x2x40x128xi32, #tpu.memory_space<hbm>> -> memref<1x1x40x128xi32, #tpu.memory_space<hbm>>
      %dma_start3A_93 = tpu.memref_squeeze %dma_start3A_92 : memref<1x1x40x128xi32, #tpu.memory_space<hbm>> -> memref<40x128xi32, #tpu.memory_space<hbm>>
      %dma_start3A_94 = arith.constant 0 : i32
      %dma_start3A_95 = arith.constant 0 : i32
      %dma_start3A_96 = tpu.memref_slice %arg3[%add3A, %run_scoped3A, %dma_start3A_94, %dma_start3A_95] : memref<32x2x40x128xi32, #tpu.memory_space<hbm>> -> memref<1x1x40x128xi32, #tpu.memory_space<hbm>>
      %dma_start3A_97 = tpu.memref_squeeze %dma_start3A_96 : memref<1x1x40x128xi32, #tpu.memory_space<hbm>> -> memref<40x128xi32, #tpu.memory_space<hbm>>
      tpu.enqueue_dma source(%dma_start3A_97 : memref<40x128xi32, #tpu.memory_space<hbm>>) target(%arg7 : memref<40x128xi32, #tpu.memory_space<vmem>>) target_semaphore(%run_scoped3A_89 : memref<!tpu.dma_semaphore, #tpu.memory_space<semaphore_mem>>)
      %dma_wait3A_98 = arith.constant 0 : i32
      %dma_wait3A_99 = arith.constant 0 : i32
      %dma_wait3A_100 = tpu.memref_slice %arg3[%add3A, %run_scoped3A, %dma_wait3A_98, %dma_wait3A_99] : memref<32x2x40x128xi32, #tpu.memory_space<hbm>> -> memref<1x1x40x128xi32, #tpu.memory_space<hbm>>
      %dma_wait3A_101 = tpu.memref_squeeze %dma_wait3A_100 : memref<1x1x40x128xi32, #tpu.memory_space<hbm>> -> memref<40x128xi32, #tpu.memory_space<hbm>>
      %dma_wait3A_102 = arith.constant 0 : i32
      %dma_wait3A_103 = arith.constant 0 : i32
      %dma_wait3A_104 = tpu.memref_slice %arg3[%add3A, %run_scoped3A, %dma_wait3A_102, %dma_wait3A_103] : memref<32x2x40x128xi32, #tpu.memory_space<hbm>> -> memref<1x1x40x128xi32, #tpu.memory_space<hbm>>
      %dma_wait3A_105 = tpu.memref_squeeze %dma_wait3A_104 : memref<1x1x40x128xi32, #tpu.memory_space<hbm>> -> memref<40x128xi32, #tpu.memory_space<hbm>>
      tpu.wait_dma2 semaphore(%run_scoped3A_89 : memref<!tpu.dma_semaphore, #tpu.memory_space<semaphore_mem>>) src(%dma_wait3A_105 : memref<40x128xi32, #tpu.memory_space<hbm>>) dst(%arg7 : memref<40x128xi32, #tpu.memory_space<vmem>>)
      tpu.yield
    }) : () -> ()
    %run_scoped3A_13 = arith.constant 0 : i32
    "tpu.region"() ({
      %run_scoped3A_89 = tpu.sem_alloc : memref<!tpu.dma_semaphore, #tpu.memory_space<semaphore_mem>>
      %dma_start3A_90 = arith.constant 0 : i32
      %dma_start3A_91 = arith.constant 0 : i32
      %dma_start3A_92 = tpu.memref_slice %arg4[%add3A, %run_scoped3A_13, %dma_start3A_90, %dma_start3A_91] : memref<32x2x40x128xi32, #tpu.memory_space<hbm>> -> memref<1x1x40x128xi32, #tpu.memory_space<hbm>>
      %dma_start3A_93 = tpu.memref_squeeze %dma_start3A_92 : memref<1x1x40x128xi32, #tpu.memory_space<hbm>> -> memref<40x128xi32, #tpu.memory_space<hbm>>
      %dma_start3A_94 = arith.constant 0 : i32
      %dma_start3A_95 = arith.constant 0 : i32
      %dma_start3A_96 = tpu.memref_slice %arg4[%add3A, %run_scoped3A_13, %dma_start3A_94, %dma_start3A_95] : memref<32x2x40x128xi32, #tpu.memory_space<hbm>> -> memref<1x1x40x128xi32, #tpu.memory_space<hbm>>
      %dma_start3A_97 = tpu.memref_squeeze %dma_start3A_96 : memref<1x1x40x128xi32, #tpu.memory_space<hbm>> -> memref<40x128xi32, #tpu.memory_space<hbm>>
      tpu.enqueue_dma source(%dma_start3A_97 : memref<40x128xi32, #tpu.memory_space<hbm>>) target(%arg8 : memref<40x128xi32, #tpu.memory_space<vmem>>) target_semaphore(%run_scoped3A_89 : memref<!tpu.dma_semaphore, #tpu.memory_space<semaphore_mem>>)
      %dma_wait3A_98 = arith.constant 0 : i32
      %dma_wait3A_99 = arith.constant 0 : i32
      %dma_wait3A_100 = tpu.memref_slice %arg4[%add3A, %run_scoped3A_13, %dma_wait3A_98, %dma_wait3A_99] : memref<32x2x40x128xi32, #tpu.memory_space<hbm>> -> memref<1x1x40x128xi32, #tpu.memory_space<hbm>>
      %dma_wait3A_101 = tpu.memref_squeeze %dma_wait3A_100 : memref<1x1x40x128xi32, #tpu.memory_space<hbm>> -> memref<40x128xi32, #tpu.memory_space<hbm>>
      %dma_wait3A_102 = arith.constant 0 : i32
      %dma_wait3A_103 = arith.constant 0 : i32
      %dma_wait3A_104 = tpu.memref_slice %arg4[%add3A, %run_scoped3A_13, %dma_wait3A_102, %dma_wait3A_103] : memref<32x2x40x128xi32, #tpu.memory_space<hbm>> -> memref<1x1x40x128xi32, #tpu.memory_space<hbm>>
      %dma_wait3A_105 = tpu.memref_squeeze %dma_wait3A_104 : memref<1x1x40x128xi32, #tpu.memory_space<hbm>> -> memref<40x128xi32, #tpu.memory_space<hbm>>
      tpu.wait_dma2 semaphore(%run_scoped3A_89 : memref<!tpu.dma_semaphore, #tpu.memory_space<semaphore_mem>>) src(%dma_wait3A_105 : memref<40x128xi32, #tpu.memory_space<hbm>>) dst(%arg8 : memref<40x128xi32, #tpu.memory_space<vmem>>)
      tpu.yield
    }) : () -> ()
    %dma_start3A = arith.constant 0 : i32
    %dma_start3A_14 = arith.constant 0 : i32
    %dma_start3A_15 = tpu.memref_slice %arg7[%dma_start3A, %dma_start3A_14] : memref<40x128xi32, #tpu.memory_space<vmem>> -> memref<1x128xi32, #tpu.memory_space<vmem>>
    %dma_start3A_16 = tpu.memref_squeeze %dma_start3A_15 : memref<1x128xi32, #tpu.memory_space<vmem>> -> memref<128xi32, #tpu.memory_space<vmem>>
    %dma_start3A_17 = arith.constant 0 : i32
    %dma_start3A_18 = arith.constant 0 : i32
    %dma_start3A_19 = tpu.memref_slice %arg2[%dma_start3A_17, %dma_start3A_18] : memref<10000x128xf32, #tpu.memory_space<hbm>> -> memref<10000x128xf32, #tpu.memory_space<hbm>>
    tpu.enqueue_indirect_dma source(%dma_start3A_19 : memref<10000x128xf32, #tpu.memory_space<hbm>>) target(%arg9 : memref<128x128xf32, #tpu.memory_space<vmem>>) offsets(%dma_start3A_16 : memref<128xi32, #tpu.memory_space<vmem>>) semaphore(%arg12 : memref<!tpu.dma_semaphore, #tpu.memory_space<semaphore_mem>>)
    %dma_start3A_20 = arith.constant 1 : i32
    %dma_start3A_21 = arith.constant 0 : i32
    %dma_start3A_22 = tpu.memref_slice %arg7[%dma_start3A_20, %dma_start3A_21] : memref<40x128xi32, #tpu.memory_space<vmem>> -> memref<1x128xi32, #tpu.memory_space<vmem>>
    %dma_start3A_23 = tpu.memref_squeeze %dma_start3A_22 : memref<1x128xi32, #tpu.memory_space<vmem>> -> memref<128xi32, #tpu.memory_space<vmem>>
    %dma_start3A_24 = arith.constant 0 : i32
    %dma_start3A_25 = arith.constant 0 : i32
    %dma_start3A_26 = tpu.memref_slice %arg2[%dma_start3A_24, %dma_start3A_25] : memref<10000x128xf32, #tpu.memory_space<hbm>> -> memref<10000x128xf32, #tpu.memory_space<hbm>>
    tpu.enqueue_indirect_dma source(%dma_start3A_26 : memref<10000x128xf32, #tpu.memory_space<hbm>>) target(%arg10 : memref<128x128xf32, #tpu.memory_space<vmem>>) offsets(%dma_start3A_23 : memref<128xi32, #tpu.memory_space<vmem>>) semaphore(%arg13 : memref<!tpu.dma_semaphore, #tpu.memory_space<semaphore_mem>>)
    %scan3A = arith.constant 0 : i32
    %scan3A_27 = arith.constant 0 : i32
    %scan3A_28 = arith.constant 19 : i32
    %scan3A_29 = arith.addi %scan3A_27, %scan3A_28 : i32
    %scan3A_30 = arith.constant 1 : i32
    scf.for %scan3A_89 = %scan3A_27 to %scan3A_29 step %scan3A_30  : i32 {
      %mul3A_90 = arith.constant 2 : i32
      %mul3A_91 = arith.muli %mul3A_90, %scan3A_89 : i32
      %add3A_92 = arith.constant 0 : i32
      %add3A_93 = arith.addi %mul3A_91, %add3A_92 : i32
      %dma_wait3A_94 = arith.constant 0 : i32
      %dma_wait3A_95 = tpu.memref_slice %arg7[%add3A_93, %dma_wait3A_94] : memref<40x128xi32, #tpu.memory_space<vmem>> -> memref<1x128xi32, #tpu.memory_space<vmem>>
      %dma_wait3A_96 = tpu.memref_squeeze %dma_wait3A_95 : memref<1x128xi32, #tpu.memory_space<vmem>> -> memref<128xi32, #tpu.memory_space<vmem>>
      %dma_wait3A_97 = arith.constant 0 : i32
      %dma_wait3A_98 = arith.constant 0 : i32
      %dma_wait3A_99 = tpu.memref_slice %arg2[%dma_wait3A_97, %dma_wait3A_98] : memref<10000x128xf32, #tpu.memory_space<hbm>> -> memref<10000x128xf32, #tpu.memory_space<hbm>>
      tpu.wait_indirect_dma semaphore(%arg12 : memref<!tpu.dma_semaphore, #tpu.memory_space<semaphore_mem>>) src(%dma_wait3A_99 : memref<10000x128xf32, #tpu.memory_space<hbm>>) dst(%arg9 : memref<128x128xf32, #tpu.memory_space<vmem>>)
      %add3A_100 = arith.constant 0 : i32
      %add3A_101 = arith.addi %mul3A_91, %add3A_100 : i32
      "tpu.region"() ({
        %run_scoped3A_132 = tpu.sem_alloc : memref<!tpu.dma_semaphore, #tpu.memory_space<semaphore_mem>>
        %dma_start3A_133 = arith.constant 0 : i32
        %dma_start3A_134 = tpu.memref_slice %arg8[%add3A_101, %dma_start3A_133] : memref<40x128xi32, #tpu.memory_space<vmem>> -> memref<1x128xi32, #tpu.memory_space<vmem>>
        %dma_start3A_135 = tpu.memref_squeeze %dma_start3A_134 : memref<1x128xi32, #tpu.memory_space<vmem>> -> memref<128xi32, #tpu.memory_space<vmem>>
        %dma_start3A_136 = arith.constant 0 : i32
        %dma_start3A_137 = arith.constant 0 : i32
        %dma_start3A_138 = tpu.memref_slice %arg11[%dma_start3A_136, %dma_start3A_137] : memref<10112x128xf32, #tpu.memory_space<vmem_shared>> -> memref<10112x128xf32, #tpu.memory_space<vmem_shared>>
        tpu.enqueue_indirect_dma source(%arg9 : memref<128x128xf32, #tpu.memory_space<vmem>>) target(%dma_start3A_138 : memref<10112x128xf32, #tpu.memory_space<vmem_shared>>) offsets(%dma_start3A_135 : memref<128xi32, #tpu.memory_space<vmem>>) semaphore(%run_scoped3A_132 : memref<!tpu.dma_semaphore, #tpu.memory_space<semaphore_mem>>) {add = true}
        %dma_wait3A_139 = arith.constant 0 : i32
        %dma_wait3A_140 = tpu.memref_slice %arg8[%add3A_101, %dma_wait3A_139] : memref<40x128xi32, #tpu.memory_space<vmem>> -> memref<1x128xi32, #tpu.memory_space<vmem>>
        %dma_wait3A_141 = tpu.memref_squeeze %dma_wait3A_140 : memref<1x128xi32, #tpu.memory_space<vmem>> -> memref<128xi32, #tpu.memory_space<vmem>>
        %dma_wait3A_142 = arith.constant 0 : i32
        %dma_wait3A_143 = arith.constant 0 : i32
        %dma_wait3A_144 = tpu.memref_slice %arg11[%dma_wait3A_142, %dma_wait3A_143] : memref<10112x128xf32, #tpu.memory_space<vmem_shared>> -> memref<10112x128xf32, #tpu.memory_space<vmem_shared>>
        tpu.wait_indirect_dma semaphore(%run_scoped3A_132 : memref<!tpu.dma_semaphore, #tpu.memory_space<semaphore_mem>>) src(%arg9 : memref<128x128xf32, #tpu.memory_space<vmem>>) dst(%dma_wait3A_144 : memref<10112x128xf32, #tpu.memory_space<vmem_shared>>)
        tpu.yield
      }) : () -> ()
      %add3A_102 = arith.constant 0 : i32
      %add3A_103 = arith.addi %mul3A_91, %add3A_102 : i32
      %add3A_104 = arith.constant 2 : i32
      %add3A_105 = arith.addi %add3A_103, %add3A_104 : i32
      %dma_start3A_106 = arith.constant 0 : i32
      %dma_start3A_107 = tpu.memref_slice %arg7[%add3A_105, %dma_start3A_106] : memref<40x128xi32, #tpu.memory_space<vmem>> -> memref<1x128xi32, #tpu.memory_space<vmem>>
      %dma_start3A_108 = tpu.memref_squeeze %dma_start3A_107 : memref<1x128xi32, #tpu.memory_space<vmem>> -> memref<128xi32, #tpu.memory_space<vmem>>
      %dma_start3A_109 = arith.constant 0 : i32
      %dma_start3A_110 = arith.constant 0 : i32
      %dma_start3A_111 = tpu.memref_slice %arg2[%dma_start3A_109, %dma_start3A_110] : memref<10000x128xf32, #tpu.memory_space<hbm>> -> memref<10000x128xf32, #tpu.memory_space<hbm>>
      tpu.enqueue_indirect_dma source(%dma_start3A_111 : memref<10000x128xf32, #tpu.memory_space<hbm>>) target(%arg9 : memref<128x128xf32, #tpu.memory_space<vmem>>) offsets(%dma_start3A_108 : memref<128xi32, #tpu.memory_space<vmem>>) semaphore(%arg12 : memref<!tpu.dma_semaphore, #tpu.memory_space<semaphore_mem>>)
      %add3A_112 = arith.constant 1 : i32
      %add3A_113 = arith.addi %mul3A_91, %add3A_112 : i32
      %dma_wait3A_114 = arith.constant 0 : i32
      %dma_wait3A_115 = tpu.memref_slice %arg7[%add3A_113, %dma_wait3A_114] : memref<40x128xi32, #tpu.memory_space<vmem>> -> memref<1x128xi32, #tpu.memory_space<vmem>>
      %dma_wait3A_116 = tpu.memref_squeeze %dma_wait3A_115 : memref<1x128xi32, #tpu.memory_space<vmem>> -> memref<128xi32, #tpu.memory_space<vmem>>
      %dma_wait3A_117 = arith.constant 0 : i32
      %dma_wait3A_118 = arith.constant 0 : i32
      %dma_wait3A_119 = tpu.memref_slice %arg2[%dma_wait3A_117, %dma_wait3A_118] : memref<10000x128xf32, #tpu.memory_space<hbm>> -> memref<10000x128xf32, #tpu.memory_space<hbm>>
      tpu.wait_indirect_dma semaphore(%arg13 : memref<!tpu.dma_semaphore, #tpu.memory_space<semaphore_mem>>) src(%dma_wait3A_119 : memref<10000x128xf32, #tpu.memory_space<hbm>>) dst(%arg10 : memref<128x128xf32, #tpu.memory_space<vmem>>)
      %add3A_120 = arith.constant 1 : i32
      %add3A_121 = arith.addi %mul3A_91, %add3A_120 : i32
      "tpu.region"() ({
        %run_scoped3A_132 = tpu.sem_alloc : memref<!tpu.dma_semaphore, #tpu.memory_space<semaphore_mem>>
        %dma_start3A_133 = arith.constant 0 : i32
        %dma_start3A_134 = tpu.memref_slice %arg8[%add3A_121, %dma_start3A_133] : memref<40x128xi32, #tpu.memory_space<vmem>> -> memref<1x128xi32, #tpu.memory_space<vmem>>
        %dma_start3A_135 = tpu.memref_squeeze %dma_start3A_134 : memref<1x128xi32, #tpu.memory_space<vmem>> -> memref<128xi32, #tpu.memory_space<vmem>>
        %dma_start3A_136 = arith.constant 0 : i32
        %dma_start3A_137 = arith.constant 0 : i32
        %dma_start3A_138 = tpu.memref_slice %arg11[%dma_start3A_136, %dma_start3A_137] : memref<10112x128xf32, #tpu.memory_space<vmem_shared>> -> memref<10112x128xf32, #tpu.memory_space<vmem_shared>>
        tpu.enqueue_indirect_dma source(%arg10 : memref<128x128xf32, #tpu.memory_space<vmem>>) target(%dma_start3A_138 : memref<10112x128xf32, #tpu.memory_space<vmem_shared>>) offsets(%dma_start3A_135 : memref<128xi32, #tpu.memory_space<vmem>>) semaphore(%run_scoped3A_132 : memref<!tpu.dma_semaphore, #tpu.memory_space<semaphore_mem>>) {add = true}
        %dma_wait3A_139 = arith.constant 0 : i32
        %dma_wait3A_140 = tpu.memref_slice %arg8[%add3A_121, %dma_wait3A_139] : memref<40x128xi32, #tpu.memory_space<vmem>> -> memref<1x128xi32, #tpu.memory_space<vmem>>
        %dma_wait3A_141 = tpu.memref_squeeze %dma_wait3A_140 : memref<1x128xi32, #tpu.memory_space<vmem>> -> memref<128xi32, #tpu.memory_space<vmem>>
        %dma_wait3A_142 = arith.constant 0 : i32
        %dma_wait3A_143 = arith.constant 0 : i32
        %dma_wait3A_144 = tpu.memref_slice %arg11[%dma_wait3A_142, %dma_wait3A_143] : memref<10112x128xf32, #tpu.memory_space<vmem_shared>> -> memref<10112x128xf32, #tpu.memory_space<vmem_shared>>
        tpu.wait_indirect_dma semaphore(%run_scoped3A_132 : memref<!tpu.dma_semaphore, #tpu.memory_space<semaphore_mem>>) src(%arg10 : memref<128x128xf32, #tpu.memory_space<vmem>>) dst(%dma_wait3A_144 : memref<10112x128xf32, #tpu.memory_space<vmem_shared>>)
        tpu.yield
      }) : () -> ()
      %add3A_122 = arith.constant 1 : i32
      %add3A_123 = arith.addi %mul3A_91, %add3A_122 : i32
      %add3A_124 = arith.constant 2 : i32
      %add3A_125 = arith.addi %add3A_123, %add3A_124 : i32
      %dma_start3A_126 = arith.constant 0 : i32
      %dma_start3A_127 = tpu.memref_slice %arg7[%add3A_125, %dma_start3A_126] : memref<40x128xi32, #tpu.memory_space<vmem>> -> memref<1x128xi32, #tpu.memory_space<vmem>>
      %dma_start3A_128 = tpu.memref_squeeze %dma_start3A_127 : memref<1x128xi32, #tpu.memory_space<vmem>> -> memref<128xi32, #tpu.memory_space<vmem>>
      %dma_start3A_129 = arith.constant 0 : i32
      %dma_start3A_130 = arith.constant 0 : i32
      %dma_start3A_131 = tpu.memref_slice %arg2[%dma_start3A_129, %dma_start3A_130] : memref<10000x128xf32, #tpu.memory_space<hbm>> -> memref<10000x128xf32, #tpu.memory_space<hbm>>
      tpu.enqueue_indirect_dma source(%dma_start3A_131 : memref<10000x128xf32, #tpu.memory_space<hbm>>) target(%arg10 : memref<128x128xf32, #tpu.memory_space<vmem>>) offsets(%dma_start3A_128 : memref<128xi32, #tpu.memory_space<vmem>>) semaphore(%arg13 : memref<!tpu.dma_semaphore, #tpu.memory_space<semaphore_mem>>)
    }
    %scan3A_31 = arith.constant 19 : i32
    %dma_wait3A = arith.constant 38 : i32
    %dma_wait3A_32 = arith.constant 0 : i32
    %dma_wait3A_33 = tpu.memref_slice %arg7[%dma_wait3A, %dma_wait3A_32] : memref<40x128xi32, #tpu.memory_space<vmem>> -> memref<1x128xi32, #tpu.memory_space<vmem>>
    %dma_wait3A_34 = tpu.memref_squeeze %dma_wait3A_33 : memref<1x128xi32, #tpu.memory_space<vmem>> -> memref<128xi32, #tpu.memory_space<vmem>>
    %dma_wait3A_35 = arith.constant 0 : i32
    %dma_wait3A_36 = arith.constant 0 : i32
    %dma_wait3A_37 = tpu.memref_slice %arg2[%dma_wait3A_35, %dma_wait3A_36] : memref<10000x128xf32, #tpu.memory_space<hbm>> -> memref<10000x128xf32, #tpu.memory_space<hbm>>
    tpu.wait_indirect_dma semaphore(%arg12 : memref<!tpu.dma_semaphore, #tpu.memory_space<semaphore_mem>>) src(%dma_wait3A_37 : memref<10000x128xf32, #tpu.memory_space<hbm>>) dst(%arg9 : memref<128x128xf32, #tpu.memory_space<vmem>>)
    %run_scoped3A_38 = arith.constant 38 : i32
    "tpu.region"() ({
      %run_scoped3A_89 = tpu.sem_alloc : memref<!tpu.dma_semaphore, #tpu.memory_space<semaphore_mem>>
      %dma_start3A_90 = arith.constant 0 : i32
      %dma_start3A_91 = tpu.memref_slice %arg8[%run_scoped3A_38, %dma_start3A_90] : memref<40x128xi32, #tpu.memory_space<vmem>> -> memref<1x128xi32, #tpu.memory_space<vmem>>
      %dma_start3A_92 = tpu.memref_squeeze %dma_start3A_91 : memref<1x128xi32, #tpu.memory_space<vmem>> -> memref<128xi32, #tpu.memory_space<vmem>>
      %dma_start3A_93 = arith.constant 0 : i32
      %dma_start3A_94 = arith.constant 0 : i32
      %dma_start3A_95 = tpu.memref_slice %arg11[%dma_start3A_93, %dma_start3A_94] : memref<10112x128xf32, #tpu.memory_space<vmem_shared>> -> memref<10112x128xf32, #tpu.memory_space<vmem_shared>>
      tpu.enqueue_indirect_dma source(%arg9 : memref<128x128xf32, #tpu.memory_space<vmem>>) target(%dma_start3A_95 : memref<10112x128xf32, #tpu.memory_space<vmem_shared>>) offsets(%dma_start3A_92 : memref<128xi32, #tpu.memory_space<vmem>>) semaphore(%run_scoped3A_89 : memref<!tpu.dma_semaphore, #tpu.memory_space<semaphore_mem>>) {add = true}
      %dma_wait3A_96 = arith.constant 0 : i32
      %dma_wait3A_97 = tpu.memref_slice %arg8[%run_scoped3A_38, %dma_wait3A_96] : memref<40x128xi32, #tpu.memory_space<vmem>> -> memref<1x128xi32, #tpu.memory_space<vmem>>
      %dma_wait3A_98 = tpu.memref_squeeze %dma_wait3A_97 : memref<1x128xi32, #tpu.memory_space<vmem>> -> memref<128xi32, #tpu.memory_space<vmem>>
      %dma_wait3A_99 = arith.constant 0 : i32
      %dma_wait3A_100 = arith.constant 0 : i32
      %dma_wait3A_101 = tpu.memref_slice %arg11[%dma_wait3A_99, %dma_wait3A_100] : memref<10112x128xf32, #tpu.memory_space<vmem_shared>> -> memref<10112x128xf32, #tpu.memory_space<vmem_shared>>
      tpu.wait_indirect_dma semaphore(%run_scoped3A_89 : memref<!tpu.dma_semaphore, #tpu.memory_space<semaphore_mem>>) src(%arg9 : memref<128x128xf32, #tpu.memory_space<vmem>>) dst(%dma_wait3A_101 : memref<10112x128xf32, #tpu.memory_space<vmem_shared>>)
      tpu.yield
    }) : () -> ()
    %dma_wait3A_39 = arith.constant 39 : i32
    %dma_wait3A_40 = arith.constant 0 : i32
    %dma_wait3A_41 = tpu.memref_slice %arg7[%dma_wait3A_39, %dma_wait3A_40] : memref<40x128xi32, #tpu.memory_space<vmem>> -> memref<1x128xi32, #tpu.memory_space<vmem>>
    %dma_wait3A_42 = tpu.memref_squeeze %dma_wait3A_41 : memref<1x128xi32, #tpu.memory_space<vmem>> -> memref<128xi32, #tpu.memory_space<vmem>>
    %dma_wait3A_43 = arith.constant 0 : i32
    %dma_wait3A_44 = arith.constant 0 : i32
    %dma_wait3A_45 = tpu.memref_slice %arg2[%dma_wait3A_43, %dma_wait3A_44] : memref<10000x128xf32, #tpu.memory_space<hbm>> -> memref<10000x128xf32, #tpu.memory_space<hbm>>
    tpu.wait_indirect_dma semaphore(%arg13 : memref<!tpu.dma_semaphore, #tpu.memory_space<semaphore_mem>>) src(%dma_wait3A_45 : memref<10000x128xf32, #tpu.memory_space<hbm>>) dst(%arg10 : memref<128x128xf32, #tpu.memory_space<vmem>>)
    %run_scoped3A_46 = arith.constant 39 : i32
    "tpu.region"() ({
      %run_scoped3A_89 = tpu.sem_alloc : memref<!tpu.dma_semaphore, #tpu.memory_space<semaphore_mem>>
      %dma_start3A_90 = arith.constant 0 : i32
      %dma_start3A_91 = tpu.memref_slice %arg8[%run_scoped3A_46, %dma_start3A_90] : memref<40x128xi32, #tpu.memory_space<vmem>> -> memref<1x128xi32, #tpu.memory_space<vmem>>
      %dma_start3A_92 = tpu.memref_squeeze %dma_start3A_91 : memref<1x128xi32, #tpu.memory_space<vmem>> -> memref<128xi32, #tpu.memory_space<vmem>>
      %dma_start3A_93 = arith.constant 0 : i32
      %dma_start3A_94 = arith.constant 0 : i32
      %dma_start3A_95 = tpu.memref_slice %arg11[%dma_start3A_93, %dma_start3A_94] : memref<10112x128xf32, #tpu.memory_space<vmem_shared>> -> memref<10112x128xf32, #tpu.memory_space<vmem_shared>>
      tpu.enqueue_indirect_dma source(%arg10 : memref<128x128xf32, #tpu.memory_space<vmem>>) target(%dma_start3A_95 : memref<10112x128xf32, #tpu.memory_space<vmem_shared>>) offsets(%dma_start3A_92 : memref<128xi32, #tpu.memory_space<vmem>>) semaphore(%run_scoped3A_89 : memref<!tpu.dma_semaphore, #tpu.memory_space<semaphore_mem>>) {add = true}
      %dma_wait3A_96 = arith.constant 0 : i32
      %dma_wait3A_97 = tpu.memref_slice %arg8[%run_scoped3A_46, %dma_wait3A_96] : memref<40x128xi32, #tpu.memory_space<vmem>> -> memref<1x128xi32, #tpu.memory_space<vmem>>
      %dma_wait3A_98 = tpu.memref_squeeze %dma_wait3A_97 : memref<1x128xi32, #tpu.memory_space<vmem>> -> memref<128xi32, #tpu.memory_space<vmem>>
      %dma_wait3A_99 = arith.constant 0 : i32
      %dma_wait3A_100 = arith.constant 0 : i32
      %dma_wait3A_101 = tpu.memref_slice %arg11[%dma_wait3A_99, %dma_wait3A_100] : memref<10112x128xf32, #tpu.memory_space<vmem_shared>> -> memref<10112x128xf32, #tpu.memory_space<vmem_shared>>
      tpu.wait_indirect_dma semaphore(%run_scoped3A_89 : memref<!tpu.dma_semaphore, #tpu.memory_space<semaphore_mem>>) src(%arg10 : memref<128x128xf32, #tpu.memory_space<vmem>>) dst(%dma_wait3A_101 : memref<10112x128xf32, #tpu.memory_space<vmem_shared>>)
      tpu.yield
    }) : () -> ()
    %run_scoped3A_47 = arith.constant 1 : i32
    "tpu.region"() ({
      %run_scoped3A_89 = tpu.sem_alloc : memref<!tpu.dma_semaphore, #tpu.memory_space<semaphore_mem>>
      %dma_start3A_90 = arith.constant 0 : i32
      %dma_start3A_91 = arith.constant 0 : i32
      %dma_start3A_92 = tpu.memref_slice %arg3[%add3A, %run_scoped3A_47, %dma_start3A_90, %dma_start3A_91] : memref<32x2x40x128xi32, #tpu.memory_space<hbm>> -> memref<1x1x40x128xi32, #tpu.memory_space<hbm>>
      %dma_start3A_93 = tpu.memref_squeeze %dma_start3A_92 : memref<1x1x40x128xi32, #tpu.memory_space<hbm>> -> memref<40x128xi32, #tpu.memory_space<hbm>>
      %dma_start3A_94 = arith.constant 0 : i32
      %dma_start3A_95 = arith.constant 0 : i32
      %dma_start3A_96 = tpu.memref_slice %arg3[%add3A, %run_scoped3A_47, %dma_start3A_94, %dma_start3A_95] : memref<32x2x40x128xi32, #tpu.memory_space<hbm>> -> memref<1x1x40x128xi32, #tpu.memory_space<hbm>>
      %dma_start3A_97 = tpu.memref_squeeze %dma_start3A_96 : memref<1x1x40x128xi32, #tpu.memory_space<hbm>> -> memref<40x128xi32, #tpu.memory_space<hbm>>
      tpu.enqueue_dma source(%dma_start3A_97 : memref<40x128xi32, #tpu.memory_space<hbm>>) target(%arg7 : memref<40x128xi32, #tpu.memory_space<vmem>>) target_semaphore(%run_scoped3A_89 : memref<!tpu.dma_semaphore, #tpu.memory_space<semaphore_mem>>)
      %dma_wait3A_98 = arith.constant 0 : i32
      %dma_wait3A_99 = arith.constant 0 : i32
      %dma_wait3A_100 = tpu.memref_slice %arg3[%add3A, %run_scoped3A_47, %dma_wait3A_98, %dma_wait3A_99] : memref<32x2x40x128xi32, #tpu.memory_space<hbm>> -> memref<1x1x40x128xi32, #tpu.memory_space<hbm>>
      %dma_wait3A_101 = tpu.memref_squeeze %dma_wait3A_100 : memref<1x1x40x128xi32, #tpu.memory_space<hbm>> -> memref<40x128xi32, #tpu.memory_space<hbm>>
      %dma_wait3A_102 = arith.constant 0 : i32
      %dma_wait3A_103 = arith.constant 0 : i32
      %dma_wait3A_104 = tpu.memref_slice %arg3[%add3A, %run_scoped3A_47, %dma_wait3A_102, %dma_wait3A_103] : memref<32x2x40x128xi32, #tpu.memory_space<hbm>> -> memref<1x1x40x128xi32, #tpu.memory_space<hbm>>
      %dma_wait3A_105 = tpu.memref_squeeze %dma_wait3A_104 : memref<1x1x40x128xi32, #tpu.memory_space<hbm>> -> memref<40x128xi32, #tpu.memory_space<hbm>>
      tpu.wait_dma2 semaphore(%run_scoped3A_89 : memref<!tpu.dma_semaphore, #tpu.memory_space<semaphore_mem>>) src(%dma_wait3A_105 : memref<40x128xi32, #tpu.memory_space<hbm>>) dst(%arg7 : memref<40x128xi32, #tpu.memory_space<vmem>>)
      tpu.yield
    }) : () -> ()
    %run_scoped3A_48 = arith.constant 1 : i32
    "tpu.region"() ({
      %run_scoped3A_89 = tpu.sem_alloc : memref<!tpu.dma_semaphore, #tpu.memory_space<semaphore_mem>>
      %dma_start3A_90 = arith.constant 0 : i32
      %dma_start3A_91 = arith.constant 0 : i32
      %dma_start3A_92 = tpu.memref_slice %arg4[%add3A, %run_scoped3A_48, %dma_start3A_90, %dma_start3A_91] : memref<32x2x40x128xi32, #tpu.memory_space<hbm>> -> memref<1x1x40x128xi32, #tpu.memory_space<hbm>>
      %dma_start3A_93 = tpu.memref_squeeze %dma_start3A_92 : memref<1x1x40x128xi32, #tpu.memory_space<hbm>> -> memref<40x128xi32, #tpu.memory_space<hbm>>
      %dma_start3A_94 = arith.constant 0 : i32
      %dma_start3A_95 = arith.constant 0 : i32
      %dma_start3A_96 = tpu.memref_slice %arg4[%add3A, %run_scoped3A_48, %dma_start3A_94, %dma_start3A_95] : memref<32x2x40x128xi32, #tpu.memory_space<hbm>> -> memref<1x1x40x128xi32, #tpu.memory_space<hbm>>
      %dma_start3A_97 = tpu.memref_squeeze %dma_start3A_96 : memref<1x1x40x128xi32, #tpu.memory_space<hbm>> -> memref<40x128xi32, #tpu.memory_space<hbm>>
      tpu.enqueue_dma source(%dma_start3A_97 : memref<40x128xi32, #tpu.memory_space<hbm>>) target(%arg8 : memref<40x128xi32, #tpu.memory_space<vmem>>) target_semaphore(%run_scoped3A_89 : memref<!tpu.dma_semaphore, #tpu.memory_space<semaphore_mem>>)
      %dma_wait3A_98 = arith.constant 0 : i32
      %dma_wait3A_99 = arith.constant 0 : i32
      %dma_wait3A_100 = tpu.memref_slice %arg4[%add3A, %run_scoped3A_48, %dma_wait3A_98, %dma_wait3A_99] : memref<32x2x40x128xi32, #tpu.memory_space<hbm>> -> memref<1x1x40x128xi32, #tpu.memory_space<hbm>>
      %dma_wait3A_101 = tpu.memref_squeeze %dma_wait3A_100 : memref<1x1x40x128xi32, #tpu.memory_space<hbm>> -> memref<40x128xi32, #tpu.memory_space<hbm>>
      %dma_wait3A_102 = arith.constant 0 : i32
      %dma_wait3A_103 = arith.constant 0 : i32
      %dma_wait3A_104 = tpu.memref_slice %arg4[%add3A, %run_scoped3A_48, %dma_wait3A_102, %dma_wait3A_103] : memref<32x2x40x128xi32, #tpu.memory_space<hbm>> -> memref<1x1x40x128xi32, #tpu.memory_space<hbm>>
      %dma_wait3A_105 = tpu.memref_squeeze %dma_wait3A_104 : memref<1x1x40x128xi32, #tpu.memory_space<hbm>> -> memref<40x128xi32, #tpu.memory_space<hbm>>
      tpu.wait_dma2 semaphore(%run_scoped3A_89 : memref<!tpu.dma_semaphore, #tpu.memory_space<semaphore_mem>>) src(%dma_wait3A_105 : memref<40x128xi32, #tpu.memory_space<hbm>>) dst(%arg8 : memref<40x128xi32, #tpu.memory_space<vmem>>)
      tpu.yield
    }) : () -> ()
    %dma_start3A_49 = arith.constant 0 : i32
    %dma_start3A_50 = arith.constant 0 : i32
    %dma_start3A_51 = tpu.memref_slice %arg7[%dma_start3A_49, %dma_start3A_50] : memref<40x128xi32, #tpu.memory_space<vmem>> -> memref<1x128xi32, #tpu.memory_space<vmem>>
    %dma_start3A_52 = tpu.memref_squeeze %dma_start3A_51 : memref<1x128xi32, #tpu.memory_space<vmem>> -> memref<128xi32, #tpu.memory_space<vmem>>
    %dma_start3A_53 = arith.constant 0 : i32
    %dma_start3A_54 = arith.constant 0 : i32
    %dma_start3A_55 = tpu.memref_slice %arg2[%dma_start3A_53, %dma_start3A_54] : memref<10000x128xf32, #tpu.memory_space<hbm>> -> memref<10000x128xf32, #tpu.memory_space<hbm>>
    tpu.enqueue_indirect_dma source(%dma_start3A_55 : memref<10000x128xf32, #tpu.memory_space<hbm>>) target(%arg9 : memref<128x128xf32, #tpu.memory_space<vmem>>) offsets(%dma_start3A_52 : memref<128xi32, #tpu.memory_space<vmem>>) semaphore(%arg12 : memref<!tpu.dma_semaphore, #tpu.memory_space<semaphore_mem>>)
    %dma_start3A_56 = arith.constant 1 : i32
    %dma_start3A_57 = arith.constant 0 : i32
    %dma_start3A_58 = tpu.memref_slice %arg7[%dma_start3A_56, %dma_start3A_57] : memref<40x128xi32, #tpu.memory_space<vmem>> -> memref<1x128xi32, #tpu.memory_space<vmem>>
    %dma_start3A_59 = tpu.memref_squeeze %dma_start3A_58 : memref<1x128xi32, #tpu.memory_space<vmem>> -> memref<128xi32, #tpu.memory_space<vmem>>
    %dma_start3A_60 = arith.constant 0 : i32
    %dma_start3A_61 = arith.constant 0 : i32
    %dma_start3A_62 = tpu.memref_slice %arg2[%dma_start3A_60, %dma_start3A_61] : memref<10000x128xf32, #tpu.memory_space<hbm>> -> memref<10000x128xf32, #tpu.memory_space<hbm>>
    tpu.enqueue_indirect_dma source(%dma_start3A_62 : memref<10000x128xf32, #tpu.memory_space<hbm>>) target(%arg10 : memref<128x128xf32, #tpu.memory_space<vmem>>) offsets(%dma_start3A_59 : memref<128xi32, #tpu.memory_space<vmem>>) semaphore(%arg13 : memref<!tpu.dma_semaphore, #tpu.memory_space<semaphore_mem>>)
    %scan3A_63 = arith.constant 0 : i32
    %scan3A_64 = arith.constant 0 : i32
    %scan3A_65 = arith.constant 19 : i32
    %scan3A_66 = arith.addi %scan3A_64, %scan3A_65 : i32
    %scan3A_67 = arith.constant 1 : i32
    scf.for %scan3A_89 = %scan3A_64 to %scan3A_66 step %scan3A_67  : i32 {
      %mul3A_90 = arith.constant 2 : i32
      %mul3A_91 = arith.muli %mul3A_90, %scan3A_89 : i32
      %add3A_92 = arith.constant 0 : i32
      %add3A_93 = arith.addi %mul3A_91, %add3A_92 : i32
      %dma_wait3A_94 = arith.constant 0 : i32
      %dma_wait3A_95 = tpu.memref_slice %arg7[%add3A_93, %dma_wait3A_94] : memref<40x128xi32, #tpu.memory_space<vmem>> -> memref<1x128xi32, #tpu.memory_space<vmem>>
      %dma_wait3A_96 = tpu.memref_squeeze %dma_wait3A_95 : memref<1x128xi32, #tpu.memory_space<vmem>> -> memref<128xi32, #tpu.memory_space<vmem>>
      %dma_wait3A_97 = arith.constant 0 : i32
      %dma_wait3A_98 = arith.constant 0 : i32
      %dma_wait3A_99 = tpu.memref_slice %arg2[%dma_wait3A_97, %dma_wait3A_98] : memref<10000x128xf32, #tpu.memory_space<hbm>> -> memref<10000x128xf32, #tpu.memory_space<hbm>>
      tpu.wait_indirect_dma semaphore(%arg12 : memref<!tpu.dma_semaphore, #tpu.memory_space<semaphore_mem>>) src(%dma_wait3A_99 : memref<10000x128xf32, #tpu.memory_space<hbm>>) dst(%arg9 : memref<128x128xf32, #tpu.memory_space<vmem>>)
      %add3A_100 = arith.constant 0 : i32
      %add3A_101 = arith.addi %mul3A_91, %add3A_100 : i32
      "tpu.region"() ({
        %run_scoped3A_132 = tpu.sem_alloc : memref<!tpu.dma_semaphore, #tpu.memory_space<semaphore_mem>>
        %dma_start3A_133 = arith.constant 0 : i32
        %dma_start3A_134 = tpu.memref_slice %arg8[%add3A_101, %dma_start3A_133] : memref<40x128xi32, #tpu.memory_space<vmem>> -> memref<1x128xi32, #tpu.memory_space<vmem>>
        %dma_start3A_135 = tpu.memref_squeeze %dma_start3A_134 : memref<1x128xi32, #tpu.memory_space<vmem>> -> memref<128xi32, #tpu.memory_space<vmem>>
        %dma_start3A_136 = arith.constant 0 : i32
        %dma_start3A_137 = arith.constant 0 : i32
        %dma_start3A_138 = tpu.memref_slice %arg11[%dma_start3A_136, %dma_start3A_137] : memref<10112x128xf32, #tpu.memory_space<vmem_shared>> -> memref<10112x128xf32, #tpu.memory_space<vmem_shared>>
        tpu.enqueue_indirect_dma source(%arg9 : memref<128x128xf32, #tpu.memory_space<vmem>>) target(%dma_start3A_138 : memref<10112x128xf32, #tpu.memory_space<vmem_shared>>) offsets(%dma_start3A_135 : memref<128xi32, #tpu.memory_space<vmem>>) semaphore(%run_scoped3A_132 : memref<!tpu.dma_semaphore, #tpu.memory_space<semaphore_mem>>) {add = true}
        %dma_wait3A_139 = arith.constant 0 : i32
        %dma_wait3A_140 = tpu.memref_slice %arg8[%add3A_101, %dma_wait3A_139] : memref<40x128xi32, #tpu.memory_space<vmem>> -> memref<1x128xi32, #tpu.memory_space<vmem>>
        %dma_wait3A_141 = tpu.memref_squeeze %dma_wait3A_140 : memref<1x128xi32, #tpu.memory_space<vmem>> -> memref<128xi32, #tpu.memory_space<vmem>>
        %dma_wait3A_142 = arith.constant 0 : i32
        %dma_wait3A_143 = arith.constant 0 : i32
        %dma_wait3A_144 = tpu.memref_slice %arg11[%dma_wait3A_142, %dma_wait3A_143] : memref<10112x128xf32, #tpu.memory_space<vmem_shared>> -> memref<10112x128xf32, #tpu.memory_space<vmem_shared>>
        tpu.wait_indirect_dma semaphore(%run_scoped3A_132 : memref<!tpu.dma_semaphore, #tpu.memory_space<semaphore_mem>>) src(%arg9 : memref<128x128xf32, #tpu.memory_space<vmem>>) dst(%dma_wait3A_144 : memref<10112x128xf32, #tpu.memory_space<vmem_shared>>)
        tpu.yield
      }) : () -> ()
      %add3A_102 = arith.constant 0 : i32
      %add3A_103 = arith.addi %mul3A_91, %add3A_102 : i32
      %add3A_104 = arith.constant 2 : i32
      %add3A_105 = arith.addi %add3A_103, %add3A_104 : i32
      %dma_start3A_106 = arith.constant 0 : i32
      %dma_start3A_107 = tpu.memref_slice %arg7[%add3A_105, %dma_start3A_106] : memref<40x128xi32, #tpu.memory_space<vmem>> -> memref<1x128xi32, #tpu.memory_space<vmem>>
      %dma_start3A_108 = tpu.memref_squeeze %dma_start3A_107 : memref<1x128xi32, #tpu.memory_space<vmem>> -> memref<128xi32, #tpu.memory_space<vmem>>
      %dma_start3A_109 = arith.constant 0 : i32
      %dma_start3A_110 = arith.constant 0 : i32
      %dma_start3A_111 = tpu.memref_slice %arg2[%dma_start3A_109, %dma_start3A_110] : memref<10000x128xf32, #tpu.memory_space<hbm>> -> memref<10000x128xf32, #tpu.memory_space<hbm>>
      tpu.enqueue_indirect_dma source(%dma_start3A_111 : memref<10000x128xf32, #tpu.memory_space<hbm>>) target(%arg9 : memref<128x128xf32, #tpu.memory_space<vmem>>) offsets(%dma_start3A_108 : memref<128xi32, #tpu.memory_space<vmem>>) semaphore(%arg12 : memref<!tpu.dma_semaphore, #tpu.memory_space<semaphore_mem>>)
      %add3A_112 = arith.constant 1 : i32
      %add3A_113 = arith.addi %mul3A_91, %add3A_112 : i32
      %dma_wait3A_114 = arith.constant 0 : i32
      %dma_wait3A_115 = tpu.memref_slice %arg7[%add3A_113, %dma_wait3A_114] : memref<40x128xi32, #tpu.memory_space<vmem>> -> memref<1x128xi32, #tpu.memory_space<vmem>>
      %dma_wait3A_116 = tpu.memref_squeeze %dma_wait3A_115 : memref<1x128xi32, #tpu.memory_space<vmem>> -> memref<128xi32, #tpu.memory_space<vmem>>
      %dma_wait3A_117 = arith.constant 0 : i32
      %dma_wait3A_118 = arith.constant 0 : i32
      %dma_wait3A_119 = tpu.memref_slice %arg2[%dma_wait3A_117, %dma_wait3A_118] : memref<10000x128xf32, #tpu.memory_space<hbm>> -> memref<10000x128xf32, #tpu.memory_space<hbm>>
      tpu.wait_indirect_dma semaphore(%arg13 : memref<!tpu.dma_semaphore, #tpu.memory_space<semaphore_mem>>) src(%dma_wait3A_119 : memref<10000x128xf32, #tpu.memory_space<hbm>>) dst(%arg10 : memref<128x128xf32, #tpu.memory_space<vmem>>)
      %add3A_120 = arith.constant 1 : i32
      %add3A_121 = arith.addi %mul3A_91, %add3A_120 : i32
      "tpu.region"() ({
        %run_scoped3A_132 = tpu.sem_alloc : memref<!tpu.dma_semaphore, #tpu.memory_space<semaphore_mem>>
        %dma_start3A_133 = arith.constant 0 : i32
        %dma_start3A_134 = tpu.memref_slice %arg8[%add3A_121, %dma_start3A_133] : memref<40x128xi32, #tpu.memory_space<vmem>> -> memref<1x128xi32, #tpu.memory_space<vmem>>
        %dma_start3A_135 = tpu.memref_squeeze %dma_start3A_134 : memref<1x128xi32, #tpu.memory_space<vmem>> -> memref<128xi32, #tpu.memory_space<vmem>>
        %dma_start3A_136 = arith.constant 0 : i32
        %dma_start3A_137 = arith.constant 0 : i32
        %dma_start3A_138 = tpu.memref_slice %arg11[%dma_start3A_136, %dma_start3A_137] : memref<10112x128xf32, #tpu.memory_space<vmem_shared>> -> memref<10112x128xf32, #tpu.memory_space<vmem_shared>>
        tpu.enqueue_indirect_dma source(%arg10 : memref<128x128xf32, #tpu.memory_space<vmem>>) target(%dma_start3A_138 : memref<10112x128xf32, #tpu.memory_space<vmem_shared>>) offsets(%dma_start3A_135 : memref<128xi32, #tpu.memory_space<vmem>>) semaphore(%run_scoped3A_132 : memref<!tpu.dma_semaphore, #tpu.memory_space<semaphore_mem>>) {add = true}
        %dma_wait3A_139 = arith.constant 0 : i32
        %dma_wait3A_140 = tpu.memref_slice %arg8[%add3A_121, %dma_wait3A_139] : memref<40x128xi32, #tpu.memory_space<vmem>> -> memref<1x128xi32, #tpu.memory_space<vmem>>
        %dma_wait3A_141 = tpu.memref_squeeze %dma_wait3A_140 : memref<1x128xi32, #tpu.memory_space<vmem>> -> memref<128xi32, #tpu.memory_space<vmem>>
        %dma_wait3A_142 = arith.constant 0 : i32
        %dma_wait3A_143 = arith.constant 0 : i32
        %dma_wait3A_144 = tpu.memref_slice %arg11[%dma_wait3A_142, %dma_wait3A_143] : memref<10112x128xf32, #tpu.memory_space<vmem_shared>> -> memref<10112x128xf32, #tpu.memory_space<vmem_shared>>
        tpu.wait_indirect_dma semaphore(%run_scoped3A_132 : memref<!tpu.dma_semaphore, #tpu.memory_space<semaphore_mem>>) src(%arg10 : memref<128x128xf32, #tpu.memory_space<vmem>>) dst(%dma_wait3A_144 : memref<10112x128xf32, #tpu.memory_space<vmem_shared>>)
        tpu.yield
      }) : () -> ()
      %add3A_122 = arith.constant 1 : i32
      %add3A_123 = arith.addi %mul3A_91, %add3A_122 : i32
      %add3A_124 = arith.constant 2 : i32
      %add3A_125 = arith.addi %add3A_123, %add3A_124 : i32
      %dma_start3A_126 = arith.constant 0 : i32
      %dma_start3A_127 = tpu.memref_slice %arg7[%add3A_125, %dma_start3A_126] : memref<40x128xi32, #tpu.memory_space<vmem>> -> memref<1x128xi32, #tpu.memory_space<vmem>>
      %dma_start3A_128 = tpu.memref_squeeze %dma_start3A_127 : memref<1x128xi32, #tpu.memory_space<vmem>> -> memref<128xi32, #tpu.memory_space<vmem>>
      %dma_start3A_129 = arith.constant 0 : i32
      %dma_start3A_130 = arith.constant 0 : i32
      %dma_start3A_131 = tpu.memref_slice %arg2[%dma_start3A_129, %dma_start3A_130] : memref<10000x128xf32, #tpu.memory_space<hbm>> -> memref<10000x128xf32, #tpu.memory_space<hbm>>
      tpu.enqueue_indirect_dma source(%dma_start3A_131 : memref<10000x128xf32, #tpu.memory_space<hbm>>) target(%arg10 : memref<128x128xf32, #tpu.memory_space<vmem>>) offsets(%dma_start3A_128 : memref<128xi32, #tpu.memory_space<vmem>>) semaphore(%arg13 : memref<!tpu.dma_semaphore, #tpu.memory_space<semaphore_mem>>)
    }
    %scan3A_68 = arith.constant 19 : i32
    %dma_wait3A_69 = arith.constant 38 : i32
    %dma_wait3A_70 = arith.constant 0 : i32
    %dma_wait3A_71 = tpu.memref_slice %arg7[%dma_wait3A_69, %dma_wait3A_70] : memref<40x128xi32, #tpu.memory_space<vmem>> -> memref<1x128xi32, #tpu.memory_space<vmem>>
    %dma_wait3A_72 = tpu.memref_squeeze %dma_wait3A_71 : memref<1x128xi32, #tpu.memory_space<vmem>> -> memref<128xi32, #tpu.memory_space<vmem>>
    %dma_wait3A_73 = arith.constant 0 : i32
    %dma_wait3A_74 = arith.constant 0 : i32
    %dma_wait3A_75 = tpu.memref_slice %arg2[%dma_wait3A_73, %dma_wait3A_74] : memref<10000x128xf32, #tpu.memory_space<hbm>> -> memref<10000x128xf32, #tpu.memory_space<hbm>>
    tpu.wait_indirect_dma semaphore(%arg12 : memref<!tpu.dma_semaphore, #tpu.memory_space<semaphore_mem>>) src(%dma_wait3A_75 : memref<10000x128xf32, #tpu.memory_space<hbm>>) dst(%arg9 : memref<128x128xf32, #tpu.memory_space<vmem>>)
    %run_scoped3A_76 = arith.constant 38 : i32
    "tpu.region"() ({
      %run_scoped3A_89 = tpu.sem_alloc : memref<!tpu.dma_semaphore, #tpu.memory_space<semaphore_mem>>
      %dma_start3A_90 = arith.constant 0 : i32
      %dma_start3A_91 = tpu.memref_slice %arg8[%run_scoped3A_76, %dma_start3A_90] : memref<40x128xi32, #tpu.memory_space<vmem>> -> memref<1x128xi32, #tpu.memory_space<vmem>>
      %dma_start3A_92 = tpu.memref_squeeze %dma_start3A_91 : memref<1x128xi32, #tpu.memory_space<vmem>> -> memref<128xi32, #tpu.memory_space<vmem>>
      %dma_start3A_93 = arith.constant 0 : i32
      %dma_start3A_94 = arith.constant 0 : i32
      %dma_start3A_95 = tpu.memref_slice %arg11[%dma_start3A_93, %dma_start3A_94] : memref<10112x128xf32, #tpu.memory_space<vmem_shared>> -> memref<10112x128xf32, #tpu.memory_space<vmem_shared>>
      tpu.enqueue_indirect_dma source(%arg9 : memref<128x128xf32, #tpu.memory_space<vmem>>) target(%dma_start3A_95 : memref<10112x128xf32, #tpu.memory_space<vmem_shared>>) offsets(%dma_start3A_92 : memref<128xi32, #tpu.memory_space<vmem>>) semaphore(%run_scoped3A_89 : memref<!tpu.dma_semaphore, #tpu.memory_space<semaphore_mem>>) {add = true}
      %dma_wait3A_96 = arith.constant 0 : i32
      %dma_wait3A_97 = tpu.memref_slice %arg8[%run_scoped3A_76, %dma_wait3A_96] : memref<40x128xi32, #tpu.memory_space<vmem>> -> memref<1x128xi32, #tpu.memory_space<vmem>>
      %dma_wait3A_98 = tpu.memref_squeeze %dma_wait3A_97 : memref<1x128xi32, #tpu.memory_space<vmem>> -> memref<128xi32, #tpu.memory_space<vmem>>
      %dma_wait3A_99 = arith.constant 0 : i32
      %dma_wait3A_100 = arith.constant 0 : i32
      %dma_wait3A_101 = tpu.memref_slice %arg11[%dma_wait3A_99, %dma_wait3A_100] : memref<10112x128xf32, #tpu.memory_space<vmem_shared>> -> memref<10112x128xf32, #tpu.memory_space<vmem_shared>>
      tpu.wait_indirect_dma semaphore(%run_scoped3A_89 : memref<!tpu.dma_semaphore, #tpu.memory_space<semaphore_mem>>) src(%arg9 : memref<128x128xf32, #tpu.memory_space<vmem>>) dst(%dma_wait3A_101 : memref<10112x128xf32, #tpu.memory_space<vmem_shared>>)
      tpu.yield
    }) : () -> ()
    %dma_wait3A_77 = arith.constant 39 : i32
    %dma_wait3A_78 = arith.constant 0 : i32
    %dma_wait3A_79 = tpu.memref_slice %arg7[%dma_wait3A_77, %dma_wait3A_78] : memref<40x128xi32, #tpu.memory_space<vmem>> -> memref<1x128xi32, #tpu.memory_space<vmem>>
    %dma_wait3A_80 = tpu.memref_squeeze %dma_wait3A_79 : memref<1x128xi32, #tpu.memory_space<vmem>> -> memref<128xi32, #tpu.memory_space<vmem>>
    %dma_wait3A_81 = arith.constant 0 : i32
    %dma_wait3A_82 = arith.constant 0 : i32
    %dma_wait3A_83 = tpu.memref_slice %arg2[%dma_wait3A_81, %dma_wait3A_82] : memref<10000x128xf32, #tpu.memory_space<hbm>> -> memref<10000x128xf32, #tpu.memory_space<hbm>>
    tpu.wait_indirect_dma semaphore(%arg13 : memref<!tpu.dma_semaphore, #tpu.memory_space<semaphore_mem>>) src(%dma_wait3A_83 : memref<10000x128xf32, #tpu.memory_space<hbm>>) dst(%arg10 : memref<128x128xf32, #tpu.memory_space<vmem>>)
    %run_scoped3A_84 = arith.constant 39 : i32
    "tpu.region"() ({
      %run_scoped3A_89 = tpu.sem_alloc : memref<!tpu.dma_semaphore, #tpu.memory_space<semaphore_mem>>
      %dma_start3A_90 = arith.constant 0 : i32
      %dma_start3A_91 = tpu.memref_slice %arg8[%run_scoped3A_84, %dma_start3A_90] : memref<40x128xi32, #tpu.memory_space<vmem>> -> memref<1x128xi32, #tpu.memory_space<vmem>>
      %dma_start3A_92 = tpu.memref_squeeze %dma_start3A_91 : memref<1x128xi32, #tpu.memory_space<vmem>> -> memref<128xi32, #tpu.memory_space<vmem>>
      %dma_start3A_93 = arith.constant 0 : i32
      %dma_start3A_94 = arith.constant 0 : i32
      %dma_start3A_95 = tpu.memref_slice %arg11[%dma_start3A_93, %dma_start3A_94] : memref<10112x128xf32, #tpu.memory_space<vmem_shared>> -> memref<10112x128xf32, #tpu.memory_space<vmem_shared>>
      tpu.enqueue_indirect_dma source(%arg10 : memref<128x128xf32, #tpu.memory_space<vmem>>) target(%dma_start3A_95 : memref<10112x128xf32, #tpu.memory_space<vmem_shared>>) offsets(%dma_start3A_92 : memref<128xi32, #tpu.memory_space<vmem>>) semaphore(%run_scoped3A_89 : memref<!tpu.dma_semaphore, #tpu.memory_space<semaphore_mem>>) {add = true}
      %dma_wait3A_96 = arith.constant 0 : i32
      %dma_wait3A_97 = tpu.memref_slice %arg8[%run_scoped3A_84, %dma_wait3A_96] : memref<40x128xi32, #tpu.memory_space<vmem>> -> memref<1x128xi32, #tpu.memory_space<vmem>>
      %dma_wait3A_98 = tpu.memref_squeeze %dma_wait3A_97 : memref<1x128xi32, #tpu.memory_space<vmem>> -> memref<128xi32, #tpu.memory_space<vmem>>
      %dma_wait3A_99 = arith.constant 0 : i32
      %dma_wait3A_100 = arith.constant 0 : i32
      %dma_wait3A_101 = tpu.memref_slice %arg11[%dma_wait3A_99, %dma_wait3A_100] : memref<10112x128xf32, #tpu.memory_space<vmem_shared>> -> memref<10112x128xf32, #tpu.memory_space<vmem_shared>>
      tpu.wait_indirect_dma semaphore(%run_scoped3A_89 : memref<!tpu.dma_semaphore, #tpu.memory_space<semaphore_mem>>) src(%arg10 : memref<128x128xf32, #tpu.memory_space<vmem>>) dst(%dma_wait3A_101 : memref<10112x128xf32, #tpu.memory_space<vmem_shared>>)
      tpu.yield
    }) : () -> ()
    %barrier3A_85 = arith.constant 0 : index
    tpu.barrier barrier_id(%barrier3A_85)
    %mul3A_86 = arith.constant 10112 : i32
    %mul3A_87 = arith.muli %arg0, %mul3A_86 : i32
    %add3A_88 = arith.addi %mul3A_87, %mul3A_2 : i32
    "tpu.region"() ({
      %run_scoped3A_89 = tpu.sem_alloc : memref<!tpu.dma_semaphore, #tpu.memory_space<semaphore_mem>>
      %dma_start3A_90 = arith.constant 0 : i32
      %dma_start3A_91 = tpu.memref_slice %arg6[%add3A_88, %dma_start3A_90] : memref<20224x128xf32, #tpu.memory_space<hbm>> -> memref<632x128xf32, #tpu.memory_space<hbm>>
      %dma_start3A_92 = arith.constant 0 : i32
      %dma_start3A_93 = tpu.memref_slice %arg11[%mul3A_2, %dma_start3A_92] : memref<10112x128xf32, #tpu.memory_space<vmem_shared>> -> memref<632x128xf32, #tpu.memory_space<vmem_shared>>
      tpu.enqueue_dma source(%dma_start3A_93 : memref<632x128xf32, #tpu.memory_space<vmem_shared>>) target(%dma_start3A_91 : memref<632x128xf32, #tpu.memory_space<hbm>>) target_semaphore(%run_scoped3A_89 : memref<!tpu.dma_semaphore, #tpu.memory_space<semaphore_mem>>)
      %dma_wait3A_94 = arith.constant 0 : i32
      %dma_wait3A_95 = tpu.memref_slice %arg6[%add3A_88, %dma_wait3A_94] : memref<20224x128xf32, #tpu.memory_space<hbm>> -> memref<632x128xf32, #tpu.memory_space<hbm>>
      %dma_wait3A_96 = arith.constant 0 : i32
      %dma_wait3A_97 = tpu.memref_slice %arg11[%mul3A_2, %dma_wait3A_96] : memref<10112x128xf32, #tpu.memory_space<vmem_shared>> -> memref<632x128xf32, #tpu.memory_space<vmem_shared>>
      tpu.wait_dma2 semaphore(%run_scoped3A_89 : memref<!tpu.dma_semaphore, #tpu.memory_space<semaphore_mem>>) src(%dma_wait3A_97 : memref<632x128xf32, #tpu.memory_space<vmem_shared>>) dst(%dma_wait3A_95 : memref<632x128xf32, #tpu.memory_space<hbm>>)
      tpu.yield
    }) : () -> ()
    return
  }
}

module attributes {stable_mosaic.version = 14 : i64} {
  func.func @_norm_body(%arg0: i32, %arg1: memref<5000x128xf32, #tpu.memory_space<vmem>>, %arg2: memref<5000x128xf32, #tpu.memory_space<vmem>>, %arg3: memref<1x5000x128xf32, #tpu.memory_space<vmem>>) attributes {dimension_semantics = [#tpu.dimension_semantics<arbitrary>], iteration_bounds = array<i64: 2>, scalar_prefetch = 0 : i64, scratch_operands = 0 : i64, tpu.core_type = #tpu.core_type<tc>, window_params = [{transform_indices = @transform_0, window_bounds = array<i64: 5000, 128>}, {transform_indices = @transform_1, window_bounds = array<i64: 5000, 128>}, {transform_indices = @transform_2, window_bounds = array<i64: 1, 5000, 128>}]} {
    %get3A = arith.constant 0 : index
    %get3A_0 = arith.constant 0 : index
    %get3A_1 = vector.load %arg1[%get3A, %get3A_0] : memref<5000x128xf32, #tpu.memory_space<vmem>>, vector<5000x128xf32>
    %mul3A = arith.mulf %get3A_1, %get3A_1 : vector<5000x128xf32>
    %reduce_sum3A = arith.constant dense<0.000000e+00> : vector<5000xf32>
    %reduce_sum3A_2 = vector.multi_reduction <add>, %mul3A, %reduce_sum3A [1] : vector<5000x128xf32> to vector<5000xf32>
    %broadcast_in_dim3A = vector.shape_cast %reduce_sum3A_2 : vector<5000xf32> to vector<5000x1xf32>
    %sqrt3A = math.sqrt %broadcast_in_dim3A : vector<5000x1xf32>
    %max3A = arith.constant 9.99999996E-13 : f32
    %max3A_3 = vector.broadcast %max3A : f32 to vector<5000x1xf32>
    %max3A_4 = arith.maximumf %sqrt3A, %max3A_3 : vector<5000x1xf32>
    %div3A = vector.broadcast %max3A_4 : vector<5000x1xf32> to vector<5000x128xf32>
    %div3A_5 = arith.divf %get3A_1, %div3A : vector<5000x128xf32>
    %swap3A = arith.constant 0 : index
    %swap3A_6 = arith.constant 0 : index
    %swap3A_7 = vector.load %arg2[%swap3A, %swap3A_6] : memref<5000x128xf32, #tpu.memory_space<vmem>>, vector<5000x128xf32>
    tpu.vector_store %arg2[%swap3A, %swap3A_6], %div3A_5 {strides = array<i32>} : memref<5000x128xf32, #tpu.memory_space<vmem>>, vector<5000x128xf32>,
    %swap3A_8 = arith.constant 0 : index
    %swap3A_9 = arith.constant 0 : index
    %swap3A_10 = arith.constant 0 : index
    %swap3A_11 = vector.load %arg3[%swap3A_8, %swap3A_9, %swap3A_10] : memref<1x5000x128xf32, #tpu.memory_space<vmem>>, vector<1x5000x128xf32>
    %swap3A_12 = vector.shape_cast %swap3A_11 : vector<1x5000x128xf32> to vector<5000x128xf32>
    %swap3A_13 = vector.shape_cast %div3A_5 : vector<5000x128xf32> to vector<1x5000x128xf32>
    tpu.vector_store %arg3[%swap3A_8, %swap3A_9, %swap3A_10], %swap3A_13 {strides = array<i32>} : memref<1x5000x128xf32, #tpu.memory_space<vmem>>, vector<1x5000x128xf32>,
    return
  }
  func.func @transform_0(%arg0: i32) -> (i32, i32) {
    %c0_i32 = arith.constant 0 : i32
    %c0_i32_0 = arith.constant 0 : i32
    return %arg0, %c0_i32 : i32, i32
  }
  func.func @transform_1(%arg0: i32) -> (i32, i32) {
    %c0_i32 = arith.constant 0 : i32
    %c0_i32_0 = arith.constant 0 : i32
    return %arg0, %c0_i32 : i32, i32
  }
  func.func @transform_2(%arg0: i32) -> (i32, i32, i32) {
    %c0_i32 = arith.constant 0 : i32
    %c0_i32_0 = arith.constant 0 : i32
    %c0_i32_1 = arith.constant 0 : i32
    return %c0_i32, %arg0, %c0_i32_0 : i32, i32, i32
  }
}

module attributes {stable_mosaic.version = 14 : i64} {
  func.func @_finish_body(%arg0: i32, %arg1: memref<2x5000x128xf32, #tpu.memory_space<vmem>>, %arg2: memref<5000x128xf32, #tpu.memory_space<vmem>>, %arg3: memref<4x10000x128xf32, #tpu.memory_space<any>>, %arg4: memref<5000x128xf32, #tpu.memory_space<vmem>>, %arg5: memref<1x5000x128xf32, #tpu.memory_space<vmem>>) attributes {dimension_semantics = [#tpu.dimension_semantics<arbitrary>], iteration_bounds = array<i64: 2>, scalar_prefetch = 0 : i64, scratch_operands = 0 : i64, tpu.core_type = #tpu.core_type<tc>, window_params = [{transform_indices = @transform_0, window_bounds = array<i64: 2, 5000, 128>}, {transform_indices = @transform_1, window_bounds = array<i64: 5000, 128>}, {}, {transform_indices = @transform_3, window_bounds = array<i64: 5000, 128>}, {transform_indices = @transform_4, window_bounds = array<i64: 1, 5000, 128>}]} {
    %get3A = arith.constant 0 : index
    %get3A_0 = arith.constant 0 : index
    %get3A_1 = arith.constant 0 : index
    %get3A_2 = vector.load %arg1[%get3A, %get3A_0, %get3A_1] : memref<2x5000x128xf32, #tpu.memory_space<vmem>>, vector<1x5000x128xf32>
    %get3A_3 = vector.shape_cast %get3A_2 : vector<1x5000x128xf32> to vector<5000x128xf32>
    %get3A_4 = arith.constant 1 : index
    %get3A_5 = arith.constant 0 : index
    %get3A_6 = arith.constant 0 : index
    %get3A_7 = vector.load %arg1[%get3A_4, %get3A_5, %get3A_6] : memref<2x5000x128xf32, #tpu.memory_space<vmem>>, vector<1x5000x128xf32>
    %get3A_8 = vector.shape_cast %get3A_7 : vector<1x5000x128xf32> to vector<5000x128xf32>
    %add3A = arith.addf %get3A_3, %get3A_8 : vector<5000x128xf32>
    %get3A_9 = arith.constant 0 : index
    %get3A_10 = arith.constant 0 : index
    %get3A_11 = vector.load %arg2[%get3A_9, %get3A_10] : memref<5000x128xf32, #tpu.memory_space<vmem>>, vector<5000x128xf32>
    %add3A_12 = arith.addf %add3A, %get3A_11 : vector<5000x128xf32>
    %mul3A = arith.mulf %add3A_12, %add3A_12 : vector<5000x128xf32>
    %reduce_sum3A = arith.constant dense<0.000000e+00> : vector<5000xf32>
    %reduce_sum3A_13 = vector.multi_reduction <add>, %mul3A, %reduce_sum3A [1] : vector<5000x128xf32> to vector<5000xf32>
    %broadcast_in_dim3A = vector.shape_cast %reduce_sum3A_13 : vector<5000xf32> to vector<5000x1xf32>
    %sqrt3A = math.sqrt %broadcast_in_dim3A : vector<5000x1xf32>
    %max3A = arith.constant 9.99999996E-13 : f32
    %max3A_14 = vector.broadcast %max3A : f32 to vector<5000x1xf32>
    %max3A_15 = arith.maximumf %sqrt3A, %max3A_14 : vector<5000x1xf32>
    %div3A = vector.broadcast %max3A_15 : vector<5000x1xf32> to vector<5000x128xf32>
    %div3A_16 = arith.divf %add3A_12, %div3A : vector<5000x128xf32>
    %swap3A = arith.constant 0 : index
    %swap3A_17 = arith.constant 0 : index
    %swap3A_18 = vector.load %arg4[%swap3A, %swap3A_17] : memref<5000x128xf32, #tpu.memory_space<vmem>>, vector<5000x128xf32>
    tpu.vector_store %arg4[%swap3A, %swap3A_17], %div3A_16 {strides = array<i32>} : memref<5000x128xf32, #tpu.memory_space<vmem>>, vector<5000x128xf32>,
    %swap3A_19 = arith.constant 0 : index
    %swap3A_20 = arith.constant 0 : index
    %swap3A_21 = arith.constant 0 : index
    %swap3A_22 = vector.load %arg5[%swap3A_19, %swap3A_20, %swap3A_21] : memref<1x5000x128xf32, #tpu.memory_space<vmem>>, vector<1x5000x128xf32>
    %swap3A_23 = vector.shape_cast %swap3A_22 : vector<1x5000x128xf32> to vector<5000x128xf32>
    %swap3A_24 = vector.shape_cast %div3A_16 : vector<5000x128xf32> to vector<1x5000x128xf32>
    tpu.vector_store %arg5[%swap3A_19, %swap3A_20, %swap3A_21], %swap3A_24 {strides = array<i32>} : memref<1x5000x128xf32, #tpu.memory_space<vmem>>, vector<1x5000x128xf32>,
    return
  }
  func.func @transform_0(%arg0: i32) -> (i32, i32, i32) {
    %c0_i32 = arith.constant 0 : i32
    %c0_i32_0 = arith.constant 0 : i32
    %c0_i32_1 = arith.constant 0 : i32
    return %c0_i32, %arg0, %c0_i32_0 : i32, i32, i32
  }
  func.func @transform_1(%arg0: i32) -> (i32, i32) {
    %c0_i32 = arith.constant 0 : i32
    %c0_i32_0 = arith.constant 0 : i32
    return %arg0, %c0_i32 : i32, i32
  }
  func.func @transform_3(%arg0: i32) -> (i32, i32) {
    %c0_i32 = arith.constant 0 : i32
    %c0_i32_0 = arith.constant 0 : i32
    return %arg0, %c0_i32 : i32, i32
  }
  func.func @transform_4(%arg0: i32) -> (i32, i32, i32) {
    %c1_i32 = arith.constant 1 : i32
    %c0_i32 = arith.constant 0 : i32
    %c0_i32_0 = arith.constant 0 : i32
    return %c1_i32, %arg0, %c0_i32 : i32, i32, i32
  }
}

module attributes {stable_mosaic.version = 14 : i64} {
  func.func @_finish_body(%arg0: i32, %arg1: memref<2x5000x128xf32, #tpu.memory_space<vmem>>, %arg2: memref<5000x128xf32, #tpu.memory_space<vmem>>, %arg3: memref<4x10000x128xf32, #tpu.memory_space<any>>, %arg4: memref<5000x128xf32, #tpu.memory_space<vmem>>, %arg5: memref<1x5000x128xf32, #tpu.memory_space<vmem>>) attributes {dimension_semantics = [#tpu.dimension_semantics<arbitrary>], iteration_bounds = array<i64: 2>, scalar_prefetch = 0 : i64, scratch_operands = 0 : i64, tpu.core_type = #tpu.core_type<tc>, window_params = [{transform_indices = @transform_0, window_bounds = array<i64: 2, 5000, 128>}, {transform_indices = @transform_1, window_bounds = array<i64: 5000, 128>}, {}, {transform_indices = @transform_3, window_bounds = array<i64: 5000, 128>}, {transform_indices = @transform_4, window_bounds = array<i64: 1, 5000, 128>}]} {
    %get3A = arith.constant 0 : index
    %get3A_0 = arith.constant 0 : index
    %get3A_1 = arith.constant 0 : index
    %get3A_2 = vector.load %arg1[%get3A, %get3A_0, %get3A_1] : memref<2x5000x128xf32, #tpu.memory_space<vmem>>, vector<1x5000x128xf32>
    %get3A_3 = vector.shape_cast %get3A_2 : vector<1x5000x128xf32> to vector<5000x128xf32>
    %get3A_4 = arith.constant 1 : index
    %get3A_5 = arith.constant 0 : index
    %get3A_6 = arith.constant 0 : index
    %get3A_7 = vector.load %arg1[%get3A_4, %get3A_5, %get3A_6] : memref<2x5000x128xf32, #tpu.memory_space<vmem>>, vector<1x5000x128xf32>
    %get3A_8 = vector.shape_cast %get3A_7 : vector<1x5000x128xf32> to vector<5000x128xf32>
    %add3A = arith.addf %get3A_3, %get3A_8 : vector<5000x128xf32>
    %get3A_9 = arith.constant 0 : index
    %get3A_10 = arith.constant 0 : index
    %get3A_11 = vector.load %arg2[%get3A_9, %get3A_10] : memref<5000x128xf32, #tpu.memory_space<vmem>>, vector<5000x128xf32>
    %add3A_12 = arith.addf %add3A, %get3A_11 : vector<5000x128xf32>
    %mul3A = arith.mulf %add3A_12, %add3A_12 : vector<5000x128xf32>
    %reduce_sum3A = arith.constant dense<0.000000e+00> : vector<5000xf32>
    %reduce_sum3A_13 = vector.multi_reduction <add>, %mul3A, %reduce_sum3A [1] : vector<5000x128xf32> to vector<5000xf32>
    %broadcast_in_dim3A = vector.shape_cast %reduce_sum3A_13 : vector<5000xf32> to vector<5000x1xf32>
    %sqrt3A = math.sqrt %broadcast_in_dim3A : vector<5000x1xf32>
    %max3A = arith.constant 9.99999996E-13 : f32
    %max3A_14 = vector.broadcast %max3A : f32 to vector<5000x1xf32>
    %max3A_15 = arith.maximumf %sqrt3A, %max3A_14 : vector<5000x1xf32>
    %div3A = vector.broadcast %max3A_15 : vector<5000x1xf32> to vector<5000x128xf32>
    %div3A_16 = arith.divf %add3A_12, %div3A : vector<5000x128xf32>
    %swap3A = arith.constant 0 : index
    %swap3A_17 = arith.constant 0 : index
    %swap3A_18 = vector.load %arg4[%swap3A, %swap3A_17] : memref<5000x128xf32, #tpu.memory_space<vmem>>, vector<5000x128xf32>
    tpu.vector_store %arg4[%swap3A, %swap3A_17], %div3A_16 {strides = array<i32>} : memref<5000x128xf32, #tpu.memory_space<vmem>>, vector<5000x128xf32>,
    %swap3A_19 = arith.constant 0 : index
    %swap3A_20 = arith.constant 0 : index
    %swap3A_21 = arith.constant 0 : index
    %swap3A_22 = vector.load %arg5[%swap3A_19, %swap3A_20, %swap3A_21] : memref<1x5000x128xf32, #tpu.memory_space<vmem>>, vector<1x5000x128xf32>
    %swap3A_23 = vector.shape_cast %swap3A_22 : vector<1x5000x128xf32> to vector<5000x128xf32>
    %swap3A_24 = vector.shape_cast %div3A_16 : vector<5000x128xf32> to vector<1x5000x128xf32>
    tpu.vector_store %arg5[%swap3A_19, %swap3A_20, %swap3A_21], %swap3A_24 {strides = array<i32>} : memref<1x5000x128xf32, #tpu.memory_space<vmem>>, vector<1x5000x128xf32>,
    return
  }
  func.func @transform_0(%arg0: i32) -> (i32, i32, i32) {
    %c0_i32 = arith.constant 0 : i32
    %c0_i32_0 = arith.constant 0 : i32
    %c0_i32_1 = arith.constant 0 : i32
    return %c0_i32, %arg0, %c0_i32_0 : i32, i32, i32
  }
  func.func @transform_1(%arg0: i32) -> (i32, i32) {
    %c0_i32 = arith.constant 0 : i32
    %c0_i32_0 = arith.constant 0 : i32
    return %arg0, %c0_i32 : i32, i32
  }
  func.func @transform_3(%arg0: i32) -> (i32, i32) {
    %c0_i32 = arith.constant 0 : i32
    %c0_i32_0 = arith.constant 0 : i32
    return %arg0, %c0_i32 : i32, i32
  }
  func.func @transform_4(%arg0: i32) -> (i32, i32, i32) {
    %c2_i32 = arith.constant 2 : i32
    %c0_i32 = arith.constant 0 : i32
    %c0_i32_0 = arith.constant 0 : i32
    return %c2_i32, %arg0, %c0_i32 : i32, i32, i32
  }
}

module attributes {stable_mosaic.version = 14 : i64} {
  func.func @_finish_body(%arg0: i32, %arg1: memref<2x5000x128xf32, #tpu.memory_space<vmem>>, %arg2: memref<5000x128xf32, #tpu.memory_space<vmem>>, %arg3: memref<4x10000x128xf32, #tpu.memory_space<any>>, %arg4: memref<5000x128xf32, #tpu.memory_space<vmem>>, %arg5: memref<1x5000x128xf32, #tpu.memory_space<vmem>>) attributes {dimension_semantics = [#tpu.dimension_semantics<arbitrary>], iteration_bounds = array<i64: 2>, scalar_prefetch = 0 : i64, scratch_operands = 0 : i64, tpu.core_type = #tpu.core_type<tc>, window_params = [{transform_indices = @transform_0, window_bounds = array<i64: 2, 5000, 128>}, {transform_indices = @transform_1, window_bounds = array<i64: 5000, 128>}, {}, {transform_indices = @transform_3, window_bounds = array<i64: 5000, 128>}, {transform_indices = @transform_4, window_bounds = array<i64: 1, 5000, 128>}]} {
    %get3A = arith.constant 0 : index
    %get3A_0 = arith.constant 0 : index
    %get3A_1 = arith.constant 0 : index
    %get3A_2 = vector.load %arg1[%get3A, %get3A_0, %get3A_1] : memref<2x5000x128xf32, #tpu.memory_space<vmem>>, vector<1x5000x128xf32>
    %get3A_3 = vector.shape_cast %get3A_2 : vector<1x5000x128xf32> to vector<5000x128xf32>
    %get3A_4 = arith.constant 1 : index
    %get3A_5 = arith.constant 0 : index
    %get3A_6 = arith.constant 0 : index
    %get3A_7 = vector.load %arg1[%get3A_4, %get3A_5, %get3A_6] : memref<2x5000x128xf32, #tpu.memory_space<vmem>>, vector<1x5000x128xf32>
    %get3A_8 = vector.shape_cast %get3A_7 : vector<1x5000x128xf32> to vector<5000x128xf32>
    %add3A = arith.addf %get3A_3, %get3A_8 : vector<5000x128xf32>
    %get3A_9 = arith.constant 0 : index
    %get3A_10 = arith.constant 0 : index
    %get3A_11 = vector.load %arg2[%get3A_9, %get3A_10] : memref<5000x128xf32, #tpu.memory_space<vmem>>, vector<5000x128xf32>
    %add3A_12 = arith.addf %add3A, %get3A_11 : vector<5000x128xf32>
    %mul3A = arith.mulf %add3A_12, %add3A_12 : vector<5000x128xf32>
    %reduce_sum3A = arith.constant dense<0.000000e+00> : vector<5000xf32>
    %reduce_sum3A_13 = vector.multi_reduction <add>, %mul3A, %reduce_sum3A [1] : vector<5000x128xf32> to vector<5000xf32>
    %broadcast_in_dim3A = vector.shape_cast %reduce_sum3A_13 : vector<5000xf32> to vector<5000x1xf32>
    %sqrt3A = math.sqrt %broadcast_in_dim3A : vector<5000x1xf32>
    %max3A = arith.constant 9.99999996E-13 : f32
    %max3A_14 = vector.broadcast %max3A : f32 to vector<5000x1xf32>
    %max3A_15 = arith.maximumf %sqrt3A, %max3A_14 : vector<5000x1xf32>
    %div3A = vector.broadcast %max3A_15 : vector<5000x1xf32> to vector<5000x128xf32>
    %div3A_16 = arith.divf %add3A_12, %div3A : vector<5000x128xf32>
    %swap3A = arith.constant 0 : index
    %swap3A_17 = arith.constant 0 : index
    %swap3A_18 = vector.load %arg4[%swap3A, %swap3A_17] : memref<5000x128xf32, #tpu.memory_space<vmem>>, vector<5000x128xf32>
    tpu.vector_store %arg4[%swap3A, %swap3A_17], %div3A_16 {strides = array<i32>} : memref<5000x128xf32, #tpu.memory_space<vmem>>, vector<5000x128xf32>,
    %swap3A_19 = arith.constant 0 : index
    %swap3A_20 = arith.constant 0 : index
    %swap3A_21 = arith.constant 0 : index
    %swap3A_22 = vector.load %arg5[%swap3A_19, %swap3A_20, %swap3A_21] : memref<1x5000x128xf32, #tpu.memory_space<vmem>>, vector<1x5000x128xf32>
    %swap3A_23 = vector.shape_cast %swap3A_22 : vector<1x5000x128xf32> to vector<5000x128xf32>
    %swap3A_24 = vector.shape_cast %div3A_16 : vector<5000x128xf32> to vector<1x5000x128xf32>
    tpu.vector_store %arg5[%swap3A_19, %swap3A_20, %swap3A_21], %swap3A_24 {strides = array<i32>} : memref<1x5000x128xf32, #tpu.memory_space<vmem>>, vector<1x5000x128xf32>,
    return
  }
  func.func @transform_0(%arg0: i32) -> (i32, i32, i32) {
    %c0_i32 = arith.constant 0 : i32
    %c0_i32_0 = arith.constant 0 : i32
    %c0_i32_1 = arith.constant 0 : i32
    return %c0_i32, %arg0, %c0_i32_0 : i32, i32, i32
  }
  func.func @transform_1(%arg0: i32) -> (i32, i32) {
    %c0_i32 = arith.constant 0 : i32
    %c0_i32_0 = arith.constant 0 : i32
    return %arg0, %c0_i32 : i32, i32
  }
  func.func @transform_3(%arg0: i32) -> (i32, i32) {
    %c0_i32 = arith.constant 0 : i32
    %c0_i32_0 = arith.constant 0 : i32
    return %arg0, %c0_i32 : i32, i32
  }
  func.func @transform_4(%arg0: i32) -> (i32, i32, i32) {
    %c3_i32 = arith.constant 3 : i32
    %c0_i32 = arith.constant 0 : i32
    %c0_i32_0 = arith.constant 0 : i32
    return %c3_i32, %arg0, %c0_i32 : i32, i32, i32
  }
}

</mosaic_0001>

<sc_bundles>
// kernel: kernel.12.cloned.1.call-start
scs
__scs_entry_jumppad:
0x0: {  	(pc) =	sbr.rel $0x88, $3  }
0x1: {  	(tag) =	ssettag $0x0;
	lr =	simm.s32 $0x1  }
0x2: {  	[smem:$0x3F9F] =	sst lr;
	_ =	strace $0xD0000000  }
0x3: {  	_ = 	snop  }
0x4: {  	_ = 	snop  }
0x5: {  	_ = 	snop  }
0x6: {  	_ = 	snop  }
0x7: {  	_ = 	snop  }
__scs_overlays_trampoline_lowered:
0x8: {  	[smem:$0x3FAE] =	sst s0  }
0x9: {  	[smem:$0x3FAF] =	sst s1  }
0xa: {  	[smem:$0x3FB0] =	sst s2  }
0xb: {  	[smem:$0x3FB1] =	sst s3  }
0xc: {  	[smem:$0x3FB2] =	sst s4  }
0xd: {  	[smem:$0x3FB3] =	sst s5  }
0xe: {  	[smem:$0x3FB4] =	sst s6  }
0xf: {  	[smem:$0x3FB5] =	sst s7  }
0x10: {  	[smem:$0x3FB6] =	sst s8  }
0x11: {  	[smem:$0x3FB7] =	sst s9;
	s0 =	simm.s32 @!p0 $0x0  }
0x12: {  	s1 =	sld [smem:$0x3F9D];
	s0 =	simm.s32 @p0 $0x1  }
0x13: {  	[smem:$0x3FB8] =	sst s0;
	s0 =	simm.s32 @!p1 $0x0  }
0x14: {  	s2 =	sld [smem:$0x3F9C];
	s0 =	simm.s32 @p1 $0x1  }
0x15: {  	[smem:$0x3FB9] =	sst s0;
	s0 =	simm.s32 @!p2 $0x0  }
0x16: {  	s3 =	sld [smem:$0x3FDB];
	s0 =	simm.s32 @p2 $0x1  }
0x17: {  	s4 =	simm.s32 $0x1BF5;
	[smem:$0x3FBB] =	sst s0  }
0x18: {  	s0 =	sld [smem:$0x3F9E];
	_ =	swait.ge [sflag:s4], $0x0  }
0x19: {  	s7 =	sld [smem:$0x3F9F]  }
0x1a: {  	s8 =	sadd.s32 $0xFFFFE003, lr  }
0x1b: {  	s9 =	sadd.s32 $0xFFFFFEF7, lr;
	s5 =	simm.s32 $0xFFFFFFFF;
	p2 =	slt.u32 s8, $0xFFFFF086  }
0x1c: {  	p1 =	slt.u32 s9, $0xF7A;
	s5 =	simm.s32 @!p2 $0x0  }
0x1d: {  	s5 =	simm.s32 @p1 $0x1;
	p0 =	seq.s32 s7, s2  }
0x1e: {  	s7 =	smul.u32 @!p0 $0xF7A, s2;
	p2 =	seq.s32 @!p0 s5, $0x0  }
0x1f: {  	s9 =	smul.u32 $0xF7A, s1;
	s8 =	simm.s32 @!p0 $0x1BF5;
	p2 =	por !p2, p0  }
0x20: {  	[sflag:s8] =	ssyncset.s32 @!p0 $0xFFFFF086;
	s6 =	sadd.s32 @!p0 s3, s7;
	s7 =	simm.s32 @!p0 $0x108  }
0x21: {  	s3 =	sadd.s32 s3, s9;
	s6 =	sadd.s32 @!p0 $0x88, s6;
	s7 =	simm.s32 @p2 $0x1082  }
0x22: {  	[simem:s7], [sflag:s8] =	dma.local @!p0 [hbm:s6], $0xF7A  }
0x23: {  	s9 =	sor.u32 $0xD0000000, s2;
	s6 =	simm.s32 $0x108;
	_ =	swait.ge @!p0 [sflag:s8], $0x0  }
0x24: {  	s3 =	sadd.s32 $0x88, s3;
	s6 =	simm.s32 @!p1 $0x1082;
	[sflag:s4] =	ssyncset.s32 $0xFFFFF086  }
0x25: {  	[simem:s6], [sflag:s4] =	dma.local [hbm:s3], $0xF7A  }
0x26: {  	[smem:$0x3F9F] =	sst s1;
	(tag) =	ssettag s2;
	_ =	strace s9  }
0x27: {  	s1 =	sld [smem:$0x3FAF]  }
0x28: {  	s2 =	sld [smem:$0x3FB0]  }
0x29: {  	s4 =	sld [smem:$0x3FB2]  }
0x2a: {  	p0 =	seq.s32 s5, $0x0;
	s5 =	sld [smem:$0x3FB3]  }
0x2b: {  	s6 =	sld [smem:$0x3FB4]  }
0x2c: {  	s7 =	sld [smem:$0x3FB5]  }
0x2d: {  	s3 =	simm.s32 $0x108;
	s8 =	sld [smem:$0x3FB6]  }
0x2e: {  	s3 =	simm.s32 @!p0 $0x1082;
	s9 =	sld [smem:$0x3FB7]  }
0x2f: {  	lr =	sadd.s32 s0, s3;
	s0 =	sld [smem:$0x3FAE]  }
0x30: {  	s3 =	sld [smem:$0x3FB1]  }
0x31: {  	[smem:$0x3FBA] =	sst s10  }
0x32: {  	s10 =	sld [smem:$0x3FB8];
	_ =	sdelay $0x3  }
0x33: {  	p0 =	seq.s32 s10, $0x1;
	s10 =	sld [smem:$0x3FBA];
	_ =	sdelay $0x3  }
0x34: {  	[smem:$0x3FBA] =	sst s10  }
0x35: {  	s10 =	sld [smem:$0x3FB9];
	_ =	sdelay $0x3  }
0x36: {  	p1 =	seq.s32 s10, $0x1;
	s10 =	sld [smem:$0x3FBA];
	_ =	sdelay $0x3  }
0x37: {  	[smem:$0x3FBA] =	sst s10  }
0x38: {  	s10 =	sld [smem:$0x3FBB]  }
0x39: {  	_ = 	snop;
	(pc) =	sbr.ind lr, $3  }
0x3a: {  	_ = 	snop  }
0x3b: {  	_ = 	snop  }
0x3c: {  	p2 =	seq.s32 s10, $0x1;
	s10 =	sld [smem:$0x3FBA]  }
0x3d: {  	_ =	shalt  }
0x3e: {  	_ =	shalt  }
0x3f: {  	_ =	shalt  }
0x40: {  	_ =	shalt  }
0x41: {  	_ =	shalt  }
0x42: {  	_ =	shalt  }
0x43: {  	_ =	shalt  }
0x44: {  	_ =	shalt  }
0x45: {  	_ =	shalt  }
0x46: {  	_ =	shalt  }
0x47: {  	_ =	shalt  }
0x48: {  	_ =	shalt  }
0x49: {  	_ =	shalt  }
0x4a: {  	_ =	shalt  }
0x4b: {  	_ =	shalt  }
0x4c: {  	_ =	shalt  }
0x4d: {  	_ =	shalt  }
0x4e: {  	_ =	shalt  }
0x4f: {  	_ =	shalt  }
0x50: {  	_ =	shalt  }
0x51: {  	_ =	shalt  }
0x52: {  	_ =	shalt  }
0x53: {  	_ =	shalt  }
0x54: {  	_ =	shalt  }
0x55: {  	_ =	shalt  }
0x56: {  	_ =	shalt  }
0x57: {  	_ =	shalt  }
0x58: {  	_ =	shalt  }
0x59: {  	_ =	shalt  }
0x5a: {  	_ =	shalt  }
0x5b: {  	_ =	shalt  }
0x5c: {  	_ =	shalt  }
0x5d: {  	_ =	shalt  }
0x5e: {  	_ =	shalt  }
0x5f: {  	_ =	shalt  }
0x60: {  	_ =	shalt  }
0x61: {  	_ =	shalt  }
0x62: {  	_ =	shalt  }
0x63: {  	_ =	shalt  }
0x64: {  	_ =	shalt  }
0x65: {  	_ =	shalt  }
0x66: {  	_ =	shalt  }
0x67: {  	_ =	shalt  }
0x68: {  	_ =	shalt  }
0x69: {  	_ =	shalt  }
0x6a: {  	_ =	shalt  }
0x6b: {  	_ =	shalt  }
0x6c: {  	_ =	shalt  }
0x6d: {  	_ =	shalt  }
0x6e: {  	_ =	shalt  }
0x6f: {  	_ =	shalt  }
0x70: {  	_ =	shalt  }
0x71: {  	_ =	shalt  }
0x72: {  	_ =	shalt  }
0x73: {  	_ =	shalt  }
0x74: {  	_ =	shalt  }
0x75: {  	_ =	shalt  }
0x76: {  	_ =	shalt  }
0x77: {  	_ =	shalt  }
0x78: {  	_ =	shalt  }
0x79: {  	_ =	shalt  }
0x7a: {  	_ =	shalt  }
0x7b: {  	_ =	shalt  }
0x7c: {  	_ =	shalt  }
0x7d: {  	_ =	shalt  }
0x7e: {  	_ =	shalt  }
0x7f: {  	_ =	shalt  }
0x80: {  	_ =	shalt  }
0x81: {  	_ =	shalt  }
0x82: {  	_ =	shalt  }
0x83: {  	_ =	shalt  }
0x84: {  	_ =	shalt  }
0x85: {  	_ =	shalt  }
0x86: {  	_ =	shalt  }
0x87: {  	_ =	shalt  }
.Lfunc_end0:
.L_simem_size_0:
called_computation.1_lowered:
.L_overlay_start_0:
0x88: {  	s2 =	sld [smem:$0x3FD9]  }
0x89: {  	s3 =	sld [smem:$0x3FFE];
	_ =	sdelay $0x1  }
0x8a: {  	s1 =	srdreg.scid  }
0x8b: {  	s0 =	sand.u32 $0x1, s1  }
0x8c: {  	s16 =	sshll.u32 s0, $0xA;
	s2 =	sadd.s32 s3, s2  }
0x8d: {  	s2 =	sadd.s32 s2, s16  }
0x8e: {  	[smem:$0x3FC6] =	sst s2  }
0x8f: {  	_ = 	snop  }
0x90: {  	(tm) =	ssettm $0x1  }
0x91: {  	s17 =	sld [smem:$0x3FFB];
	_ =	sdelay $0x3  }
0x92: {  	_ =	strace s17  }
0x93: {  	s2 =	sld [smem:$0x3FFC];
	_ =	sdelay $0x3  }
0x94: {  	_ =	strace s2  }
0x95: {  	s2 =	sld [smem:$0x3FFD];
	_ =	sdelay $0x3  }
0x96: {  	_ =	strace s2  }
0x97: {  	_ =	strace $0x8FFFFFFF  }
0x98: {  	s18 =	sld [smem:$0x3FDB];
	_ =	sdelay $0x1  }
0x99: {  	s19 =	simm.s32 $_scs_section_size  }
0x9a: {  	s4 =	simm.s32 $_size__tile_overlayer_lowered;
	s5 =	simm.s32 $_tile_overlayer_lowered  }
0x9b: {  	s22 =	simm.s32 $0x1BFF;
	s21 =	sshll.u32 s5, $0x1;
	s2 =	sadd.s32 s19, s18  }
0x9c: {  	s6 =	simm.s32 $0x0;
	s20 =	sshll.u32 s4, $0x1;
	s4 =	sadd.s32 s21, s2  }
0x9d: {  	[timem:s6], [sflag:s22] =	dma.local [hbm:s4], s20  }
0x9e: {  	_ =	swait.ge [sflag:s22], s20  }
0x9f: {  	s3 =	ssub.s32 $0x0, s20;
	[sflag:s22] =	ssyncset.done $0x0  }
0xa0: {  	[sflag:s22] =	ssyncadd.s32 s3;
	_ =	sdelay $0x1  }
0xa1: {  	s23 =	simm.s32 $0x1B8B  }
0xa2: {  	_ =	swait.ge [sflag:s23], $0x1  }
0xa3: {  	[sflag:s23] =	ssyncset.done $0x0  }
0xa4: {  	s25 =	simm.s32 $0x1B8E;
	s24 =	sld [smem:$0x3FFE];
	[sflag:s23] =	ssyncadd.s32 $0xFFFFFFFF  }
0xa5: {  	s26 =	simm.s32 $execute0_lowered;
	[smem:$0x3FD2] =	sst s25  }
0xa6: {  	s4 =	sshll.u32 s26, $0x1;
	_ =	strace $0x80000049;
	[dreg:$0x1] =	wrdreg $0xFFFFFFFF  }
0xa7: {  	s28 =	simm.s32 $_size_execute0_lowered;
	s2 =	sadd.s32 s2, s4;
	[dreg:$0x0] =	wrdreg $0x0  }
0xa8: {  	s4 =	sshll.u32 s28, $0x1;
	[dreg:$0x2] =	wrdreg s2  }
0xa9: {  	[dreg:$0x3] =	wrdreg s4  }
0xaa: {  	[dreg:$0x4] =	wrdreg $0xC0  }
0xab: {  	_ =	task [dreg:s6], $0x5FFFF  }
0xac: {  	[dreg:$0x1] =	wrdreg $0xFFFFFFFF  }
0xad: {  	[dreg:$0x0] =	wrdreg $0x60  }
0xae: {  	[dreg:$0x2] =	wrdreg s24  }
0xaf: {  	[dreg:$0x3] =	wrdreg $0xA8000  }
0xb0: {  	[dreg:$0x4] =	wrdreg $0x9  }
0xb1: {  	_ =	task.clear_ibuf [dreg:s6], $0x5FFFF;
	_ =	strace $0x90000049  }
0xb2: {  	s29 =	simm.s32 $0x9;
	_ =	strace $0x8000004B  }
0xb3: {  	_ =	swait.ge [sflag:s29], $0x1  }
0xb4: {  	[sflag:s29] =	ssyncadd.s32 $0xFFFFFFFF  }
0xb5: {  	_ =	strace $0x9000004B  }
0xb6: {  	_ =	sfence  }
0xb7: {  	s30 =	sld [smem:$0x0];
	_ =	sdelay $0x2  }
0xb8: {  	s31 =	sshll.u32 s1, $0xD;
	s1 =	sshrl.u32 s1, $0x2  }
0xb9: {  	s3 =	sand.u32 $0x4000, s31;
	s1 =	sadd.s32 s1, s30  }
0xba: {  	s0 =	sor.u32 s3, s0;
	s1 =	sshll.u32 s1, $0x11  }
0xbb: {  	s0 =	sor.u32 s1, s0  }
0xbc: {  	s0 =	sadd.s32 $0x8F2B, s0  }
0xbd: {  	[sflag:s0] =	ssyncadd.remote.s32 $0x1  }
0xbe: {  	_ =	sfence.sel $0xFFFF  }
0xbf: {  	[dreg:$0x0] =	wrdreg $0xFFFFFFFF;
	(pc) =	sbr.abs _section_cstart, $3  }
0xc0: {  	[dreg:$0x1] =	wrdreg $0xFFFFFFFF  }
0xc1: {  	_ =	task.clear_ibuf [dreg:s6], $0x2FFFF;
	_ =	strace $0x9FFFFFFF  }
0xc2: {  	(tm) =	ssettm $0x7FFFFFFF  }
0xc3: {  	_ =	shalt  }
tec
execute0_lowered:
.L_overlay_start_1:
0x0: {  	(tag) =	ssettag $0x1  }
0x1: {  	s5 =	rddreg [dreg:$0x0]  }
0x2: {  	s1 =	rddreg [dreg:$0x1]  }
0x3: {  	s0 =	rddreg [dreg:$0x2];
	s3 =	simm.s32 $0x0;
	s4 =	srdreg.scid  }
0x4: {  	s2 =	stileid.u32;
	s18 =	simm.s32 $0x3;
	s19 =	simm.s32 $0x1400  }
0x5: {  	s20 =	simm.s32 $0x80;
	s21 =	simm.s32 $0x6800;
	s22 =	simm.s32 $0x1  }
0x6: {  	s23 =	simm.s32 $0x2;
	s24 =	simm.s32 $0x2700;
	s25 =	simm.s32 $0x2780  }
0x7: {  	s26 =	simm.s32 $0x0;
	[smem:$0x7FF] =	sst s3;
	s6 =	sand.u32 $0x1, s4  }
0x8: {  	s7 =	sshll.u32 s2, $0x1;
	s8 =	smul.u32 $0x2780, s2;
	s4 =	sadd.s32 $0x3400, s5  }
0x9: {  	s13 =	sadd.s32 $0x2A600, s5;
	s11 =	smul.u32 $0x4F000, s2;
	s14 =	sadd.s32 $0x34600, s5  }
0xa: {  	_ =	strace $0x8000004A;
	s7 =	sor.u32 s6, s7;
	s9 =	smul.u32 $0x27800, s6  }
0xb: {  	s6 =	ssub.s32 $0x2, s6;
	s10 =	sshll.u32 s7, $0xB;
	s29 =	sshrl.u32 s11, $0x2  }
0xc: {  	s30 =	sshrl.u32 s6, $0x1;
	s31 =	smul.u32 $0x2800, s7;
	s8 =	sadd.s32 s8, s9  }
0xd: {  	s10 =	sadd.s32 s10, s5;
	s16 =	ssub.s32 s6, s30;
	s15 =	sadd.s32 s8, s5  }
0xe: {  	s5 =	sadd.s32 s29, s1;
	s6 =	sadd.s32 $0x3E600, s10;
	s12 =	sshrl.u32 s31, $0x3  }
0xf: {  	s16 =	smax.u32 s16, $0x1;
	s7 =	sadd.s32 $0x4000, s5;
	s8 =	sadd.s32 $0x8000, s5  }
0x10: {  	s9 =	sadd.s32 $0xC000, s5;
	s10 =	sadd.s32 $0x10000, s5;
	s11 =	sadd.s32 s13, s12  }
0x11: {  	s17 =	sadd.s32 $0x280, s12;
	s12 =	sadd.s32 s14, s12;
	s15 =	sadd.s32 $0x4E600, s15  }
0x12: {  	s13 =	sadd.s32 s13, s17;
	s14 =	sadd.s32 s14, s17;
	s17 =	simm.s32 $0x2800  }
.LBB2_1:
0x13: {  	[tilespmem:s17], [sflag:$0x3] =	stream.linear.gather [hbm4b:s6+s3], $0x4000, $0x38;
	[tilespmem:$0x1E400] =	vst v63  }
0x14: {  	_ =	swait.ge [sflag:s18], $0x4000  }
0x15: {  	[sflag:s18] =	ssyncset.done $0x0  }
0x16: {  	[sflag:s18] =	ssyncadd.s32 $0xFFFFC000  }
0x17: {  	[spmem:s5] =	stream.linear.scatter [tilespmem:s17], [sflag:$0x3], $0x4000, $0x38;
	[tilespmem:$0x1E400] =	vst v63  }
0x18: {  	_ =	swait.ge [sflag:s18], $0x4000  }
0x19: {  	[sflag:s18] =	ssyncset.done $0x0  }
0x1a: {  	[sflag:s18] =	ssyncadd.s32 $0xFFFFC000  }
0x1b: {  	[spmem:s7] =	stream.linear.scatter [tilespmem:s17], [sflag:$0x3], $0x4000, $0x38;
	[tilespmem:$0x1E400] =	vst v63  }
0x1c: {  	_ =	swait.ge [sflag:s18], $0x4000  }
0x1d: {  	[sflag:s18] =	ssyncset.done $0x0  }
0x1e: {  	[sflag:s18] =	ssyncadd.s32 $0xFFFFC000  }
0x1f: {  	[spmem:s8] =	stream.linear.scatter [tilespmem:s17], [sflag:$0x3], $0x4000, $0x38;
	[tilespmem:$0x1E400] =	vst v63  }
0x20: {  	_ =	swait.ge [sflag:s18], $0x4000  }
0x21: {  	[sflag:s18] =	ssyncset.done $0x0  }
0x22: {  	[sflag:s18] =	ssyncadd.s32 $0xFFFFC000  }
0x23: {  	[spmem:s9] =	stream.linear.scatter [tilespmem:s17], [sflag:$0x3], $0x4000, $0x38;
	[tilespmem:$0x1E400] =	vst v63  }
0x24: {  	_ =	swait.ge [sflag:s18], $0x4000  }
0x25: {  	[sflag:s18] =	ssyncset.done $0x0  }
0x26: {  	[sflag:s18] =	ssyncadd.s32 $0xFFFFC000  }
0x27: {  	[spmem:s10] =	stream.linear.scatter [tilespmem:s17], [sflag:$0x3], $0x3C00, $0x38;
	[tilespmem:$0x1E400] =	vst v63  }
0x28: {  	_ =	swait.ge [sflag:s18], $0x3C00  }
0x29: {  	[sflag:s18] =	ssyncset.done $0x0  }
0x2a: {  	[sflag:s18] =	ssyncadd.s32 $0xFFFFC400  }
0x2b: {  	[bflag:$0x0] =	sbarrier.arrive $0xFFFF  }
0x2c: {  	[tilespmem:s3], [sflag:$0x3] =	stream.linear.gather [hbm4b:s11+s3], $0x1400, $0x38;
	[tilespmem:$0x1E400] =	vst v63  }
0x2d: {  	_ =	swait.ge [sflag:s18], $0x1400  }
0x2e: {  	[sflag:s18] =	ssyncset.done $0x0  }
0x2f: {  	[sflag:s18] =	ssyncadd.s32 $0xFFFFEC00  }
0x30: {  	[tilespmem:s19], [sflag:$0x3] =	stream.linear.gather [hbm4b:s12+s3], $0x1400, $0x38;
	[tilespmem:$0x1E400] =	vst v63  }
0x31: {  	_ =	swait.ge [sflag:s18], $0x1400  }
0x32: {  	[sflag:s18] =	ssyncset.done $0x0  }
0x33: {  	[sflag:s18] =	ssyncadd.s32 $0xFFFFEC00  }
0x34: {  	[tilespmem:s17], [sflag:$0x1] =	stream.indirect.gather [hbm4b:s4+s20], $0x80, s3, s20, $0xb8;
	[tilespmem:$0x1E400] =	vst v63  }
0x35: {  	_ = 	snop  }
0x36: {  	[tilespmem:s21], [sflag:$0x2] =	stream.indirect.gather [hbm4b:s4+s20], $0x80, s20, s20, $0xb8;
	[tilespmem:$0x1E400] =	vst v63  }
0x37: {  	_ =	swait.ge [sflag:s22], $0x4000  }
0x38: {  	[sflag:s22] =	ssyncset.done $0x0  }
0x39: {  	s28 =	simm.s32 $0x1400;
	[sflag:s22] =	ssyncadd.s32 $0xFFFFC000  }
0x3a: {  	[spmem:s1] =	stream.indirect.scatter.add.f32 [tilespmem:s17], [sflag:$0x3], $0x80, s28, s20, $0xb8;
	[tilespmem:$0x1E400] =	vst v63  }
0x3b: {  	_ =	swait.ge [sflag:s18], $0x4000  }
0x3c: {  	[sflag:s18] =	ssyncset.done $0x0  }
0x3d: {  	s28 =	simm.s32 $0x100;
	[sflag:s18] =	ssyncadd.s32 $0xFFFFC000  }
0x3e: {  	[tilespmem:s17], [sflag:$0x1] =	stream.indirect.gather [hbm4b:s4+s20], $0x80, s28, s20, $0xb8;
	[tilespmem:$0x1E400] =	vst v63  }
0x3f: {  	_ =	swait.ge [sflag:s23], $0x4000  }
0x40: {  	[sflag:s23] =	ssyncset.done $0x0  }
0x41: {  	s28 =	simm.s32 $0x1480;
	[sflag:s23] =	ssyncadd.s32 $0xFFFFC000  }
0x42: {  	[spmem:s1] =	stream.indirect.scatter.add.f32 [tilespmem:s21], [sflag:$0x3], $0x80, s28, s20, $0xb8;
	[tilespmem:$0x1E400] =	vst v63  }
0x43: {  	_ =	swait.ge [sflag:s18], $0x4000  }
0x44: {  	[sflag:s18] =	ssyncset.done $0x0  }
0x45: {  	s29 =	simm.s32 $0x180;
	s28 =	simm.s32 $0x400;
	[sflag:s18] =	ssyncadd.s32 $0xFFFFC000  }
.LBB2_2:
0x46: {  	[tilespmem:s21], [sflag:$0x2] =	stream.indirect.gather [hbm4b:s4+s20], $0x80, s29, s20, $0xb8;
	[tilespmem:$0x1E400] =	vst v63  }
0x47: {  	s29 =	smov.u32 s28  }
0x48: {  	p0 =	sne.s32 s28, $0x4800;
	s28 =	sadd.s32 $0x400, s28;
	_ =	swait.ge [sflag:s22], $0x4000  }
0x49: {  	s29 =	sshra.s32 s29, $0x2;
	[sflag:s22] =	ssyncset.done $0x0  }
0x4a: {  	s30 =	sadd.s32 $0x1400, s29;
	[sflag:s22] =	ssyncadd.s32 $0xFFFFC000  }
0x4b: {  	[spmem:s1] =	stream.indirect.scatter.add.f32 [tilespmem:s17], [sflag:$0x3], $0x80, s30, s20, $0xb8;
	[tilespmem:$0x1E400] =	vst v63  }
0x4c: {  	_ =	swait.ge [sflag:s18], $0x4000  }
0x4d: {  	[sflag:s18] =	ssyncset.done $0x0  }
0x4e: {  	s30 =	sadd.s32 $0x100, s29;
	[sflag:s18] =	ssyncadd.s32 $0xFFFFC000  }
0x4f: {  	[tilespmem:s17], [sflag:$0x1] =	stream.indirect.gather [hbm4b:s4+s20], $0x80, s30, s20, $0xb8;
	[tilespmem:$0x1E400] =	vst v63  }
0x50: {  	_ =	swait.ge [sflag:s23], $0x4000  }
0x51: {  	[sflag:s23] =	ssyncset.done $0x0  }
.Ltmp0:
0x52: {  	s30 =	sadd.s32 $0x1480, s29;
	[sflag:s23] =	ssyncadd.s32 $0xFFFFC000;
	(pc) =	sbr.rel @p0 .LBB2_2-.Ltmp0, $4  }
0x53: {  	[spmem:s1] =	stream.indirect.scatter.add.f32 [tilespmem:s21], [sflag:$0x3], $0x80, s30, s20, $0xb8;
	[tilespmem:$0x1E400] =	vst v63  }
0x54: {  	_ =	swait.ge [sflag:s18], $0x4000  }
0x55: {  	[sflag:s18] =	ssyncset.done $0x0  }
0x56: {  	s29 =	sadd.s32 $0x180, s29;
	[sflag:s18] =	ssyncadd.s32 $0xFFFFC000  }
0x57: {  	[tilespmem:s21], [sflag:$0x2] =	stream.indirect.gather [hbm4b:s4+s20], $0x80, s29, s20, $0xb8;
	[tilespmem:$0x1E400] =	vst v63  }
0x58: {  	_ =	swait.ge [sflag:s22], $0x4000  }
0x59: {  	[sflag:s22] =	ssyncset.done $0x0  }
0x5a: {  	[sflag:s22] =	ssyncadd.s32 $0xFFFFC000  }
0x5b: {  	[spmem:s1] =	stream.indirect.scatter.add.f32 [tilespmem:s17], [sflag:$0x3], $0x80, s24, s20, $0xb8;
	[tilespmem:$0x1E400] =	vst v63  }
0x5c: {  	_ =	swait.ge [sflag:s18], $0x4000  }
0x5d: {  	[sflag:s18] =	ssyncset.done $0x0  }
0x5e: {  	[sflag:s18] =	ssyncadd.s32 $0xFFFFC000  }
0x5f: {  	_ =	swait.ge [sflag:s23], $0x4000  }
0x60: {  	[sflag:s23] =	ssyncset.done $0x0  }
0x61: {  	[sflag:s23] =	ssyncadd.s32 $0xFFFFC000  }
0x62: {  	[spmem:s1] =	stream.indirect.scatter.add.f32 [tilespmem:s21], [sflag:$0x3], $0x80, s25, s20, $0xb8;
	[tilespmem:$0x1E400] =	vst v63  }
0x63: {  	_ =	swait.ge [sflag:s18], $0x4000  }
0x64: {  	[sflag:s18] =	ssyncset.done $0x0  }
0x65: {  	s28 =	simm.s32 $0x0;
	[sflag:s18] =	ssyncadd.s32 $0xFFFFC000  }
0x66: {  	[tilespmem:s28], [sflag:$0x3] =	stream.linear.gather [hbm4b:s13+s28], $0x1400, $0x38;
	[tilespmem:$0x1E400] =	vst v63  }
0x67: {  	_ =	swait.ge [sflag:s18], $0x1400  }
0x68: {  	[sflag:s18] =	ssyncset.done $0x0  }
0x69: {  	[sflag:s18] =	ssyncadd.s32 $0xFFFFEC00  }
0x6a: {  	[tilespmem:s19], [sflag:$0x3] =	stream.linear.gather [hbm4b:s14+s28], $0x1400, $0x38;
	[tilespmem:$0x1E400] =	vst v63  }
0x6b: {  	_ =	swait.ge [sflag:s18], $0x1400  }
0x6c: {  	[sflag:s18] =	ssyncset.done $0x0  }
0x6d: {  	[sflag:s18] =	ssyncadd.s32 $0xFFFFEC00  }
0x6e: {  	[tilespmem:s17], [sflag:$0x1] =	stream.indirect.gather [hbm4b:s4+s20], $0x80, s28, s20, $0xb8;
	[tilespmem:$0x1E400] =	vst v63  }
0x6f: {  	_ = 	snop  }
0x70: {  	[tilespmem:s21], [sflag:$0x2] =	stream.indirect.gather [hbm4b:s4+s20], $0x80, s20, s20, $0xb8;
	[tilespmem:$0x1E400] =	vst v63  }
0x71: {  	_ =	swait.ge [sflag:s22], $0x4000  }
0x72: {  	[sflag:s22] =	ssyncset.done $0x0  }
0x73: {  	s28 =	simm.s32 $0x1400;
	[sflag:s22] =	ssyncadd.s32 $0xFFFFC000  }
0x74: {  	[spmem:s1] =	stream.indirect.scatter.add.f32 [tilespmem:s17], [sflag:$0x3], $0x80, s28, s20, $0xb8;
	[tilespmem:$0x1E400] =	vst v63  }
0x75: {  	_ =	swait.ge [sflag:s18], $0x4000  }
0x76: {  	[sflag:s18] =	ssyncset.done $0x0  }
0x77: {  	s28 =	simm.s32 $0x100;
	[sflag:s18] =	ssyncadd.s32 $0xFFFFC000  }
0x78: {  	[tilespmem:s17], [sflag:$0x1] =	stream.indirect.gather [hbm4b:s4+s20], $0x80, s28, s20, $0xb8;
	[tilespmem:$0x1E400] =	vst v63  }
0x79: {  	_ =	swait.ge [sflag:s23], $0x4000  }
0x7a: {  	[sflag:s23] =	ssyncset.done $0x0  }
0x7b: {  	s28 =	simm.s32 $0x1480;
	[sflag:s23] =	ssyncadd.s32 $0xFFFFC000  }
0x7c: {  	[spmem:s1] =	stream.indirect.scatter.add.f32 [tilespmem:s21], [sflag:$0x3], $0x80, s28, s20, $0xb8;
	[tilespmem:$0x1E400] =	vst v63  }
0x7d: {  	_ =	swait.ge [sflag:s18], $0x4000  }
0x7e: {  	[sflag:s18] =	ssyncset.done $0x0  }
0x7f: {  	s29 =	simm.s32 $0x180;
	s28 =	simm.s32 $0x400;
	[sflag:s18] =	ssyncadd.s32 $0xFFFFC000  }
.LBB2_4:
0x80: {  	[tilespmem:s21], [sflag:$0x2] =	stream.indirect.gather [hbm4b:s4+s20], $0x80, s29, s20, $0xb8;
	[tilespmem:$0x1E400] =	vst v63  }
0x81: {  	s29 =	smov.u32 s28  }
0x82: {  	p0 =	sne.s32 s28, $0x4800;
	s28 =	sadd.s32 $0x400, s28;
	_ =	swait.ge [sflag:s22], $0x4000  }
0x83: {  	s29 =	sshra.s32 s29, $0x2;
	[sflag:s22] =	ssyncset.done $0x0  }
0x84: {  	s30 =	sadd.s32 $0x1400, s29;
	[sflag:s22] =	ssyncadd.s32 $0xFFFFC000  }
0x85: {  	[spmem:s1] =	stream.indirect.scatter.add.f32 [tilespmem:s17], [sflag:$0x3], $0x80, s30, s20, $0xb8;
	[tilespmem:$0x1E400] =	vst v63  }
0x86: {  	_ =	swait.ge [sflag:s18], $0x4000  }
0x87: {  	[sflag:s18] =	ssyncset.done $0x0  }
0x88: {  	s30 =	sadd.s32 $0x100, s29;
	[sflag:s18] =	ssyncadd.s32 $0xFFFFC000  }
0x89: {  	[tilespmem:s17], [sflag:$0x1] =	stream.indirect.gather [hbm4b:s4+s20], $0x80, s30, s20, $0xb8;
	[tilespmem:$0x1E400] =	vst v63  }
0x8a: {  	_ =	swait.ge [sflag:s23], $0x4000  }
0x8b: {  	[sflag:s23] =	ssyncset.done $0x0  }
.Ltmp1:
0x8c: {  	s30 =	sadd.s32 $0x1480, s29;
	[sflag:s23] =	ssyncadd.s32 $0xFFFFC000;
	(pc) =	sbr.rel @p0 .LBB2_4-.Ltmp1, $4  }
0x8d: {  	[spmem:s1] =	stream.indirect.scatter.add.f32 [tilespmem:s21], [sflag:$0x3], $0x80, s30, s20, $0xb8;
	[tilespmem:$0x1E400] =	vst v63  }
0x8e: {  	_ =	swait.ge [sflag:s18], $0x4000  }
0x8f: {  	[sflag:s18] =	ssyncset.done $0x0  }
0x90: {  	s29 =	sadd.s32 $0x180, s29;
	[sflag:s18] =	ssyncadd.s32 $0xFFFFC000  }
0x91: {  	[tilespmem:s21], [sflag:$0x2] =	stream.indirect.gather [hbm4b:s4+s20], $0x80, s29, s20, $0xb8;
	[tilespmem:$0x1E400] =	vst v63  }
0x92: {  	_ =	swait.ge [sflag:s22], $0x4000  }
0x93: {  	[sflag:s22] =	ssyncset.done $0x0  }
0x94: {  	[sflag:s22] =	ssyncadd.s32 $0xFFFFC000  }
0x95: {  	[spmem:s1] =	stream.indirect.scatter.add.f32 [tilespmem:s17], [sflag:$0x3], $0x80, s24, s20, $0xb8;
	[tilespmem:$0x1E400] =	vst v63  }
0x96: {  	_ =	swait.ge [sflag:s18], $0x4000  }
0x97: {  	[sflag:s18] =	ssyncset.done $0x0  }
0x98: {  	[sflag:s18] =	ssyncadd.s32 $0xFFFFC000  }
0x99: {  	_ =	swait.ge [sflag:s23], $0x4000  }
0x9a: {  	[sflag:s23] =	ssyncset.done $0x0  }
0x9b: {  	[sflag:s23] =	ssyncadd.s32 $0xFFFFC000  }
0x9c: {  	[spmem:s1] =	stream.indirect.scatter.add.f32 [tilespmem:s21], [sflag:$0x3], $0x80, s25, s20, $0xb8;
	[tilespmem:$0x1E400] =	vst v63  }
0x9d: {  	_ =	swait.ge [sflag:s18], $0x4000  }
0x9e: {  	s28 =	sshll.u32 s2, $0x6;
	s26 =	sadd.s32 $0x1, s26;
	[sflag:s18] =	ssyncset.done $0x0  }
0x9f: {  	s31 =	sshrl.u32 s5, $0x3;
	p0 =	sne.s32 s26, s16;
	[sflag:s18] =	ssyncadd.s32 $0xFFFFC000  }
.Ltmp2:
0xa0: {  	s28 =	sor.u32 $0x1C03, s28;
	[bflag:$0x0] =	sbarrier.arrive $0xFFFF;
	(pc) =	sbr.rel @p0 .LBB2_1-.Ltmp2, $4  }
0xa1: {  	[hbm:s15], [sflag:s28] =	dma.local [spmem:s31], $0x2780  }
0xa2: {  	_ =	swait.ge [sflag:s18], $0x2780  }
0xa3: {  	[sflag:s18] =	ssyncset.done $0x0  }
0xa4: {  	[sflag:s18] =	ssyncadd.s32 $0xFFFFD880  }
0xa5: {  	_ =	sfence.sel $0x180000  }
0xa6: {  	[bflag:$0x0] =	sbarrier.arrive $0xFFFF  }
0xa7: {  	p0 =	sne.s32 s2, $0x0;
	_ =	strace $0x9000004A  }
0xa8: {  	s0 =	sadd.s32 @!p0 $0x100000, s0;
	[bflag:$0x2] =	sbarrier.arrive $0xFFFF  }
0xa9: {  	[sflag:s0] =	ssyncadd.tile.s32 @!p0 $0x1;
	_ =	shalt  }
.Lfunc_end2:
_tile_overlayer_lowered:
.L_overlay_start_2:
0xaa: {  	(tag) =	ssettag $0x2  }
0xab: {  	s0 =	rddreg [dreg:$0x0];
	s2 =	stileid.u32  }
0xac: {  	s1 =	rddreg [dreg:$0x1];
	p0 =	sne.s32 s2, $0x0  }
0xad: {  	s3 =	rddreg [dreg:$0x2];
	[bflag:$0x3] =	sbarrier.arrive $0xFFFF;
	s2 =	simm.s32 @!p0 $0x1C03  }
0xae: {  	[timem:s3], [sflag:s2] =	dma.local @!p0 [hbm:s0], s1  }
0xaf: {  	s0 =	simm.s32 @!p0 $0x3  }
0xb0: {  	_ =	swait.ge @!p0 [sflag:s0], s1  }
0xb1: {  	s1 =	ssub.s32 @!p0 $0x0, s1;
	[sflag:s0] =	ssyncset.done @!p0 $0x0  }
0xb2: {  	[sflag:s0] =	ssyncadd.s32 @!p0 s1  }
0xb3: {  	[bflag:$0x3] =	sbarrier.arrive $0xFFFF  }
0xb4: {  	_ =	shalt  }

// kernel: kernel.15.cloned.1.call-start
scs
__scs_entry_jumppad:
0x0: {  	(pc) =	sbr.rel $0x88, $3  }
0x1: {  	(tag) =	ssettag $0x0;
	lr =	simm.s32 $0x1  }
0x2: {  	[smem:$0x3F9F] =	sst lr;
	_ =	strace $0xD0000000  }
0x3: {  	_ = 	snop  }
0x4: {  	_ = 	snop  }
0x5: {  	_ = 	snop  }
0x6: {  	_ = 	snop  }
0x7: {  	_ = 	snop  }
__scs_overlays_trampoline_lowered:
0x8: {  	[smem:$0x3FAE] =	sst s0  }
0x9: {  	[smem:$0x3FAF] =	sst s1  }
0xa: {  	[smem:$0x3FB0] =	sst s2  }
0xb: {  	[smem:$0x3FB1] =	sst s3  }
0xc: {  	[smem:$0x3FB2] =	sst s4  }
0xd: {  	[smem:$0x3FB3] =	sst s5  }
0xe: {  	[smem:$0x3FB4] =	sst s6  }
0xf: {  	[smem:$0x3FB5] =	sst s7  }
0x10: {  	[smem:$0x3FB6] =	sst s8  }
0x11: {  	[smem:$0x3FB7] =	sst s9;
	s0 =	simm.s32 @!p0 $0x0  }
0x12: {  	s1 =	sld [smem:$0x3F9D];
	s0 =	simm.s32 @p0 $0x1  }
0x13: {  	[smem:$0x3FB8] =	sst s0;
	s0 =	simm.s32 @!p1 $0x0  }
0x14: {  	s2 =	sld [smem:$0x3F9C];
	s0 =	simm.s32 @p1 $0x1  }
0x15: {  	[smem:$0x3FB9] =	sst s0;
	s0 =	simm.s32 @!p2 $0x0  }
0x16: {  	s3 =	sld [smem:$0x3FDB];
	s0 =	simm.s32 @p2 $0x1  }
0x17: {  	s4 =	simm.s32 $0x1BF5;
	[smem:$0x3FBB] =	sst s0  }
0x18: {  	s0 =	sld [smem:$0x3F9E];
	_ =	swait.ge [sflag:s4], $0x0  }
0x19: {  	s7 =	sld [smem:$0x3F9F]  }
0x1a: {  	s8 =	sadd.s32 $0xFFFFE003, lr  }
0x1b: {  	s9 =	sadd.s32 $0xFFFFFEF7, lr;
	s5 =	simm.s32 $0xFFFFFFFF;
	p2 =	slt.u32 s8, $0xFFFFF086  }
0x1c: {  	p1 =	slt.u32 s9, $0xF7A;
	s5 =	simm.s32 @!p2 $0x0  }
0x1d: {  	s5 =	simm.s32 @p1 $0x1;
	p0 =	seq.s32 s7, s2  }
0x1e: {  	s7 =	smul.u32 @!p0 $0xF7A, s2;
	p2 =	seq.s32 @!p0 s5, $0x0  }
0x1f: {  	s9 =	smul.u32 $0xF7A, s1;
	s8 =	simm.s32 @!p0 $0x1BF5;
	p2 =	por !p2, p0  }
0x20: {  	[sflag:s8] =	ssyncset.s32 @!p0 $0xFFFFF086;
	s6 =	sadd.s32 @!p0 s3, s7;
	s7 =	simm.s32 @!p0 $0x108  }
0x21: {  	s3 =	sadd.s32 s3, s9;
	s6 =	sadd.s32 @!p0 $0x88, s6;
	s7 =	simm.s32 @p2 $0x1082  }
0x22: {  	[simem:s7], [sflag:s8] =	dma.local @!p0 [hbm:s6], $0xF7A  }
0x23: {  	s9 =	sor.u32 $0xD0000000, s2;
	s6 =	simm.s32 $0x108;
	_ =	swait.ge @!p0 [sflag:s8], $0x0  }
0x24: {  	s3 =	sadd.s32 $0x88, s3;
	s6 =	simm.s32 @!p1 $0x1082;
	[sflag:s4] =	ssyncset.s32 $0xFFFFF086  }
0x25: {  	[simem:s6], [sflag:s4] =	dma.local [hbm:s3], $0xF7A  }
0x26: {  	[smem:$0x3F9F] =	sst s1;
	(tag) =	ssettag s2;
	_ =	strace s9  }
0x27: {  	s1 =	sld [smem:$0x3FAF]  }
0x28: {  	s2 =	sld [smem:$0x3FB0]  }
0x29: {  	s4 =	sld [smem:$0x3FB2]  }
0x2a: {  	p0 =	seq.s32 s5, $0x0;
	s5 =	sld [smem:$0x3FB3]  }
0x2b: {  	s6 =	sld [smem:$0x3FB4]  }
0x2c: {  	s7 =	sld [smem:$0x3FB5]  }
0x2d: {  	s3 =	simm.s32 $0x108;
	s8 =	sld [smem:$0x3FB6]  }
0x2e: {  	s3 =	simm.s32 @!p0 $0x1082;
	s9 =	sld [smem:$0x3FB7]  }
0x2f: {  	lr =	sadd.s32 s0, s3;
	s0 =	sld [smem:$0x3FAE]  }
0x30: {  	s3 =	sld [smem:$0x3FB1]  }
0x31: {  	[smem:$0x3FBA] =	sst s10  }
0x32: {  	s10 =	sld [smem:$0x3FB8];
	_ =	sdelay $0x3  }
0x33: {  	p0 =	seq.s32 s10, $0x1;
	s10 =	sld [smem:$0x3FBA];
	_ =	sdelay $0x3  }
0x34: {  	[smem:$0x3FBA] =	sst s10  }
0x35: {  	s10 =	sld [smem:$0x3FB9];
	_ =	sdelay $0x3  }
0x36: {  	p1 =	seq.s32 s10, $0x1;
	s10 =	sld [smem:$0x3FBA];
	_ =	sdelay $0x3  }
0x37: {  	[smem:$0x3FBA] =	sst s10  }
0x38: {  	s10 =	sld [smem:$0x3FBB]  }
0x39: {  	_ = 	snop;
	(pc) =	sbr.ind lr, $3  }
0x3a: {  	_ = 	snop  }
0x3b: {  	_ = 	snop  }
0x3c: {  	p2 =	seq.s32 s10, $0x1;
	s10 =	sld [smem:$0x3FBA]  }
0x3d: {  	_ =	shalt  }
0x3e: {  	_ =	shalt  }
0x3f: {  	_ =	shalt  }
0x40: {  	_ =	shalt  }
0x41: {  	_ =	shalt  }
0x42: {  	_ =	shalt  }
0x43: {  	_ =	shalt  }
0x44: {  	_ =	shalt  }
0x45: {  	_ =	shalt  }
0x46: {  	_ =	shalt  }
0x47: {  	_ =	shalt  }
0x48: {  	_ =	shalt  }
0x49: {  	_ =	shalt  }
0x4a: {  	_ =	shalt  }
0x4b: {  	_ =	shalt  }
0x4c: {  	_ =	shalt  }
0x4d: {  	_ =	shalt  }
0x4e: {  	_ =	shalt  }
0x4f: {  	_ =	shalt  }
0x50: {  	_ =	shalt  }
0x51: {  	_ =	shalt  }
0x52: {  	_ =	shalt  }
0x53: {  	_ =	shalt  }
0x54: {  	_ =	shalt  }
0x55: {  	_ =	shalt  }
0x56: {  	_ =	shalt  }
0x57: {  	_ =	shalt  }
0x58: {  	_ =	shalt  }
0x59: {  	_ =	shalt  }
0x5a: {  	_ =	shalt  }
0x5b: {  	_ =	shalt  }
0x5c: {  	_ =	shalt  }
0x5d: {  	_ =	shalt  }
0x5e: {  	_ =	shalt  }
0x5f: {  	_ =	shalt  }
0x60: {  	_ =	shalt  }
0x61: {  	_ =	shalt  }
0x62: {  	_ =	shalt  }
0x63: {  	_ =	shalt  }
0x64: {  	_ =	shalt  }
0x65: {  	_ =	shalt  }
0x66: {  	_ =	shalt  }
0x67: {  	_ =	shalt  }
0x68: {  	_ =	shalt  }
0x69: {  	_ =	shalt  }
0x6a: {  	_ =	shalt  }
0x6b: {  	_ =	shalt  }
0x6c: {  	_ =	shalt  }
0x6d: {  	_ =	shalt  }
0x6e: {  	_ =	shalt  }
0x6f: {  	_ =	shalt  }
0x70: {  	_ =	shalt  }
0x71: {  	_ =	shalt  }
0x72: {  	_ =	shalt  }
0x73: {  	_ =	shalt  }
0x74: {  	_ =	shalt  }
0x75: {  	_ =	shalt  }
0x76: {  	_ =	shalt  }
0x77: {  	_ =	shalt  }
0x78: {  	_ =	shalt  }
0x79: {  	_ =	shalt  }
0x7a: {  	_ =	shalt  }
0x7b: {  	_ =	shalt  }
0x7c: {  	_ =	shalt  }
0x7d: {  	_ =	shalt  }
0x7e: {  	_ =	shalt  }
0x7f: {  	_ =	shalt  }
0x80: {  	_ =	shalt  }
0x81: {  	_ =	shalt  }
0x82: {  	_ =	shalt  }
0x83: {  	_ =	shalt  }
0x84: {  	_ =	shalt  }
0x85: {  	_ =	shalt  }
0x86: {  	_ =	shalt  }
0x87: {  	_ =	shalt  }
.Lfunc_end0:
.L_simem_size_0:
called_computation.2_lowered:
.L_overlay_start_0:
0x88: {  	s2 =	sld [smem:$0x3FD9]  }
0x89: {  	s3 =	sld [smem:$0x3FFE];
	_ =	sdelay $0x1  }
0x8a: {  	s1 =	srdreg.scid  }
0x8b: {  	s0 =	sand.u32 $0x1, s1  }
0x8c: {  	s16 =	sshll.u32 s0, $0xA;
	s2 =	sadd.s32 s3, s2  }
0x8d: {  	s2 =	sadd.s32 s2, s16  }
0x8e: {  	[smem:$0x3FC6] =	sst s2  }
0x8f: {  	_ = 	snop  }
0x90: {  	(tm) =	ssettm $0x1  }
0x91: {  	s17 =	sld [smem:$0x3FFB];
	_ =	sdelay $0x3  }
0x92: {  	_ =	strace s17  }
0x93: {  	s2 =	sld [smem:$0x3FFC];
	_ =	sdelay $0x3  }
0x94: {  	_ =	strace s2  }
0x95: {  	s2 =	sld [smem:$0x3FFD];
	_ =	sdelay $0x3  }
0x96: {  	_ =	strace s2  }
0x97: {  	_ =	strace $0x8FFFFFFF  }
0x98: {  	s18 =	sld [smem:$0x3FDB];
	_ =	sdelay $0x1  }
0x99: {  	s19 =	simm.s32 $_scs_section_size  }
0x9a: {  	s4 =	simm.s32 $_size__tile_overlayer_lowered;
	s5 =	simm.s32 $_tile_overlayer_lowered  }
0x9b: {  	s22 =	simm.s32 $0x1BFF;
	s21 =	sshll.u32 s5, $0x1;
	s2 =	sadd.s32 s19, s18  }
0x9c: {  	s6 =	simm.s32 $0x0;
	s20 =	sshll.u32 s4, $0x1;
	s4 =	sadd.s32 s21, s2  }
0x9d: {  	[timem:s6], [sflag:s22] =	dma.local [hbm:s4], s20  }
0x9e: {  	_ =	swait.ge [sflag:s22], s20  }
0x9f: {  	s3 =	ssub.s32 $0x0, s20;
	[sflag:s22] =	ssyncset.done $0x0  }
0xa0: {  	[sflag:s22] =	ssyncadd.s32 s3;
	_ =	sdelay $0x1  }
0xa1: {  	s23 =	simm.s32 $0x1B8B  }
0xa2: {  	_ =	swait.ge [sflag:s23], $0x1  }
0xa3: {  	[sflag:s23] =	ssyncset.done $0x0  }
0xa4: {  	s25 =	simm.s32 $0x1B8E;
	s24 =	sld [smem:$0x3FFE];
	[sflag:s23] =	ssyncadd.s32 $0xFFFFFFFF  }
0xa5: {  	s26 =	simm.s32 $execute0_lowered;
	[smem:$0x3FD2] =	sst s25  }
0xa6: {  	s4 =	sshll.u32 s26, $0x1;
	_ =	strace $0x8000004C;
	[dreg:$0x1] =	wrdreg $0xFFFFFFFF  }
0xa7: {  	s28 =	simm.s32 $_size_execute0_lowered;
	s2 =	sadd.s32 s2, s4;
	[dreg:$0x0] =	wrdreg $0x0  }
0xa8: {  	s4 =	sshll.u32 s28, $0x1;
	[dreg:$0x2] =	wrdreg s2  }
0xa9: {  	[dreg:$0x3] =	wrdreg s4  }
0xaa: {  	[dreg:$0x4] =	wrdreg $0xC0  }
0xab: {  	_ =	task [dreg:s6], $0x5FFFF  }
0xac: {  	[dreg:$0x1] =	wrdreg $0xFFFFFFFF  }
0xad: {  	[dreg:$0x0] =	wrdreg $0x60  }
0xae: {  	[dreg:$0x2] =	wrdreg s24  }
0xaf: {  	[dreg:$0x3] =	wrdreg $0xA8000  }
0xb0: {  	[dreg:$0x4] =	wrdreg $0x9  }
0xb1: {  	_ =	task.clear_ibuf [dreg:s6], $0x5FFFF;
	_ =	strace $0x9000004C  }
0xb2: {  	s29 =	simm.s32 $0x9;
	_ =	strace $0x8000004E  }
0xb3: {  	_ =	swait.ge [sflag:s29], $0x1  }
0xb4: {  	[sflag:s29] =	ssyncadd.s32 $0xFFFFFFFF  }
0xb5: {  	_ =	strace $0x9000004E  }
0xb6: {  	_ =	sfence  }
0xb7: {  	s30 =	sld [smem:$0x0];
	_ =	sdelay $0x2  }
0xb8: {  	s31 =	sshll.u32 s1, $0xD;
	s1 =	sshrl.u32 s1, $0x2  }
0xb9: {  	s3 =	sand.u32 $0x4000, s31;
	s1 =	sadd.s32 s1, s30  }
0xba: {  	s0 =	sor.u32 s3, s0;
	s1 =	sshll.u32 s1, $0x11  }
0xbb: {  	s0 =	sor.u32 s1, s0  }
0xbc: {  	s0 =	sadd.s32 $0x8F2B, s0  }
0xbd: {  	[sflag:s0] =	ssyncadd.remote.s32 $0x1  }
0xbe: {  	_ =	sfence.sel $0xFFFF  }
0xbf: {  	[dreg:$0x0] =	wrdreg $0xFFFFFFFF;
	(pc) =	sbr.abs _section_cstart, $3  }
0xc0: {  	[dreg:$0x1] =	wrdreg $0xFFFFFFFF  }
0xc1: {  	_ =	task.clear_ibuf [dreg:s6], $0x2FFFF;
	_ =	strace $0x9FFFFFFF  }
0xc2: {  	(tm) =	ssettm $0x7FFFFFFF  }
0xc3: {  	_ =	shalt  }
tec
execute0_lowered:
.L_overlay_start_1:
0x0: {  	(tag) =	ssettag $0x1  }
0x1: {  	s5 =	rddreg [dreg:$0x0]  }
0x2: {  	s1 =	rddreg [dreg:$0x1]  }
0x3: {  	s0 =	rddreg [dreg:$0x2];
	s3 =	simm.s32 $0x0;
	s4 =	srdreg.scid  }
0x4: {  	s2 =	stileid.u32;
	s18 =	simm.s32 $0x3;
	s19 =	simm.s32 $0x1400  }
0x5: {  	s20 =	simm.s32 $0x80;
	s21 =	simm.s32 $0x6800;
	s22 =	simm.s32 $0x1  }
0x6: {  	s23 =	simm.s32 $0x2;
	s24 =	simm.s32 $0x2700;
	s25 =	simm.s32 $0x2780  }
0x7: {  	s26 =	simm.s32 $0x0;
	[smem:$0x7FF] =	sst s3;
	s6 =	sand.u32 $0x1, s4  }
0x8: {  	s7 =	sshll.u32 s2, $0x1;
	s8 =	smul.u32 $0x2780, s2;
	s4 =	sadd.s32 $0x3400, s5  }
0x9: {  	s13 =	sadd.s32 $0x2A600, s5;
	s11 =	smul.u32 $0x4F000, s2;
	s14 =	sadd.s32 $0x34600, s5  }
0xa: {  	_ =	strace $0x8000004D;
	s7 =	sor.u32 s6, s7;
	s9 =	smul.u32 $0x27800, s6  }
0xb: {  	s6 =	ssub.s32 $0x2, s6;
	s10 =	sshll.u32 s7, $0xB;
	s29 =	sshrl.u32 s11, $0x2  }
0xc: {  	s30 =	sshrl.u32 s6, $0x1;
	s31 =	smul.u32 $0x2800, s7;
	s8 =	sadd.s32 s8, s9  }
0xd: {  	s10 =	sadd.s32 s10, s5;
	s16 =	ssub.s32 s6, s30;
	s15 =	sadd.s32 s8, s5  }
0xe: {  	s5 =	sadd.s32 s29, s1;
	s6 =	sadd.s32 $0x3E600, s10;
	s12 =	sshrl.u32 s31, $0x3  }
0xf: {  	s16 =	smax.u32 s16, $0x1;
	s7 =	sadd.s32 $0x4000, s5;
	s8 =	sadd.s32 $0x8000, s5  }
0x10: {  	s9 =	sadd.s32 $0xC000, s5;
	s10 =	sadd.s32 $0x10000, s5;
	s11 =	sadd.s32 s13, s12  }
0x11: {  	s17 =	sadd.s32 $0x280, s12;
	s12 =	sadd.s32 s14, s12;
	s15 =	sadd.s32 $0x4E600, s15  }
0x12: {  	s13 =	sadd.s32 s13, s17;
	s14 =	sadd.s32 s14, s17;
	s17 =	simm.s32 $0x2800  }
.LBB2_1:
0x13: {  	[tilespmem:s17], [sflag:$0x3] =	stream.linear.gather [hbm4b:s6+s3], $0x4000, $0x38;
	[tilespmem:$0x1E400] =	vst v63  }
0x14: {  	_ =	swait.ge [sflag:s18], $0x4000  }
0x15: {  	[sflag:s18] =	ssyncset.done $0x0  }
0x16: {  	[sflag:s18] =	ssyncadd.s32 $0xFFFFC000  }
0x17: {  	[spmem:s5] =	stream.linear.scatter [tilespmem:s17], [sflag:$0x3], $0x4000, $0x38;
	[tilespmem:$0x1E400] =	vst v63  }
0x18: {  	_ =	swait.ge [sflag:s18], $0x4000  }
0x19: {  	[sflag:s18] =	ssyncset.done $0x0  }
0x1a: {  	[sflag:s18] =	ssyncadd.s32 $0xFFFFC000  }
0x1b: {  	[spmem:s7] =	stream.linear.scatter [tilespmem:s17], [sflag:$0x3], $0x4000, $0x38;
	[tilespmem:$0x1E400] =	vst v63  }
0x1c: {  	_ =	swait.ge [sflag:s18], $0x4000  }
0x1d: {  	[sflag:s18] =	ssyncset.done $0x0  }
0x1e: {  	[sflag:s18] =	ssyncadd.s32 $0xFFFFC000  }
0x1f: {  	[spmem:s8] =	stream.linear.scatter [tilespmem:s17], [sflag:$0x3], $0x4000, $0x38;
	[tilespmem:$0x1E400] =	vst v63  }
0x20: {  	_ =	swait.ge [sflag:s18], $0x4000  }
0x21: {  	[sflag:s18] =	ssyncset.done $0x0  }
0x22: {  	[sflag:s18] =	ssyncadd.s32 $0xFFFFC000  }
0x23: {  	[spmem:s9] =	stream.linear.scatter [tilespmem:s17], [sflag:$0x3], $0x4000, $0x38;
	[tilespmem:$0x1E400] =	vst v63  }
0x24: {  	_ =	swait.ge [sflag:s18], $0x4000  }
0x25: {  	[sflag:s18] =	ssyncset.done $0x0  }
0x26: {  	[sflag:s18] =	ssyncadd.s32 $0xFFFFC000  }
0x27: {  	[spmem:s10] =	stream.linear.scatter [tilespmem:s17], [sflag:$0x3], $0x3C00, $0x38;
	[tilespmem:$0x1E400] =	vst v63  }
0x28: {  	_ =	swait.ge [sflag:s18], $0x3C00  }
0x29: {  	[sflag:s18] =	ssyncset.done $0x0  }
0x2a: {  	[sflag:s18] =	ssyncadd.s32 $0xFFFFC400  }
0x2b: {  	[bflag:$0x0] =	sbarrier.arrive $0xFFFF  }
0x2c: {  	[tilespmem:s3], [sflag:$0x3] =	stream.linear.gather [hbm4b:s11+s3], $0x1400, $0x38;
	[tilespmem:$0x1E400] =	vst v63  }
0x2d: {  	_ =	swait.ge [sflag:s18], $0x1400  }
0x2e: {  	[sflag:s18] =	ssyncset.done $0x0  }
0x2f: {  	[sflag:s18] =	ssyncadd.s32 $0xFFFFEC00  }
0x30: {  	[tilespmem:s19], [sflag:$0x3] =	stream.linear.gather [hbm4b:s12+s3], $0x1400, $0x38;
	[tilespmem:$0x1E400] =	vst v63  }
0x31: {  	_ =	swait.ge [sflag:s18], $0x1400  }
0x32: {  	[sflag:s18] =	ssyncset.done $0x0  }
0x33: {  	[sflag:s18] =	ssyncadd.s32 $0xFFFFEC00  }
0x34: {  	[tilespmem:s17], [sflag:$0x1] =	stream.indirect.gather [hbm4b:s4+s20], $0x80, s3, s20, $0xb8;
	[tilespmem:$0x1E400] =	vst v63  }
0x35: {  	_ = 	snop  }
0x36: {  	[tilespmem:s21], [sflag:$0x2] =	stream.indirect.gather [hbm4b:s4+s20], $0x80, s20, s20, $0xb8;
	[tilespmem:$0x1E400] =	vst v63  }
0x37: {  	_ =	swait.ge [sflag:s22], $0x4000  }
0x38: {  	[sflag:s22] =	ssyncset.done $0x0  }
0x39: {  	s28 =	simm.s32 $0x1400;
	[sflag:s22] =	ssyncadd.s32 $0xFFFFC000  }
0x3a: {  	[spmem:s1] =	stream.indirect.scatter.add.f32 [tilespmem:s17], [sflag:$0x3], $0x80, s28, s20, $0xb8;
	[tilespmem:$0x1E400] =	vst v63  }
0x3b: {  	_ =	swait.ge [sflag:s18], $0x4000  }
0x3c: {  	[sflag:s18] =	ssyncset.done $0x0  }
0x3d: {  	s28 =	simm.s32 $0x100;
	[sflag:s18] =	ssyncadd.s32 $0xFFFFC000  }
0x3e: {  	[tilespmem:s17], [sflag:$0x1] =	stream.indirect.gather [hbm4b:s4+s20], $0x80, s28, s20, $0xb8;
	[tilespmem:$0x1E400] =	vst v63  }
0x3f: {  	_ =	swait.ge [sflag:s23], $0x4000  }
0x40: {  	[sflag:s23] =	ssyncset.done $0x0  }
0x41: {  	s28 =	simm.s32 $0x1480;
	[sflag:s23] =	ssyncadd.s32 $0xFFFFC000  }
0x42: {  	[spmem:s1] =	stream.indirect.scatter.add.f32 [tilespmem:s21], [sflag:$0x3], $0x80, s28, s20, $0xb8;
	[tilespmem:$0x1E400] =	vst v63  }
0x43: {  	_ =	swait.ge [sflag:s18], $0x4000  }
0x44: {  	[sflag:s18] =	ssyncset.done $0x0  }
0x45: {  	s29 =	simm.s32 $0x180;
	s28 =	simm.s32 $0x400;
	[sflag:s18] =	ssyncadd.s32 $0xFFFFC000  }
.LBB2_2:
0x46: {  	[tilespmem:s21], [sflag:$0x2] =	stream.indirect.gather [hbm4b:s4+s20], $0x80, s29, s20, $0xb8;
	[tilespmem:$0x1E400] =	vst v63  }
0x47: {  	s29 =	smov.u32 s28  }
0x48: {  	p0 =	sne.s32 s28, $0x4800;
	s28 =	sadd.s32 $0x400, s28;
	_ =	swait.ge [sflag:s22], $0x4000  }
0x49: {  	s29 =	sshra.s32 s29, $0x2;
	[sflag:s22] =	ssyncset.done $0x0  }
0x4a: {  	s30 =	sadd.s32 $0x1400, s29;
	[sflag:s22] =	ssyncadd.s32 $0xFFFFC000  }
0x4b: {  	[spmem:s1] =	stream.indirect.scatter.add.f32 [tilespmem:s17], [sflag:$0x3], $0x80, s30, s20, $0xb8;
	[tilespmem:$0x1E400] =	vst v63  }
0x4c: {  	_ =	swait.ge [sflag:s18], $0x4000  }
0x4d: {  	[sflag:s18] =	ssyncset.done $0x0  }
0x4e: {  	s30 =	sadd.s32 $0x100, s29;
	[sflag:s18] =	ssyncadd.s32 $0xFFFFC000  }
0x4f: {  	[tilespmem:s17], [sflag:$0x1] =	stream.indirect.gather [hbm4b:s4+s20], $0x80, s30, s20, $0xb8;
	[tilespmem:$0x1E400] =	vst v63  }
0x50: {  	_ =	swait.ge [sflag:s23], $0x4000  }
0x51: {  	[sflag:s23] =	ssyncset.done $0x0  }
.Ltmp0:
0x52: {  	s30 =	sadd.s32 $0x1480, s29;
	[sflag:s23] =	ssyncadd.s32 $0xFFFFC000;
	(pc) =	sbr.rel @p0 .LBB2_2-.Ltmp0, $4  }
0x53: {  	[spmem:s1] =	stream.indirect.scatter.add.f32 [tilespmem:s21], [sflag:$0x3], $0x80, s30, s20, $0xb8;
	[tilespmem:$0x1E400] =	vst v63  }
0x54: {  	_ =	swait.ge [sflag:s18], $0x4000  }
0x55: {  	[sflag:s18] =	ssyncset.done $0x0  }
0x56: {  	s29 =	sadd.s32 $0x180, s29;
	[sflag:s18] =	ssyncadd.s32 $0xFFFFC000  }
0x57: {  	[tilespmem:s21], [sflag:$0x2] =	stream.indirect.gather [hbm4b:s4+s20], $0x80, s29, s20, $0xb8;
	[tilespmem:$0x1E400] =	vst v63  }
0x58: {  	_ =	swait.ge [sflag:s22], $0x4000  }
0x59: {  	[sflag:s22] =	ssyncset.done $0x0  }
0x5a: {  	[sflag:s22] =	ssyncadd.s32 $0xFFFFC000  }
0x5b: {  	[spmem:s1] =	stream.indirect.scatter.add.f32 [tilespmem:s17], [sflag:$0x3], $0x80, s24, s20, $0xb8;
	[tilespmem:$0x1E400] =	vst v63  }
0x5c: {  	_ =	swait.ge [sflag:s18], $0x4000  }
0x5d: {  	[sflag:s18] =	ssyncset.done $0x0  }
0x5e: {  	[sflag:s18] =	ssyncadd.s32 $0xFFFFC000  }
0x5f: {  	_ =	swait.ge [sflag:s23], $0x4000  }
0x60: {  	[sflag:s23] =	ssyncset.done $0x0  }
0x61: {  	[sflag:s23] =	ssyncadd.s32 $0xFFFFC000  }
0x62: {  	[spmem:s1] =	stream.indirect.scatter.add.f32 [tilespmem:s21], [sflag:$0x3], $0x80, s25, s20, $0xb8;
	[tilespmem:$0x1E400] =	vst v63  }
0x63: {  	_ =	swait.ge [sflag:s18], $0x4000  }
0x64: {  	[sflag:s18] =	ssyncset.done $0x0  }
0x65: {  	s28 =	simm.s32 $0x0;
	[sflag:s18] =	ssyncadd.s32 $0xFFFFC000  }
0x66: {  	[tilespmem:s28], [sflag:$0x3] =	stream.linear.gather [hbm4b:s13+s28], $0x1400, $0x38;
	[tilespmem:$0x1E400] =	vst v63  }
0x67: {  	_ =	swait.ge [sflag:s18], $0x1400  }
0x68: {  	[sflag:s18] =	ssyncset.done $0x0  }
0x69: {  	[sflag:s18] =	ssyncadd.s32 $0xFFFFEC00  }
0x6a: {  	[tilespmem:s19], [sflag:$0x3] =	stream.linear.gather [hbm4b:s14+s28], $0x1400, $0x38;
	[tilespmem:$0x1E400] =	vst v63  }
0x6b: {  	_ =	swait.ge [sflag:s18], $0x1400  }
0x6c: {  	[sflag:s18] =	ssyncset.done $0x0  }
0x6d: {  	[sflag:s18] =	ssyncadd.s32 $0xFFFFEC00  }
0x6e: {  	[tilespmem:s17], [sflag:$0x1] =	stream.indirect.gather [hbm4b:s4+s20], $0x80, s28, s20, $0xb8;
	[tilespmem:$0x1E400] =	vst v63  }
0x6f: {  	_ = 	snop  }
0x70: {  	[tilespmem:s21], [sflag:$0x2] =	stream.indirect.gather [hbm4b:s4+s20], $0x80, s20, s20, $0xb8;
	[tilespmem:$0x1E400] =	vst v63  }
0x71: {  	_ =	swait.ge [sflag:s22], $0x4000  }
0x72: {  	[sflag:s22] =	ssyncset.done $0x0  }
0x73: {  	s28 =	simm.s32 $0x1400;
	[sflag:s22] =	ssyncadd.s32 $0xFFFFC000  }
0x74: {  	[spmem:s1] =	stream.indirect.scatter.add.f32 [tilespmem:s17], [sflag:$0x3], $0x80, s28, s20, $0xb8;
	[tilespmem:$0x1E400] =	vst v63  }
0x75: {  	_ =	swait.ge [sflag:s18], $0x4000  }
0x76: {  	[sflag:s18] =	ssyncset.done $0x0  }
0x77: {  	s28 =	simm.s32 $0x100;
	[sflag:s18] =	ssyncadd.s32 $0xFFFFC000  }
0x78: {  	[tilespmem:s17], [sflag:$0x1] =	stream.indirect.gather [hbm4b:s4+s20], $0x80, s28, s20, $0xb8;
	[tilespmem:$0x1E400] =	vst v63  }
0x79: {  	_ =	swait.ge [sflag:s23], $0x4000  }
0x7a: {  	[sflag:s23] =	ssyncset.done $0x0  }
0x7b: {  	s28 =	simm.s32 $0x1480;
	[sflag:s23] =	ssyncadd.s32 $0xFFFFC000  }
0x7c: {  	[spmem:s1] =	stream.indirect.scatter.add.f32 [tilespmem:s21], [sflag:$0x3], $0x80, s28, s20, $0xb8;
	[tilespmem:$0x1E400] =	vst v63  }
0x7d: {  	_ =	swait.ge [sflag:s18], $0x4000  }
0x7e: {  	[sflag:s18] =	ssyncset.done $0x0  }
0x7f: {  	s29 =	simm.s32 $0x180;
	s28 =	simm.s32 $0x400;
	[sflag:s18] =	ssyncadd.s32 $0xFFFFC000  }
.LBB2_4:
0x80: {  	[tilespmem:s21], [sflag:$0x2] =	stream.indirect.gather [hbm4b:s4+s20], $0x80, s29, s20, $0xb8;
	[tilespmem:$0x1E400] =	vst v63  }
0x81: {  	s29 =	smov.u32 s28  }
0x82: {  	p0 =	sne.s32 s28, $0x4800;
	s28 =	sadd.s32 $0x400, s28;
	_ =	swait.ge [sflag:s22], $0x4000  }
0x83: {  	s29 =	sshra.s32 s29, $0x2;
	[sflag:s22] =	ssyncset.done $0x0  }
0x84: {  	s30 =	sadd.s32 $0x1400, s29;
	[sflag:s22] =	ssyncadd.s32 $0xFFFFC000  }
0x85: {  	[spmem:s1] =	stream.indirect.scatter.add.f32 [tilespmem:s17], [sflag:$0x3], $0x80, s30, s20, $0xb8;
	[tilespmem:$0x1E400] =	vst v63  }
0x86: {  	_ =	swait.ge [sflag:s18], $0x4000  }
0x87: {  	[sflag:s18] =	ssyncset.done $0x0  }
0x88: {  	s30 =	sadd.s32 $0x100, s29;
	[sflag:s18] =	ssyncadd.s32 $0xFFFFC000  }
0x89: {  	[tilespmem:s17], [sflag:$0x1] =	stream.indirect.gather [hbm4b:s4+s20], $0x80, s30, s20, $0xb8;
	[tilespmem:$0x1E400] =	vst v63  }
0x8a: {  	_ =	swait.ge [sflag:s23], $0x4000  }
0x8b: {  	[sflag:s23] =	ssyncset.done $0x0  }
.Ltmp1:
0x8c: {  	s30 =	sadd.s32 $0x1480, s29;
	[sflag:s23] =	ssyncadd.s32 $0xFFFFC000;
	(pc) =	sbr.rel @p0 .LBB2_4-.Ltmp1, $4  }
0x8d: {  	[spmem:s1] =	stream.indirect.scatter.add.f32 [tilespmem:s21], [sflag:$0x3], $0x80, s30, s20, $0xb8;
	[tilespmem:$0x1E400] =	vst v63  }
0x8e: {  	_ =	swait.ge [sflag:s18], $0x4000  }
0x8f: {  	[sflag:s18] =	ssyncset.done $0x0  }
0x90: {  	s29 =	sadd.s32 $0x180, s29;
	[sflag:s18] =	ssyncadd.s32 $0xFFFFC000  }
0x91: {  	[tilespmem:s21], [sflag:$0x2] =	stream.indirect.gather [hbm4b:s4+s20], $0x80, s29, s20, $0xb8;
	[tilespmem:$0x1E400] =	vst v63  }
0x92: {  	_ =	swait.ge [sflag:s22], $0x4000  }
0x93: {  	[sflag:s22] =	ssyncset.done $0x0  }
0x94: {  	[sflag:s22] =	ssyncadd.s32 $0xFFFFC000  }
0x95: {  	[spmem:s1] =	stream.indirect.scatter.add.f32 [tilespmem:s17], [sflag:$0x3], $0x80, s24, s20, $0xb8;
	[tilespmem:$0x1E400] =	vst v63  }
0x96: {  	_ =	swait.ge [sflag:s18], $0x4000  }
0x97: {  	[sflag:s18] =	ssyncset.done $0x0  }
0x98: {  	[sflag:s18] =	ssyncadd.s32 $0xFFFFC000  }
0x99: {  	_ =	swait.ge [sflag:s23], $0x4000  }
0x9a: {  	[sflag:s23] =	ssyncset.done $0x0  }
0x9b: {  	[sflag:s23] =	ssyncadd.s32 $0xFFFFC000  }
0x9c: {  	[spmem:s1] =	stream.indirect.scatter.add.f32 [tilespmem:s21], [sflag:$0x3], $0x80, s25, s20, $0xb8;
	[tilespmem:$0x1E400] =	vst v63  }
0x9d: {  	_ =	swait.ge [sflag:s18], $0x4000  }
0x9e: {  	s28 =	sshll.u32 s2, $0x6;
	s26 =	sadd.s32 $0x1, s26;
	[sflag:s18] =	ssyncset.done $0x0  }
0x9f: {  	s31 =	sshrl.u32 s5, $0x3;
	p0 =	sne.s32 s26, s16;
	[sflag:s18] =	ssyncadd.s32 $0xFFFFC000  }
.Ltmp2:
0xa0: {  	s28 =	sor.u32 $0x1C03, s28;
	[bflag:$0x0] =	sbarrier.arrive $0xFFFF;
	(pc) =	sbr.rel @p0 .LBB2_1-.Ltmp2, $4  }
0xa1: {  	[hbm:s15], [sflag:s28] =	dma.local [spmem:s31], $0x2780  }
0xa2: {  	_ =	swait.ge [sflag:s18], $0x2780  }
0xa3: {  	[sflag:s18] =	ssyncset.done $0x0  }
0xa4: {  	[sflag:s18] =	ssyncadd.s32 $0xFFFFD880  }
0xa5: {  	_ =	sfence.sel $0x180000  }
0xa6: {  	[bflag:$0x0] =	sbarrier.arrive $0xFFFF  }
0xa7: {  	p0 =	sne.s32 s2, $0x0;
	_ =	strace $0x9000004D  }
0xa8: {  	s0 =	sadd.s32 @!p0 $0x100000, s0;
	[bflag:$0x2] =	sbarrier.arrive $0xFFFF  }
0xa9: {  	[sflag:s0] =	ssyncadd.tile.s32 @!p0 $0x1;
	_ =	shalt  }
.Lfunc_end2:
_tile_overlayer_lowered:
.L_overlay_start_2:
0xaa: {  	(tag) =	ssettag $0x2  }
0xab: {  	s0 =	rddreg [dreg:$0x0];
	s2 =	stileid.u32  }
0xac: {  	s1 =	rddreg [dreg:$0x1];
	p0 =	sne.s32 s2, $0x0  }
0xad: {  	s3 =	rddreg [dreg:$0x2];
	[bflag:$0x3] =	sbarrier.arrive $0xFFFF;
	s2 =	simm.s32 @!p0 $0x1C03  }
0xae: {  	[timem:s3], [sflag:s2] =	dma.local @!p0 [hbm:s0], s1  }
0xaf: {  	s0 =	simm.s32 @!p0 $0x3  }
0xb0: {  	_ =	swait.ge @!p0 [sflag:s0], s1  }
0xb1: {  	s1 =	ssub.s32 @!p0 $0x0, s1;
	[sflag:s0] =	ssyncset.done @!p0 $0x0  }
0xb2: {  	[sflag:s0] =	ssyncadd.s32 @!p0 s1  }
0xb3: {  	[bflag:$0x3] =	sbarrier.arrive $0xFFFF  }
0xb4: {  	_ =	shalt  }

// kernel: kernel.9.cloned.1.call-start
scs
__scs_entry_jumppad:
0x0: {  	(pc) =	sbr.rel $0x88, $3  }
0x1: {  	(tag) =	ssettag $0x0;
	lr =	simm.s32 $0x1  }
0x2: {  	[smem:$0x3F9F] =	sst lr;
	_ =	strace $0xD0000000  }
0x3: {  	_ = 	snop  }
0x4: {  	_ = 	snop  }
0x5: {  	_ = 	snop  }
0x6: {  	_ = 	snop  }
0x7: {  	_ = 	snop  }
__scs_overlays_trampoline_lowered:
0x8: {  	[smem:$0x3FAE] =	sst s0  }
0x9: {  	[smem:$0x3FAF] =	sst s1  }
0xa: {  	[smem:$0x3FB0] =	sst s2  }
0xb: {  	[smem:$0x3FB1] =	sst s3  }
0xc: {  	[smem:$0x3FB2] =	sst s4  }
0xd: {  	[smem:$0x3FB3] =	sst s5  }
0xe: {  	[smem:$0x3FB4] =	sst s6  }
0xf: {  	[smem:$0x3FB5] =	sst s7  }
0x10: {  	[smem:$0x3FB6] =	sst s8  }
0x11: {  	[smem:$0x3FB7] =	sst s9;
	s0 =	simm.s32 @!p0 $0x0  }
0x12: {  	s1 =	sld [smem:$0x3F9D];
	s0 =	simm.s32 @p0 $0x1  }
0x13: {  	[smem:$0x3FB8] =	sst s0;
	s0 =	simm.s32 @!p1 $0x0  }
0x14: {  	s2 =	sld [smem:$0x3F9C];
	s0 =	simm.s32 @p1 $0x1  }
0x15: {  	[smem:$0x3FB9] =	sst s0;
	s0 =	simm.s32 @!p2 $0x0  }
0x16: {  	s3 =	sld [smem:$0x3FDB];
	s0 =	simm.s32 @p2 $0x1  }
0x17: {  	s4 =	simm.s32 $0x1BF5;
	[smem:$0x3FBB] =	sst s0  }
0x18: {  	s0 =	sld [smem:$0x3F9E];
	_ =	swait.ge [sflag:s4], $0x0  }
0x19: {  	s7 =	sld [smem:$0x3F9F]  }
0x1a: {  	s8 =	sadd.s32 $0xFFFFE003, lr  }
0x1b: {  	s9 =	sadd.s32 $0xFFFFFEF7, lr;
	s5 =	simm.s32 $0xFFFFFFFF;
	p2 =	slt.u32 s8, $0xFFFFF086  }
0x1c: {  	p1 =	slt.u32 s9, $0xF7A;
	s5 =	simm.s32 @!p2 $0x0  }
0x1d: {  	s5 =	simm.s32 @p1 $0x1;
	p0 =	seq.s32 s7, s2  }
0x1e: {  	s7 =	smul.u32 @!p0 $0xF7A, s2;
	p2 =	seq.s32 @!p0 s5, $0x0  }
0x1f: {  	s9 =	smul.u32 $0xF7A, s1;
	s8 =	simm.s32 @!p0 $0x1BF5;
	p2 =	por !p2, p0  }
0x20: {  	[sflag:s8] =	ssyncset.s32 @!p0 $0xFFFFF086;
	s6 =	sadd.s32 @!p0 s3, s7;
	s7 =	simm.s32 @!p0 $0x108  }
0x21: {  	s3 =	sadd.s32 s3, s9;
	s6 =	sadd.s32 @!p0 $0x88, s6;
	s7 =	simm.s32 @p2 $0x1082  }
0x22: {  	[simem:s7], [sflag:s8] =	dma.local @!p0 [hbm:s6], $0xF7A  }
0x23: {  	s9 =	sor.u32 $0xD0000000, s2;
	s6 =	simm.s32 $0x108;
	_ =	swait.ge @!p0 [sflag:s8], $0x0  }
0x24: {  	s3 =	sadd.s32 $0x88, s3;
	s6 =	simm.s32 @!p1 $0x1082;
	[sflag:s4] =	ssyncset.s32 $0xFFFFF086  }
0x25: {  	[simem:s6], [sflag:s4] =	dma.local [hbm:s3], $0xF7A  }
0x26: {  	[smem:$0x3F9F] =	sst s1;
	(tag) =	ssettag s2;
	_ =	strace s9  }
0x27: {  	s1 =	sld [smem:$0x3FAF]  }
0x28: {  	s2 =	sld [smem:$0x3FB0]  }
0x29: {  	s4 =	sld [smem:$0x3FB2]  }
0x2a: {  	p0 =	seq.s32 s5, $0x0;
	s5 =	sld [smem:$0x3FB3]  }
0x2b: {  	s6 =	sld [smem:$0x3FB4]  }
0x2c: {  	s7 =	sld [smem:$0x3FB5]  }
0x2d: {  	s3 =	simm.s32 $0x108;
	s8 =	sld [smem:$0x3FB6]  }
0x2e: {  	s3 =	simm.s32 @!p0 $0x1082;
	s9 =	sld [smem:$0x3FB7]  }
0x2f: {  	lr =	sadd.s32 s0, s3;
	s0 =	sld [smem:$0x3FAE]  }
0x30: {  	s3 =	sld [smem:$0x3FB1]  }
0x31: {  	[smem:$0x3FBA] =	sst s10  }
0x32: {  	s10 =	sld [smem:$0x3FB8];
	_ =	sdelay $0x3  }
0x33: {  	p0 =	seq.s32 s10, $0x1;
	s10 =	sld [smem:$0x3FBA];
	_ =	sdelay $0x3  }
0x34: {  	[smem:$0x3FBA] =	sst s10  }
0x35: {  	s10 =	sld [smem:$0x3FB9];
	_ =	sdelay $0x3  }
0x36: {  	p1 =	seq.s32 s10, $0x1;
	s10 =	sld [smem:$0x3FBA];
	_ =	sdelay $0x3  }
0x37: {  	[smem:$0x3FBA] =	sst s10  }
0x38: {  	s10 =	sld [smem:$0x3FBB]  }
0x39: {  	_ = 	snop;
	(pc) =	sbr.ind lr, $3  }
0x3a: {  	_ = 	snop  }
0x3b: {  	_ = 	snop  }
0x3c: {  	p2 =	seq.s32 s10, $0x1;
	s10 =	sld [smem:$0x3FBA]  }
0x3d: {  	_ =	shalt  }
0x3e: {  	_ =	shalt  }
0x3f: {  	_ =	shalt  }
0x40: {  	_ =	shalt  }
0x41: {  	_ =	shalt  }
0x42: {  	_ =	shalt  }
0x43: {  	_ =	shalt  }
0x44: {  	_ =	shalt  }
0x45: {  	_ =	shalt  }
0x46: {  	_ =	shalt  }
0x47: {  	_ =	shalt  }
0x48: {  	_ =	shalt  }
0x49: {  	_ =	shalt  }
0x4a: {  	_ =	shalt  }
0x4b: {  	_ =	shalt  }
0x4c: {  	_ =	shalt  }
0x4d: {  	_ =	shalt  }
0x4e: {  	_ =	shalt  }
0x4f: {  	_ =	shalt  }
0x50: {  	_ =	shalt  }
0x51: {  	_ =	shalt  }
0x52: {  	_ =	shalt  }
0x53: {  	_ =	shalt  }
0x54: {  	_ =	shalt  }
0x55: {  	_ =	shalt  }
0x56: {  	_ =	shalt  }
0x57: {  	_ =	shalt  }
0x58: {  	_ =	shalt  }
0x59: {  	_ =	shalt  }
0x5a: {  	_ =	shalt  }
0x5b: {  	_ =	shalt  }
0x5c: {  	_ =	shalt  }
0x5d: {  	_ =	shalt  }
0x5e: {  	_ =	shalt  }
0x5f: {  	_ =	shalt  }
0x60: {  	_ =	shalt  }
0x61: {  	_ =	shalt  }
0x62: {  	_ =	shalt  }
0x63: {  	_ =	shalt  }
0x64: {  	_ =	shalt  }
0x65: {  	_ =	shalt  }
0x66: {  	_ =	shalt  }
0x67: {  	_ =	shalt  }
0x68: {  	_ =	shalt  }
0x69: {  	_ =	shalt  }
0x6a: {  	_ =	shalt  }
0x6b: {  	_ =	shalt  }
0x6c: {  	_ =	shalt  }
0x6d: {  	_ =	shalt  }
0x6e: {  	_ =	shalt  }
0x6f: {  	_ =	shalt  }
0x70: {  	_ =	shalt  }
0x71: {  	_ =	shalt  }
0x72: {  	_ =	shalt  }
0x73: {  	_ =	shalt  }
0x74: {  	_ =	shalt  }
0x75: {  	_ =	shalt  }
0x76: {  	_ =	shalt  }
0x77: {  	_ =	shalt  }
0x78: {  	_ =	shalt  }
0x79: {  	_ =	shalt  }
0x7a: {  	_ =	shalt  }
0x7b: {  	_ =	shalt  }
0x7c: {  	_ =	shalt  }
0x7d: {  	_ =	shalt  }
0x7e: {  	_ =	shalt  }
0x7f: {  	_ =	shalt  }
0x80: {  	_ =	shalt  }
0x81: {  	_ =	shalt  }
0x82: {  	_ =	shalt  }
0x83: {  	_ =	shalt  }
0x84: {  	_ =	shalt  }
0x85: {  	_ =	shalt  }
0x86: {  	_ =	shalt  }
0x87: {  	_ =	shalt  }
.Lfunc_end0:
.L_simem_size_0:
called_computation_lowered:
.L_overlay_start_0:
0x88: {  	s2 =	sld [smem:$0x3FD9]  }
0x89: {  	s3 =	sld [smem:$0x3FFE];
	_ =	sdelay $0x1  }
0x8a: {  	s1 =	srdreg.scid  }
0x8b: {  	s0 =	sand.u32 $0x1, s1  }
0x8c: {  	s16 =	sshll.u32 s0, $0xA;
	s2 =	sadd.s32 s3, s2  }
0x8d: {  	s2 =	sadd.s32 s2, s16  }
0x8e: {  	[smem:$0x3FC6] =	sst s2  }
0x8f: {  	_ = 	snop  }
0x90: {  	(tm) =	ssettm $0x1  }
0x91: {  	s17 =	sld [smem:$0x3FFB];
	_ =	sdelay $0x3  }
0x92: {  	_ =	strace s17  }
0x93: {  	s2 =	sld [smem:$0x3FFC];
	_ =	sdelay $0x3  }
0x94: {  	_ =	strace s2  }
0x95: {  	s2 =	sld [smem:$0x3FFD];
	_ =	sdelay $0x3  }
0x96: {  	_ =	strace s2  }
0x97: {  	_ =	strace $0x8FFFFFFF  }
0x98: {  	s18 =	sld [smem:$0x3FDB];
	_ =	sdelay $0x1  }
0x99: {  	s19 =	simm.s32 $_scs_section_size  }
0x9a: {  	s4 =	simm.s32 $_size__tile_overlayer_lowered;
	s5 =	simm.s32 $_tile_overlayer_lowered  }
0x9b: {  	s22 =	simm.s32 $0x1BFF;
	s21 =	sshll.u32 s5, $0x1;
	s2 =	sadd.s32 s19, s18  }
0x9c: {  	s6 =	simm.s32 $0x0;
	s20 =	sshll.u32 s4, $0x1;
	s4 =	sadd.s32 s21, s2  }
0x9d: {  	[timem:s6], [sflag:s22] =	dma.local [hbm:s4], s20  }
0x9e: {  	_ =	swait.ge [sflag:s22], s20  }
0x9f: {  	s3 =	ssub.s32 $0x0, s20;
	[sflag:s22] =	ssyncset.done $0x0  }
0xa0: {  	[sflag:s22] =	ssyncadd.s32 s3;
	_ =	sdelay $0x1  }
0xa1: {  	s23 =	simm.s32 $0x1B8B  }
0xa2: {  	_ =	swait.ge [sflag:s23], $0x1  }
0xa3: {  	[sflag:s23] =	ssyncset.done $0x0  }
0xa4: {  	s25 =	simm.s32 $0x1B8E;
	s24 =	sld [smem:$0x3FFE];
	[sflag:s23] =	ssyncadd.s32 $0xFFFFFFFF  }
0xa5: {  	s26 =	simm.s32 $execute0_lowered;
	[smem:$0x3FD2] =	sst s25  }
0xa6: {  	s4 =	sshll.u32 s26, $0x1;
	_ =	strace $0x80000046;
	[dreg:$0x1] =	wrdreg $0xFFFFFFFF  }
0xa7: {  	s28 =	simm.s32 $_size_execute0_lowered;
	s2 =	sadd.s32 s2, s4;
	[dreg:$0x0] =	wrdreg $0x0  }
0xa8: {  	s4 =	sshll.u32 s28, $0x1;
	[dreg:$0x2] =	wrdreg s2  }
0xa9: {  	[dreg:$0x3] =	wrdreg s4  }
0xaa: {  	[dreg:$0x4] =	wrdreg $0xC0  }
0xab: {  	_ =	task [dreg:s6], $0x5FFFF  }
0xac: {  	[dreg:$0x1] =	wrdreg $0xFFFFFFFF  }
0xad: {  	[dreg:$0x0] =	wrdreg $0x60  }
0xae: {  	[dreg:$0x2] =	wrdreg s24  }
0xaf: {  	[dreg:$0x3] =	wrdreg $0xA8000  }
0xb0: {  	[dreg:$0x4] =	wrdreg $0x9  }
0xb1: {  	_ =	task.clear_ibuf [dreg:s6], $0x5FFFF;
	_ =	strace $0x90000046  }
0xb2: {  	s29 =	simm.s32 $0x9;
	_ =	strace $0x80000048  }
0xb3: {  	_ =	swait.ge [sflag:s29], $0x1  }
0xb4: {  	[sflag:s29] =	ssyncadd.s32 $0xFFFFFFFF  }
0xb5: {  	_ =	strace $0x90000048  }
0xb6: {  	_ =	sfence  }
0xb7: {  	s30 =	sld [smem:$0x0];
	_ =	sdelay $0x2  }
0xb8: {  	s31 =	sshll.u32 s1, $0xD;
	s1 =	sshrl.u32 s1, $0x2  }
0xb9: {  	s3 =	sand.u32 $0x4000, s31;
	s1 =	sadd.s32 s1, s30  }
0xba: {  	s0 =	sor.u32 s3, s0;
	s1 =	sshll.u32 s1, $0x11  }
0xbb: {  	s0 =	sor.u32 s1, s0  }
0xbc: {  	s0 =	sadd.s32 $0x8F2B, s0  }
0xbd: {  	[sflag:s0] =	ssyncadd.remote.s32 $0x1  }
0xbe: {  	_ =	sfence.sel $0xFFFF  }
0xbf: {  	[dreg:$0x0] =	wrdreg $0xFFFFFFFF;
	(pc) =	sbr.abs _section_cstart, $3  }
0xc0: {  	[dreg:$0x1] =	wrdreg $0xFFFFFFFF  }
0xc1: {  	_ =	task.clear_ibuf [dreg:s6], $0x2FFFF;
	_ =	strace $0x9FFFFFFF  }
0xc2: {  	(tm) =	ssettm $0x7FFFFFFF  }
0xc3: {  	_ =	shalt  }
tec
execute0_lowered:
.L_overlay_start_1:
0x0: {  	(tag) =	ssettag $0x1  }
0x1: {  	s5 =	rddreg [dreg:$0x0]  }
0x2: {  	s1 =	rddreg [dreg:$0x1]  }
0x3: {  	s0 =	rddreg [dreg:$0x2];
	s3 =	simm.s32 $0x0;
	s4 =	srdreg.scid  }
0x4: {  	s2 =	stileid.u32;
	s18 =	simm.s32 $0x3;
	s19 =	simm.s32 $0x1400  }
0x5: {  	s20 =	simm.s32 $0x80;
	s21 =	simm.s32 $0x6800;
	s22 =	simm.s32 $0x1  }
0x6: {  	s23 =	simm.s32 $0x2;
	s24 =	simm.s32 $0x2700;
	s25 =	simm.s32 $0x2780  }
0x7: {  	s26 =	simm.s32 $0x0;
	[smem:$0x7FF] =	sst s3;
	s6 =	sand.u32 $0x1, s4  }
0x8: {  	s7 =	sshll.u32 s2, $0x1;
	s8 =	smul.u32 $0x2780, s2;
	s4 =	sadd.s32 $0x3400, s5  }
0x9: {  	s13 =	sadd.s32 $0x2A600, s5;
	s11 =	smul.u32 $0x4F000, s2;
	s14 =	sadd.s32 $0x34600, s5  }
0xa: {  	_ =	strace $0x80000047;
	s7 =	sor.u32 s6, s7;
	s9 =	smul.u32 $0x27800, s6  }
0xb: {  	s6 =	ssub.s32 $0x2, s6;
	s10 =	sshll.u32 s7, $0xB;
	s29 =	sshrl.u32 s11, $0x2  }
0xc: {  	s30 =	sshrl.u32 s6, $0x1;
	s31 =	smul.u32 $0x2800, s7;
	s8 =	sadd.s32 s8, s9  }
0xd: {  	s10 =	sadd.s32 s10, s5;
	s16 =	ssub.s32 s6, s30;
	s15 =	sadd.s32 s8, s5  }
0xe: {  	s5 =	sadd.s32 s29, s1;
	s6 =	sadd.s32 $0x3E600, s10;
	s12 =	sshrl.u32 s31, $0x3  }
0xf: {  	s16 =	smax.u32 s16, $0x1;
	s7 =	sadd.s32 $0x4000, s5;
	s8 =	sadd.s32 $0x8000, s5  }
0x10: {  	s9 =	sadd.s32 $0xC000, s5;
	s10 =	sadd.s32 $0x10000, s5;
	s11 =	sadd.s32 s13, s12  }
0x11: {  	s17 =	sadd.s32 $0x280, s12;
	s12 =	sadd.s32 s14, s12;
	s15 =	sadd.s32 $0x4E600, s15  }
0x12: {  	s13 =	sadd.s32 s13, s17;
	s14 =	sadd.s32 s14, s17;
	s17 =	simm.s32 $0x2800  }
.LBB2_1:
0x13: {  	[tilespmem:s17], [sflag:$0x3] =	stream.linear.gather [hbm4b:s6+s3], $0x4000, $0x38;
	[tilespmem:$0x1E400] =	vst v63  }
0x14: {  	_ =	swait.ge [sflag:s18], $0x4000  }
0x15: {  	[sflag:s18] =	ssyncset.done $0x0  }
0x16: {  	[sflag:s18] =	ssyncadd.s32 $0xFFFFC000  }
0x17: {  	[spmem:s5] =	stream.linear.scatter [tilespmem:s17], [sflag:$0x3], $0x4000, $0x38;
	[tilespmem:$0x1E400] =	vst v63  }
0x18: {  	_ =	swait.ge [sflag:s18], $0x4000  }
0x19: {  	[sflag:s18] =	ssyncset.done $0x0  }
0x1a: {  	[sflag:s18] =	ssyncadd.s32 $0xFFFFC000  }
0x1b: {  	[spmem:s7] =	stream.linear.scatter [tilespmem:s17], [sflag:$0x3], $0x4000, $0x38;
	[tilespmem:$0x1E400] =	vst v63  }
0x1c: {  	_ =	swait.ge [sflag:s18], $0x4000  }
0x1d: {  	[sflag:s18] =	ssyncset.done $0x0  }
0x1e: {  	[sflag:s18] =	ssyncadd.s32 $0xFFFFC000  }
0x1f: {  	[spmem:s8] =	stream.linear.scatter [tilespmem:s17], [sflag:$0x3], $0x4000, $0x38;
	[tilespmem:$0x1E400] =	vst v63  }
0x20: {  	_ =	swait.ge [sflag:s18], $0x4000  }
0x21: {  	[sflag:s18] =	ssyncset.done $0x0  }
0x22: {  	[sflag:s18] =	ssyncadd.s32 $0xFFFFC000  }
0x23: {  	[spmem:s9] =	stream.linear.scatter [tilespmem:s17], [sflag:$0x3], $0x4000, $0x38;
	[tilespmem:$0x1E400] =	vst v63  }
0x24: {  	_ =	swait.ge [sflag:s18], $0x4000  }
0x25: {  	[sflag:s18] =	ssyncset.done $0x0  }
0x26: {  	[sflag:s18] =	ssyncadd.s32 $0xFFFFC000  }
0x27: {  	[spmem:s10] =	stream.linear.scatter [tilespmem:s17], [sflag:$0x3], $0x3C00, $0x38;
	[tilespmem:$0x1E400] =	vst v63  }
0x28: {  	_ =	swait.ge [sflag:s18], $0x3C00  }
0x29: {  	[sflag:s18] =	ssyncset.done $0x0  }
0x2a: {  	[sflag:s18] =	ssyncadd.s32 $0xFFFFC400  }
0x2b: {  	[bflag:$0x0] =	sbarrier.arrive $0xFFFF  }
0x2c: {  	[tilespmem:s3], [sflag:$0x3] =	stream.linear.gather [hbm4b:s11+s3], $0x1400, $0x38;
	[tilespmem:$0x1E400] =	vst v63  }
0x2d: {  	_ =	swait.ge [sflag:s18], $0x1400  }
0x2e: {  	[sflag:s18] =	ssyncset.done $0x0  }
0x2f: {  	[sflag:s18] =	ssyncadd.s32 $0xFFFFEC00  }
0x30: {  	[tilespmem:s19], [sflag:$0x3] =	stream.linear.gather [hbm4b:s12+s3], $0x1400, $0x38;
	[tilespmem:$0x1E400] =	vst v63  }
0x31: {  	_ =	swait.ge [sflag:s18], $0x1400  }
0x32: {  	[sflag:s18] =	ssyncset.done $0x0  }
0x33: {  	[sflag:s18] =	ssyncadd.s32 $0xFFFFEC00  }
0x34: {  	[tilespmem:s17], [sflag:$0x1] =	stream.indirect.gather [hbm4b:s4+s20], $0x80, s3, s20, $0xb8;
	[tilespmem:$0x1E400] =	vst v63  }
0x35: {  	_ = 	snop  }
0x36: {  	[tilespmem:s21], [sflag:$0x2] =	stream.indirect.gather [hbm4b:s4+s20], $0x80, s20, s20, $0xb8;
	[tilespmem:$0x1E400] =	vst v63  }
0x37: {  	_ =	swait.ge [sflag:s22], $0x4000  }
0x38: {  	[sflag:s22] =	ssyncset.done $0x0  }
0x39: {  	s28 =	simm.s32 $0x1400;
	[sflag:s22] =	ssyncadd.s32 $0xFFFFC000  }
0x3a: {  	[spmem:s1] =	stream.indirect.scatter.add.f32 [tilespmem:s17], [sflag:$0x3], $0x80, s28, s20, $0xb8;
	[tilespmem:$0x1E400] =	vst v63  }
0x3b: {  	_ =	swait.ge [sflag:s18], $0x4000  }
0x3c: {  	[sflag:s18] =	ssyncset.done $0x0  }
0x3d: {  	s28 =	simm.s32 $0x100;
	[sflag:s18] =	ssyncadd.s32 $0xFFFFC000  }
0x3e: {  	[tilespmem:s17], [sflag:$0x1] =	stream.indirect.gather [hbm4b:s4+s20], $0x80, s28, s20, $0xb8;
	[tilespmem:$0x1E400] =	vst v63  }
0x3f: {  	_ =	swait.ge [sflag:s23], $0x4000  }
0x40: {  	[sflag:s23] =	ssyncset.done $0x0  }
0x41: {  	s28 =	simm.s32 $0x1480;
	[sflag:s23] =	ssyncadd.s32 $0xFFFFC000  }
0x42: {  	[spmem:s1] =	stream.indirect.scatter.add.f32 [tilespmem:s21], [sflag:$0x3], $0x80, s28, s20, $0xb8;
	[tilespmem:$0x1E400] =	vst v63  }
0x43: {  	_ =	swait.ge [sflag:s18], $0x4000  }
0x44: {  	[sflag:s18] =	ssyncset.done $0x0  }
0x45: {  	s29 =	simm.s32 $0x180;
	s28 =	simm.s32 $0x400;
	[sflag:s18] =	ssyncadd.s32 $0xFFFFC000  }
.LBB2_2:
0x46: {  	[tilespmem:s21], [sflag:$0x2] =	stream.indirect.gather [hbm4b:s4+s20], $0x80, s29, s20, $0xb8;
	[tilespmem:$0x1E400] =	vst v63  }
0x47: {  	s29 =	smov.u32 s28  }
0x48: {  	p0 =	sne.s32 s28, $0x4800;
	s28 =	sadd.s32 $0x400, s28;
	_ =	swait.ge [sflag:s22], $0x4000  }
0x49: {  	s29 =	sshra.s32 s29, $0x2;
	[sflag:s22] =	ssyncset.done $0x0  }
0x4a: {  	s30 =	sadd.s32 $0x1400, s29;
	[sflag:s22] =	ssyncadd.s32 $0xFFFFC000  }
0x4b: {  	[spmem:s1] =	stream.indirect.scatter.add.f32 [tilespmem:s17], [sflag:$0x3], $0x80, s30, s20, $0xb8;
	[tilespmem:$0x1E400] =	vst v63  }
0x4c: {  	_ =	swait.ge [sflag:s18], $0x4000  }
0x4d: {  	[sflag:s18] =	ssyncset.done $0x0  }
0x4e: {  	s30 =	sadd.s32 $0x100, s29;
	[sflag:s18] =	ssyncadd.s32 $0xFFFFC000  }
0x4f: {  	[tilespmem:s17], [sflag:$0x1] =	stream.indirect.gather [hbm4b:s4+s20], $0x80, s30, s20, $0xb8;
	[tilespmem:$0x1E400] =	vst v63  }
0x50: {  	_ =	swait.ge [sflag:s23], $0x4000  }
0x51: {  	[sflag:s23] =	ssyncset.done $0x0  }
.Ltmp0:
0x52: {  	s30 =	sadd.s32 $0x1480, s29;
	[sflag:s23] =	ssyncadd.s32 $0xFFFFC000;
	(pc) =	sbr.rel @p0 .LBB2_2-.Ltmp0, $4  }
0x53: {  	[spmem:s1] =	stream.indirect.scatter.add.f32 [tilespmem:s21], [sflag:$0x3], $0x80, s30, s20, $0xb8;
	[tilespmem:$0x1E400] =	vst v63  }
0x54: {  	_ =	swait.ge [sflag:s18], $0x4000  }
0x55: {  	[sflag:s18] =	ssyncset.done $0x0  }
0x56: {  	s29 =	sadd.s32 $0x180, s29;
	[sflag:s18] =	ssyncadd.s32 $0xFFFFC000  }
0x57: {  	[tilespmem:s21], [sflag:$0x2] =	stream.indirect.gather [hbm4b:s4+s20], $0x80, s29, s20, $0xb8;
	[tilespmem:$0x1E400] =	vst v63  }
0x58: {  	_ =	swait.ge [sflag:s22], $0x4000  }
0x59: {  	[sflag:s22] =	ssyncset.done $0x0  }
0x5a: {  	[sflag:s22] =	ssyncadd.s32 $0xFFFFC000  }
0x5b: {  	[spmem:s1] =	stream.indirect.scatter.add.f32 [tilespmem:s17], [sflag:$0x3], $0x80, s24, s20, $0xb8;
	[tilespmem:$0x1E400] =	vst v63  }
0x5c: {  	_ =	swait.ge [sflag:s18], $0x4000  }
0x5d: {  	[sflag:s18] =	ssyncset.done $0x0  }
0x5e: {  	[sflag:s18] =	ssyncadd.s32 $0xFFFFC000  }
0x5f: {  	_ =	swait.ge [sflag:s23], $0x4000  }
0x60: {  	[sflag:s23] =	ssyncset.done $0x0  }
0x61: {  	[sflag:s23] =	ssyncadd.s32 $0xFFFFC000  }
0x62: {  	[spmem:s1] =	stream.indirect.scatter.add.f32 [tilespmem:s21], [sflag:$0x3], $0x80, s25, s20, $0xb8;
	[tilespmem:$0x1E400] =	vst v63  }
0x63: {  	_ =	swait.ge [sflag:s18], $0x4000  }
0x64: {  	[sflag:s18] =	ssyncset.done $0x0  }
0x65: {  	s28 =	simm.s32 $0x0;
	[sflag:s18] =	ssyncadd.s32 $0xFFFFC000  }
0x66: {  	[tilespmem:s28], [sflag:$0x3] =	stream.linear.gather [hbm4b:s13+s28], $0x1400, $0x38;
	[tilespmem:$0x1E400] =	vst v63  }
0x67: {  	_ =	swait.ge [sflag:s18], $0x1400  }
0x68: {  	[sflag:s18] =	ssyncset.done $0x0  }
0x69: {  	[sflag:s18] =	ssyncadd.s32 $0xFFFFEC00  }
0x6a: {  	[tilespmem:s19], [sflag:$0x3] =	stream.linear.gather [hbm4b:s14+s28], $0x1400, $0x38;
	[tilespmem:$0x1E400] =	vst v63  }
0x6b: {  	_ =	swait.ge [sflag:s18], $0x1400  }
0x6c: {  	[sflag:s18] =	ssyncset.done $0x0  }
0x6d: {  	[sflag:s18] =	ssyncadd.s32 $0xFFFFEC00  }
0x6e: {  	[tilespmem:s17], [sflag:$0x1] =	stream.indirect.gather [hbm4b:s4+s20], $0x80, s28, s20, $0xb8;
	[tilespmem:$0x1E400] =	vst v63  }
0x6f: {  	_ = 	snop  }
0x70: {  	[tilespmem:s21], [sflag:$0x2] =	stream.indirect.gather [hbm4b:s4+s20], $0x80, s20, s20, $0xb8;
	[tilespmem:$0x1E400] =	vst v63  }
0x71: {  	_ =	swait.ge [sflag:s22], $0x4000  }
0x72: {  	[sflag:s22] =	ssyncset.done $0x0  }
0x73: {  	s28 =	simm.s32 $0x1400;
	[sflag:s22] =	ssyncadd.s32 $0xFFFFC000  }
0x74: {  	[spmem:s1] =	stream.indirect.scatter.add.f32 [tilespmem:s17], [sflag:$0x3], $0x80, s28, s20, $0xb8;
	[tilespmem:$0x1E400] =	vst v63  }
0x75: {  	_ =	swait.ge [sflag:s18], $0x4000  }
0x76: {  	[sflag:s18] =	ssyncset.done $0x0  }
0x77: {  	s28 =	simm.s32 $0x100;
	[sflag:s18] =	ssyncadd.s32 $0xFFFFC000  }
0x78: {  	[tilespmem:s17], [sflag:$0x1] =	stream.indirect.gather [hbm4b:s4+s20], $0x80, s28, s20, $0xb8;
	[tilespmem:$0x1E400] =	vst v63  }
0x79: {  	_ =	swait.ge [sflag:s23], $0x4000  }
0x7a: {  	[sflag:s23] =	ssyncset.done $0x0  }
0x7b: {  	s28 =	simm.s32 $0x1480;
	[sflag:s23] =	ssyncadd.s32 $0xFFFFC000  }
0x7c: {  	[spmem:s1] =	stream.indirect.scatter.add.f32 [tilespmem:s21], [sflag:$0x3], $0x80, s28, s20, $0xb8;
	[tilespmem:$0x1E400] =	vst v63  }
0x7d: {  	_ =	swait.ge [sflag:s18], $0x4000  }
0x7e: {  	[sflag:s18] =	ssyncset.done $0x0  }
0x7f: {  	s29 =	simm.s32 $0x180;
	s28 =	simm.s32 $0x400;
	[sflag:s18] =	ssyncadd.s32 $0xFFFFC000  }
.LBB2_4:
0x80: {  	[tilespmem:s21], [sflag:$0x2] =	stream.indirect.gather [hbm4b:s4+s20], $0x80, s29, s20, $0xb8;
	[tilespmem:$0x1E400] =	vst v63  }
0x81: {  	s29 =	smov.u32 s28  }
0x82: {  	p0 =	sne.s32 s28, $0x4800;
	s28 =	sadd.s32 $0x400, s28;
	_ =	swait.ge [sflag:s22], $0x4000  }
0x83: {  	s29 =	sshra.s32 s29, $0x2;
	[sflag:s22] =	ssyncset.done $0x0  }
0x84: {  	s30 =	sadd.s32 $0x1400, s29;
	[sflag:s22] =	ssyncadd.s32 $0xFFFFC000  }
0x85: {  	[spmem:s1] =	stream.indirect.scatter.add.f32 [tilespmem:s17], [sflag:$0x3], $0x80, s30, s20, $0xb8;
	[tilespmem:$0x1E400] =	vst v63  }
0x86: {  	_ =	swait.ge [sflag:s18], $0x4000  }
0x87: {  	[sflag:s18] =	ssyncset.done $0x0  }
0x88: {  	s30 =	sadd.s32 $0x100, s29;
	[sflag:s18] =	ssyncadd.s32 $0xFFFFC000  }
0x89: {  	[tilespmem:s17], [sflag:$0x1] =	stream.indirect.gather [hbm4b:s4+s20], $0x80, s30, s20, $0xb8;
	[tilespmem:$0x1E400] =	vst v63  }
0x8a: {  	_ =	swait.ge [sflag:s23], $0x4000  }
0x8b: {  	[sflag:s23] =	ssyncset.done $0x0  }
.Ltmp1:
0x8c: {  	s30 =	sadd.s32 $0x1480, s29;
	[sflag:s23] =	ssyncadd.s32 $0xFFFFC000;
	(pc) =	sbr.rel @p0 .LBB2_4-.Ltmp1, $4  }
0x8d: {  	[spmem:s1] =	stream.indirect.scatter.add.f32 [tilespmem:s21], [sflag:$0x3], $0x80, s30, s20, $0xb8;
	[tilespmem:$0x1E400] =	vst v63  }
0x8e: {  	_ =	swait.ge [sflag:s18], $0x4000  }
0x8f: {  	[sflag:s18] =	ssyncset.done $0x0  }
0x90: {  	s29 =	sadd.s32 $0x180, s29;
	[sflag:s18] =	ssyncadd.s32 $0xFFFFC000  }
0x91: {  	[tilespmem:s21], [sflag:$0x2] =	stream.indirect.gather [hbm4b:s4+s20], $0x80, s29, s20, $0xb8;
	[tilespmem:$0x1E400] =	vst v63  }
0x92: {  	_ =	swait.ge [sflag:s22], $0x4000  }
0x93: {  	[sflag:s22] =	ssyncset.done $0x0  }
0x94: {  	[sflag:s22] =	ssyncadd.s32 $0xFFFFC000  }
0x95: {  	[spmem:s1] =	stream.indirect.scatter.add.f32 [tilespmem:s17], [sflag:$0x3], $0x80, s24, s20, $0xb8;
	[tilespmem:$0x1E400] =	vst v63  }
0x96: {  	_ =	swait.ge [sflag:s18], $0x4000  }
0x97: {  	[sflag:s18] =	ssyncset.done $0x0  }
0x98: {  	[sflag:s18] =	ssyncadd.s32 $0xFFFFC000  }
0x99: {  	_ =	swait.ge [sflag:s23], $0x4000  }
0x9a: {  	[sflag:s23] =	ssyncset.done $0x0  }
0x9b: {  	[sflag:s23] =	ssyncadd.s32 $0xFFFFC000  }
0x9c: {  	[spmem:s1] =	stream.indirect.scatter.add.f32 [tilespmem:s21], [sflag:$0x3], $0x80, s25, s20, $0xb8;
	[tilespmem:$0x1E400] =	vst v63  }
0x9d: {  	_ =	swait.ge [sflag:s18], $0x4000  }
0x9e: {  	s28 =	sshll.u32 s2, $0x6;
	s26 =	sadd.s32 $0x1, s26;
	[sflag:s18] =	ssyncset.done $0x0  }
0x9f: {  	s31 =	sshrl.u32 s5, $0x3;
	p0 =	sne.s32 s26, s16;
	[sflag:s18] =	ssyncadd.s32 $0xFFFFC000  }
.Ltmp2:
0xa0: {  	s28 =	sor.u32 $0x1C03, s28;
	[bflag:$0x0] =	sbarrier.arrive $0xFFFF;
	(pc) =	sbr.rel @p0 .LBB2_1-.Ltmp2, $4  }
0xa1: {  	[hbm:s15], [sflag:s28] =	dma.local [spmem:s31], $0x2780  }
0xa2: {  	_ =	swait.ge [sflag:s18], $0x2780  }
0xa3: {  	[sflag:s18] =	ssyncset.done $0x0  }
0xa4: {  	[sflag:s18] =	ssyncadd.s32 $0xFFFFD880  }
0xa5: {  	_ =	sfence.sel $0x180000  }
0xa6: {  	[bflag:$0x0] =	sbarrier.arrive $0xFFFF  }
0xa7: {  	p0 =	sne.s32 s2, $0x0;
	_ =	strace $0x90000047  }
0xa8: {  	s0 =	sadd.s32 @!p0 $0x100000, s0;
	[bflag:$0x2] =	sbarrier.arrive $0xFFFF  }
0xa9: {  	[sflag:s0] =	ssyncadd.tile.s32 @!p0 $0x1;
	_ =	shalt  }
.Lfunc_end2:
_tile_overlayer_lowered:
.L_overlay_start_2:
0xaa: {  	(tag) =	ssettag $0x2  }
0xab: {  	s0 =	rddreg [dreg:$0x0];
	s2 =	stileid.u32  }
0xac: {  	s1 =	rddreg [dreg:$0x1];
	p0 =	sne.s32 s2, $0x0  }
0xad: {  	s3 =	rddreg [dreg:$0x2];
	[bflag:$0x3] =	sbarrier.arrive $0xFFFF;
	s2 =	simm.s32 @!p0 $0x1C03  }
0xae: {  	[timem:s3], [sflag:s2] =	dma.local @!p0 [hbm:s0], s1  }
0xaf: {  	s0 =	simm.s32 @!p0 $0x3  }
0xb0: {  	_ =	swait.ge @!p0 [sflag:s0], s1  }
0xb1: {  	s1 =	ssub.s32 @!p0 $0x0, s1;
	[sflag:s0] =	ssyncset.done @!p0 $0x0  }
0xb2: {  	[sflag:s0] =	ssyncadd.s32 @!p0 s1  }
0xb3: {  	[bflag:$0x3] =	sbarrier.arrive $0xFFFF  }
0xb4: {  	_ =	shalt  }

</sc_bundles>
